<compile_context>
chip_gen: v7x
topology: tpu7x:2x2x1
jax: 0.10.2.dev20260603
libtpu: 0.0.44.dev20260713+nightly
codegen_flags: <defaults>
</compile_context>

<pallas_src>
import functools

import jax
import jax.numpy as jnp
from jax import lax
from jax.experimental import pallas as pl
from jax.experimental.pallas import tpu as pltpu
from jax.experimental.pallas import tpu_sc as plsc

DIM = 64
MAXPOS = 200
LANE = 16
NCH = DIM // LANE
K = 128
UNROLL = 4
EPS = 1e-5


@functools.lru_cache(maxsize=None)
def _build(N):
    info = plsc.get_sparse_core_info()
    nc, ns = info.num_cores, info.num_subcores
    nw = nc * ns
    tok_w = N // nw
    nchunk = tok_w // K
    assert tok_w % K == 0 and nchunk % 2 == 0

    mesh = plsc.VectorSubcoreMesh(core_axis_name="c", subcore_axis_name="s")

    @functools.partial(
        pl.kernel,
        mesh=mesh,
        out_type=jax.ShapeDtypeStruct((N, DIM), jnp.float32),
        scratch_types=[
            pltpu.VMEM((nchunk, K), jnp.int32),
            pltpu.VMEM((K, 128), jnp.float32),
            pltpu.VMEM((K, 128), jnp.float32),
            pltpu.VMEM((K, DIM), jnp.float32),
            pltpu.VMEM((K, DIM), jnp.float32),
            pltpu.VMEM((MAXPOS, DIM), jnp.float32),
            pltpu.VMEM((DIM,), jnp.float32),
            pltpu.VMEM((DIM,), jnp.float32),
            pltpu.SemaphoreType.DMA,
            pltpu.SemaphoreType.DMA,
            pltpu.SemaphoreType.DMA,
            pltpu.SemaphoreType.DMA,
        ],
    )
    def emb(x_hbm, wt_hbm, pos_hbm, g_hbm, b_hbm, out_hbm,
            idx_v, rows0_v, rows1_v, o0_v, o1_v,
            pos_v, g_v, b_v, semg0, semg1, semw0, semw1):
        wid = lax.axis_index("s") * nc + lax.axis_index("c")
        base = wid * tok_w
        pltpu.sync_copy(x_hbm.at[pl.ds(wid * nchunk, nchunk)], idx_v)
        pltpu.sync_copy(pos_hbm, pos_v)
        pltpu.sync_copy(g_hbm, g_v)
        pltpu.sync_copy(b_hbm, b_v)
        gs = [g_v[pl.ds(c * LANE, LANE)] for c in range(NCH)]
        bs = [b_v[pl.ds(c * LANE, LANE)] for c in range(NCH)]
        lanes = lax.iota(jnp.int32, LANE)
        perms = [lanes ^ sh for sh in (8, 4, 2, 1)]
        rbufs = (rows0_v, rows1_v)
        obufs = (o0_v, o1_v)
        semg = (semg0, semg1)
        semw = (semw0, semw1)

        def lane_sum(v):
            for p in perms:
                v = v + v.at[p].get(mode="promise_in_bounds")
            return v

        def g_copy(ci, par):
            return pltpu.make_async_copy(wt_hbm.at[idx_v.at[ci]],
                                         rbufs[par], semg[par])

        def w_copy(ci, par):
            off = pl.multiple_of(base + ci * K, K)
            return pltpu.make_async_copy(obufs[par], out_hbm.at[pl.ds(off, K)],
                                         semw[par])

        def fire(ci, par):
            g_copy(ci, par).start()

        def compute(ci, par):
            off = pl.multiple_of(base + ci * K, K)
            rows_v = rbufs[par]
            o_v = obufs[par]
            p_base = lax.rem(off, MAXPOS)

            @plsc.parallel_loop(0, K, 1, unroll=UNROLL)
            def _tok(j):
                pj = p_base + j
                pj = jnp.where(pj >= MAXPOS, pj - MAXPOS, pj)
                hs = [rows_v[j, pl.ds(c * LANE, LANE)]
                      + pos_v[pj, pl.ds(c * LANE, LANE)] for c in range(NCH)]
                tot = (hs[0] + hs[1]) + (hs[2] + hs[3])
                sq = [h * h for h in hs]
                tsq = (sq[0] + sq[1]) + (sq[2] + sq[3])
                mean = lane_sum(tot) * (1.0 / DIM)
                ex2 = lane_sum(tsq) * (1.0 / DIM)
                v = ex2 - mean * mean + EPS
                bits = lax.bitcast_convert_type(v, jnp.int32)
                y = lax.bitcast_convert_type(
                    jnp.full((LANE,), 0x5F3759DF, jnp.int32) - (bits >> 1),
                    jnp.float32)
                vh = 0.5 * v
                y = y * (1.5 - vh * y * y)
                y = y * (1.5 - vh * y * y)
                for c in range(NCH):
                    o_v[j, pl.ds(c * LANE, LANE)] = \
                        (hs[c] - mean) * (y * gs[c]) + bs[c]

        fire(0, 0)
        fire(1, 1)
        g_copy(0, 0).wait()
        compute(0, 0)
        w_copy(0, 0).start()

        def pair(i, _):
            for h in range(2):
                ci = 1 + 2 * i + h
                par = 1 - h
                w_copy(ci - 1, h).wait()
                fire(ci + 1, h)
                g_copy(ci, par).wait()
                compute(ci, par)
                w_copy(ci, par).start()
            return 0

        lax.fori_loop(0, (nchunk - 2) // 2, pair, 0)
        ci = nchunk - 1
        g_copy(ci, 1).wait()
        compute(ci, 1)
        w_copy(ci, 1).start()
        w_copy(ci - 1, 0).wait()
        w_copy(ci, 1).wait()

    return emb


def kernel(x, word_table, pos_table, gamma, beta):
    b, s = x.shape
    n = b * s
    x2 = x.reshape(n // K, K)
    wt2 = jnp.pad(word_table, ((0, 0), (0, DIM)))
    out = _build(n)(x2, wt2, pos_table, gamma, beta)
    return out.reshape(b, s, DIM)

# --- scband reference (transcript-rebuilt; emitter-appended) ---
"""Pipeline reference for scband-decoder-embeddings-20667382628561 (READ-ONLY COPY).

The authoritative reference and input builder live on the scoring server;
editing this copy changes nothing except your own understanding.
"""

import jax, jax.numpy as jnp
import numpy as np

VOCAB = 1000000
DIM = 64
PAD = 0
MAXPOS = 200
B = 4096
S = 200


def setup_inputs(seed: int = 0) -> dict:
    key = jax.random.key(seed)
    k1, k2, k3 = jax.random.split(key, 3)
    x = jax.random.randint(k1, (B, S), 0, VOCAB, dtype=jnp.int64 if jax.config.jax_enable_x64 else jnp.int32).astype(jnp.int32)
    word_table = jax.random.normal(k2, (VOCAB, DIM), dtype=jnp.float32) * 0.02
    # padding_idx row is zero in torch nn.Embedding
    word_table = word_table.at[PAD].set(0.0)
    pos_table = jax.random.normal(k3, (MAXPOS, DIM), dtype=jnp.float32) * 0.02
    gamma = jnp.ones((DIM,), dtype=jnp.float32)
    beta = jnp.zeros((DIM,), dtype=jnp.float32)
    return {"x": x, "word_table": word_table, "pos_table": pos_table, "gamma": gamma, "beta": beta}


def _layer_norm(h, gamma, beta, eps=1e-5):
    mean = jnp.mean(h, axis=-1, keepdims=True)
    var = jnp.mean((h - mean) ** 2, axis=-1, keepdims=True)
    return (h - mean) / jnp.sqrt(var + eps) * gamma + beta


def reference(x, word_table, pos_table, gamma, beta):
    seq_length = x.shape[1]
    position_ids = jnp.arange(seq_length, dtype=jnp.int32)[None, :]  # [1, S], broadcast over batch
    input_embeds = jnp.take(word_table, x, axis=0)          # gather [B, S, D]
    position_embeds = jnp.take(pos_table, position_ids, axis=0)  # [1, S, D]
    embeddings = input_embeds + position_embeds
    embeddings = _layer_norm(embeddings, gamma, beta)
    return embeddings

if __name__ == "__main__":
    import jax
    _d = setup_inputs()
    print(jax.jit(kernel)(*tuple(_d.values())))

</pallas_src>

<mosaic_0001>
#map = affine_map<(d0, d1) -> (0, 0)>
#map1 = affine_map<(d0, d1) -> (0)>
module attributes {stable_mosaic.version = 14 : i64} {
  func.func @emb(%arg0: i32, %arg1: i32, %arg2: memref<6400x128xi32, #tpu.memory_space<hbm>>, %arg3: memref<1000000x128xf32, #tpu.memory_space<hbm>>, %arg4: memref<200x64xf32, #tpu.memory_space<hbm>>, %arg5: memref<64xf32, #tpu.memory_space<hbm>>, %arg6: memref<64xf32, #tpu.memory_space<hbm>>, %arg7: memref<819200x64xf32, #tpu.memory_space<hbm>>, %arg8: memref<200x128xi32, #tpu.memory_space<vmem>>, %arg9: memref<128x128xf32, #tpu.memory_space<vmem>>, %arg10: memref<128x128xf32, #tpu.memory_space<vmem>>, %arg11: memref<128x64xf32, #tpu.memory_space<vmem>>, %arg12: memref<128x64xf32, #tpu.memory_space<vmem>>, %arg13: memref<200x64xf32, #tpu.memory_space<vmem>>, %arg14: memref<64xf32, #tpu.memory_space<vmem>>, %arg15: memref<64xf32, #tpu.memory_space<vmem>>, %arg16: memref<!tpu.dma_semaphore, #tpu.memory_space<semaphore_mem>>, %arg17: memref<!tpu.dma_semaphore, #tpu.memory_space<semaphore_mem>>, %arg18: memref<!tpu.dma_semaphore, #tpu.memory_space<semaphore_mem>>, %arg19: memref<!tpu.dma_semaphore, #tpu.memory_space<semaphore_mem>>) attributes {dimension_semantics = [#tpu.dimension_semantics<core_parallel>, #tpu.dimension_semantics<subcore_parallel>], iteration_bounds = array<i64: 2, 16>, scalar_prefetch = 0 : i64, scratch_operands = 12 : i64, tpu.core_type = #tpu.core_type<sc_vector_subcore>, window_params = [{transform_indices = #map}, {transform_indices = #map}, {transform_indices = #map}, {transform_indices = #map1}, {transform_indices = #map1}, {transform_indices = #map}]} {
    %mul3A = arith.constant 2 : i32
    %mul3A_0 = arith.muli %arg1, %mul3A : i32
    %add3A = arith.addi %mul3A_0, %arg0 : i32
    %mul3A_1 = arith.constant 25600 : i32
    %mul3A_2 = arith.muli %add3A, %mul3A_1 : i32
    %mul3A_3 = arith.constant 200 : i32
    %mul3A_4 = arith.muli %add3A, %mul3A_3 : i32
    "tpu.region"() ({
      %run_scoped3A = tpu.sem_alloc : memref<!tpu.dma_semaphore, #tpu.memory_space<semaphore_mem>>
      %dma_start3A_112 = arith.constant 0 : i32
      %dma_start3A_113 = tpu.memref_slice %arg2[%mul3A_4, %dma_start3A_112] : memref<6400x128xi32, #tpu.memory_space<hbm>> -> memref<200x128xi32, #tpu.memory_space<hbm>>
      %dma_start3A_114 = arith.constant 0 : i32
      %dma_start3A_115 = tpu.memref_slice %arg2[%mul3A_4, %dma_start3A_114] : memref<6400x128xi32, #tpu.memory_space<hbm>> -> memref<200x128xi32, #tpu.memory_space<hbm>>
      tpu.enqueue_dma source(%dma_start3A_115 : memref<200x128xi32, #tpu.memory_space<hbm>>) target(%arg8 : memref<200x128xi32, #tpu.memory_space<vmem>>) target_semaphore(%run_scoped3A : memref<!tpu.dma_semaphore, #tpu.memory_space<semaphore_mem>>)
      %dma_wait3A_116 = arith.constant 0 : i32
      %dma_wait3A_117 = tpu.memref_slice %arg2[%mul3A_4, %dma_wait3A_116] : memref<6400x128xi32, #tpu.memory_space<hbm>> -> memref<200x128xi32, #tpu.memory_space<hbm>>
      %dma_wait3A_118 = arith.constant 0 : i32
      %dma_wait3A_119 = tpu.memref_slice %arg2[%mul3A_4, %dma_wait3A_118] : memref<6400x128xi32, #tpu.memory_space<hbm>> -> memref<200x128xi32, #tpu.memory_space<hbm>>
      tpu.wait_dma2 semaphore(%run_scoped3A : memref<!tpu.dma_semaphore, #tpu.memory_space<semaphore_mem>>) src(%dma_wait3A_119 : memref<200x128xi32, #tpu.memory_space<hbm>>) dst(%arg8 : memref<200x128xi32, #tpu.memory_space<vmem>>)
      tpu.yield
    }) : () -> ()
    "tpu.region"() ({
      %run_scoped3A = tpu.sem_alloc : memref<!tpu.dma_semaphore, #tpu.memory_space<semaphore_mem>>
      tpu.enqueue_dma source(%arg4 : memref<200x64xf32, #tpu.memory_space<hbm>>) target(%arg13 : memref<200x64xf32, #tpu.memory_space<vmem>>) target_semaphore(%run_scoped3A : memref<!tpu.dma_semaphore, #tpu.memory_space<semaphore_mem>>)
      tpu.wait_dma2 semaphore(%run_scoped3A : memref<!tpu.dma_semaphore, #tpu.memory_space<semaphore_mem>>) src(%arg4 : memref<200x64xf32, #tpu.memory_space<hbm>>) dst(%arg13 : memref<200x64xf32, #tpu.memory_space<vmem>>)
      tpu.yield
    }) : () -> ()
    "tpu.region"() ({
      %run_scoped3A = tpu.sem_alloc : memref<!tpu.dma_semaphore, #tpu.memory_space<semaphore_mem>>
      tpu.enqueue_dma source(%arg5 : memref<64xf32, #tpu.memory_space<hbm>>) target(%arg14 : memref<64xf32, #tpu.memory_space<vmem>>) target_semaphore(%run_scoped3A : memref<!tpu.dma_semaphore, #tpu.memory_space<semaphore_mem>>)
      tpu.wait_dma2 semaphore(%run_scoped3A : memref<!tpu.dma_semaphore, #tpu.memory_space<semaphore_mem>>) src(%arg5 : memref<64xf32, #tpu.memory_space<hbm>>) dst(%arg14 : memref<64xf32, #tpu.memory_space<vmem>>)
      tpu.yield
    }) : () -> ()
    "tpu.region"() ({
      %run_scoped3A = tpu.sem_alloc : memref<!tpu.dma_semaphore, #tpu.memory_space<semaphore_mem>>
      tpu.enqueue_dma source(%arg6 : memref<64xf32, #tpu.memory_space<hbm>>) target(%arg15 : memref<64xf32, #tpu.memory_space<vmem>>) target_semaphore(%run_scoped3A : memref<!tpu.dma_semaphore, #tpu.memory_space<semaphore_mem>>)
      tpu.wait_dma2 semaphore(%run_scoped3A : memref<!tpu.dma_semaphore, #tpu.memory_space<semaphore_mem>>) src(%arg6 : memref<64xf32, #tpu.memory_space<hbm>>) dst(%arg15 : memref<64xf32, #tpu.memory_space<vmem>>)
      tpu.yield
    }) : () -> ()
    %get3A = arith.constant 0 : index
    %get3A_5 = tpu.vector_load %arg14[%get3A] {strides = array<i32>} : memref<64xf32, #tpu.memory_space<vmem>>, vector<16xf32>,
    %get3A_6 = vector.shape_cast %get3A_5 : vector<16xf32> to vector<16xf32>
    %get3A_7 = arith.constant 16 : index
    %get3A_8 = tpu.vector_load %arg14[%get3A_7] {strides = array<i32>} : memref<64xf32, #tpu.memory_space<vmem>>, vector<16xf32>,
    %get3A_9 = vector.shape_cast %get3A_8 : vector<16xf32> to vector<16xf32>
    %get3A_10 = arith.constant 32 : index
    %get3A_11 = tpu.vector_load %arg14[%get3A_10] {strides = array<i32>} : memref<64xf32, #tpu.memory_space<vmem>>, vector<16xf32>,
    %get3A_12 = vector.shape_cast %get3A_11 : vector<16xf32> to vector<16xf32>
    %get3A_13 = arith.constant 48 : index
    %get3A_14 = tpu.vector_load %arg14[%get3A_13] {strides = array<i32>} : memref<64xf32, #tpu.memory_space<vmem>>, vector<16xf32>,
    %get3A_15 = vector.shape_cast %get3A_14 : vector<16xf32> to vector<16xf32>
    %get3A_16 = arith.constant 0 : index
    %get3A_17 = tpu.vector_load %arg15[%get3A_16] {strides = array<i32>} : memref<64xf32, #tpu.memory_space<vmem>>, vector<16xf32>,
    %get3A_18 = vector.shape_cast %get3A_17 : vector<16xf32> to vector<16xf32>
    %get3A_19 = arith.constant 16 : index
    %get3A_20 = tpu.vector_load %arg15[%get3A_19] {strides = array<i32>} : memref<64xf32, #tpu.memory_space<vmem>>, vector<16xf32>,
    %get3A_21 = vector.shape_cast %get3A_20 : vector<16xf32> to vector<16xf32>
    %get3A_22 = arith.constant 32 : index
    %get3A_23 = tpu.vector_load %arg15[%get3A_22] {strides = array<i32>} : memref<64xf32, #tpu.memory_space<vmem>>, vector<16xf32>,
    %get3A_24 = vector.shape_cast %get3A_23 : vector<16xf32> to vector<16xf32>
    %get3A_25 = arith.constant 48 : index
    %get3A_26 = tpu.vector_load %arg15[%get3A_25] {strides = array<i32>} : memref<64xf32, #tpu.memory_space<vmem>>, vector<16xf32>,
    %get3A_27 = vector.shape_cast %get3A_26 : vector<16xf32> to vector<16xf32>
    %iota3A = tpu.iota {dimensions = array<i32: 0>} : vector<16xi32>
    %xor3A = arith.constant 8 : i32
    %xor3A_28 = vector.broadcast %xor3A : i32 to vector<16xi32>
    %xor3A_29 = arith.xori %iota3A, %xor3A_28 : vector<16xi32>
    %xor3A_30 = arith.constant 4 : i32
    %xor3A_31 = vector.broadcast %xor3A_30 : i32 to vector<16xi32>
    %xor3A_32 = arith.xori %iota3A, %xor3A_31 : vector<16xi32>
    %xor3A_33 = arith.constant 2 : i32
    %xor3A_34 = vector.broadcast %xor3A_33 : i32 to vector<16xi32>
    %xor3A_35 = arith.xori %iota3A, %xor3A_34 : vector<16xi32>
    %xor3A_36 = arith.constant 1 : i32
    %xor3A_37 = vector.broadcast %xor3A_36 : i32 to vector<16xi32>
    %xor3A_38 = arith.xori %iota3A, %xor3A_37 : vector<16xi32>
    %dma_start3A = arith.constant 0 : i32
    %dma_start3A_39 = arith.constant 0 : i32
    %dma_start3A_40 = tpu.memref_slice %arg8[%dma_start3A, %dma_start3A_39] : memref<200x128xi32, #tpu.memory_space<vmem>> -> memref<1x128xi32, #tpu.memory_space<vmem>>
    %dma_start3A_41 = tpu.memref_squeeze %dma_start3A_40 : memref<1x128xi32, #tpu.memory_space<vmem>> -> memref<128xi32, #tpu.memory_space<vmem>>
    %dma_start3A_42 = arith.constant 0 : i32
    %dma_start3A_43 = arith.constant 0 : i32
    %dma_start3A_44 = tpu.memref_slice %arg3[%dma_start3A_42, %dma_start3A_43] : memref<1000000x128xf32, #tpu.memory_space<hbm>> -> memref<1000000x128xf32, #tpu.memory_space<hbm>>
    tpu.enqueue_indirect_dma source(%dma_start3A_44 : memref<1000000x128xf32, #tpu.memory_space<hbm>>) target(%arg9 : memref<128x128xf32, #tpu.memory_space<vmem>>) offsets(%dma_start3A_41 : memref<128xi32, #tpu.memory_space<vmem>>) semaphore(%arg16 : memref<!tpu.dma_semaphore, #tpu.memory_space<semaphore_mem>>)
    %dma_start3A_45 = arith.constant 1 : i32
    %dma_start3A_46 = arith.constant 0 : i32
    %dma_start3A_47 = tpu.memref_slice %arg8[%dma_start3A_45, %dma_start3A_46] : memref<200x128xi32, #tpu.memory_space<vmem>> -> memref<1x128xi32, #tpu.memory_space<vmem>>
    %dma_start3A_48 = tpu.memref_squeeze %dma_start3A_47 : memref<1x128xi32, #tpu.memory_space<vmem>> -> memref<128xi32, #tpu.memory_space<vmem>>
    %dma_start3A_49 = arith.constant 0 : i32
    %dma_start3A_50 = arith.constant 0 : i32
    %dma_start3A_51 = tpu.memref_slice %arg3[%dma_start3A_49, %dma_start3A_50] : memref<1000000x128xf32, #tpu.memory_space<hbm>> -> memref<1000000x128xf32, #tpu.memory_space<hbm>>
    tpu.enqueue_indirect_dma source(%dma_start3A_51 : memref<1000000x128xf32, #tpu.memory_space<hbm>>) target(%arg10 : memref<128x128xf32, #tpu.memory_space<vmem>>) offsets(%dma_start3A_48 : memref<128xi32, #tpu.memory_space<vmem>>) semaphore(%arg17 : memref<!tpu.dma_semaphore, #tpu.memory_space<semaphore_mem>>)
    %dma_wait3A = arith.constant 0 : i32
    %dma_wait3A_52 = arith.constant 0 : i32
    %dma_wait3A_53 = tpu.memref_slice %arg8[%dma_wait3A, %dma_wait3A_52] : memref<200x128xi32, #tpu.memory_space<vmem>> -> memref<1x128xi32, #tpu.memory_space<vmem>>
    %dma_wait3A_54 = tpu.memref_squeeze %dma_wait3A_53 : memref<1x128xi32, #tpu.memory_space<vmem>> -> memref<128xi32, #tpu.memory_space<vmem>>
    %dma_wait3A_55 = arith.constant 0 : i32
    %dma_wait3A_56 = arith.constant 0 : i32
    %dma_wait3A_57 = tpu.memref_slice %arg3[%dma_wait3A_55, %dma_wait3A_56] : memref<1000000x128xf32, #tpu.memory_space<hbm>> -> memref<1000000x128xf32, #tpu.memory_space<hbm>>
    tpu.wait_indirect_dma semaphore(%arg16 : memref<!tpu.dma_semaphore, #tpu.memory_space<semaphore_mem>>) src(%dma_wait3A_57 : memref<1000000x128xf32, #tpu.memory_space<hbm>>) dst(%arg9 : memref<128x128xf32, #tpu.memory_space<vmem>>)
    %add3A_58 = arith.constant 0 : i32
    %add3A_59 = arith.addi %mul3A_2, %add3A_58 : i32
    %multiple_of3A = tpu.assume_multiple %add3A_59, 128 : i32
    %rem3A = arith.constant 200 : i32
    %rem3A_60 = arith.remsi %multiple_of3A, %rem3A : i32
    %parallel_loop3A = arith.constant 0 : i32
    %parallel_loop3A_61 = arith.constant 128 : i32
    %parallel_loop3A_62 = arith.constant 1 : i32
    scf.for %parallel_loop3A_112 = %parallel_loop3A to %parallel_loop3A_61 step %parallel_loop3A_62  : i32 {
      %parallel_loop3A_113 = arith.addi %rem3A_60, %parallel_loop3A_112 : i32
      %parallel_loop3A_114 = arith.constant 200 : i32
      %parallel_loop3A_115 = arith.cmpi sge, %parallel_loop3A_113, %parallel_loop3A_114 : i32
      %parallel_loop3A_116 = arith.constant 200 : i32
      %parallel_loop3A_117 = arith.subi %parallel_loop3A_113, %parallel_loop3A_116 : i32
      %parallel_loop3A_118 = arith.select %parallel_loop3A_115, %parallel_loop3A_117, %parallel_loop3A_113 : i32
      %parallel_loop3A_119 = arith.index_cast %parallel_loop3A_112 : i32 to index
      %parallel_loop3A_120 = arith.constant 0 : index
      %parallel_loop3A_121 = tpu.vector_load %arg9[%parallel_loop3A_119, %parallel_loop3A_120] {strides = array<i32>} : memref<128x128xf32, #tpu.memory_space<vmem>>, vector<1x16xf32>,
      %parallel_loop3A_122 = vector.shape_cast %parallel_loop3A_121 : vector<1x16xf32> to vector<16xf32>
      %parallel_loop3A_123 = arith.index_cast %parallel_loop3A_118 : i32 to index
      %parallel_loop3A_124 = arith.constant 0 : index
      %parallel_loop3A_125 = tpu.vector_load %arg13[%parallel_loop3A_123, %parallel_loop3A_124] {strides = array<i32>} : memref<200x64xf32, #tpu.memory_space<vmem>>, vector<1x16xf32>,
      %parallel_loop3A_126 = vector.shape_cast %parallel_loop3A_125 : vector<1x16xf32> to vector<16xf32>
      %parallel_loop3A_127 = arith.addf %parallel_loop3A_122, %parallel_loop3A_126 : vector<16xf32>
      %parallel_loop3A_128 = arith.index_cast %parallel_loop3A_112 : i32 to index
      %parallel_loop3A_129 = arith.constant 16 : index
      %parallel_loop3A_130 = tpu.vector_load %arg9[%parallel_loop3A_128, %parallel_loop3A_129] {strides = array<i32>} : memref<128x128xf32, #tpu.memory_space<vmem>>, vector<1x16xf32>,
      %parallel_loop3A_131 = vector.shape_cast %parallel_loop3A_130 : vector<1x16xf32> to vector<16xf32>
      %parallel_loop3A_132 = arith.index_cast %parallel_loop3A_118 : i32 to index
      %parallel_loop3A_133 = arith.constant 16 : index
      %parallel_loop3A_134 = tpu.vector_load %arg13[%parallel_loop3A_132, %parallel_loop3A_133] {strides = array<i32>} : memref<200x64xf32, #tpu.memory_space<vmem>>, vector<1x16xf32>,
      %parallel_loop3A_135 = vector.shape_cast %parallel_loop3A_134 : vector<1x16xf32> to vector<16xf32>
      %parallel_loop3A_136 = arith.addf %parallel_loop3A_131, %parallel_loop3A_135 : vector<16xf32>
      %parallel_loop3A_137 = arith.index_cast %parallel_loop3A_112 : i32 to index
      %parallel_loop3A_138 = arith.constant 32 : index
      %parallel_loop3A_139 = tpu.vector_load %arg9[%parallel_loop3A_137, %parallel_loop3A_138] {strides = array<i32>} : memref<128x128xf32, #tpu.memory_space<vmem>>, vector<1x16xf32>,
      %parallel_loop3A_140 = vector.shape_cast %parallel_loop3A_139 : vector<1x16xf32> to vector<16xf32>
      %parallel_loop3A_141 = arith.index_cast %parallel_loop3A_118 : i32 to index
      %parallel_loop3A_142 = arith.constant 32 : index
      %parallel_loop3A_143 = tpu.vector_load %arg13[%parallel_loop3A_141, %parallel_loop3A_142] {strides = array<i32>} : memref<200x64xf32, #tpu.memory_space<vmem>>, vector<1x16xf32>,
      %parallel_loop3A_144 = vector.shape_cast %parallel_loop3A_143 : vector<1x16xf32> to vector<16xf32>
      %parallel_loop3A_145 = arith.addf %parallel_loop3A_140, %parallel_loop3A_144 : vector<16xf32>
      %parallel_loop3A_146 = arith.index_cast %parallel_loop3A_112 : i32 to index
      %parallel_loop3A_147 = arith.constant 48 : index
      %parallel_loop3A_148 = tpu.vector_load %arg9[%parallel_loop3A_146, %parallel_loop3A_147] {strides = array<i32>} : memref<128x128xf32, #tpu.memory_space<vmem>>, vector<1x16xf32>,
      %parallel_loop3A_149 = vector.shape_cast %parallel_loop3A_148 : vector<1x16xf32> to vector<16xf32>
      %parallel_loop3A_150 = arith.index_cast %parallel_loop3A_118 : i32 to index
      %parallel_loop3A_151 = arith.constant 48 : index
      %parallel_loop3A_152 = tpu.vector_load %arg13[%parallel_loop3A_150, %parallel_loop3A_151] {strides = array<i32>} : memref<200x64xf32, #tpu.memory_space<vmem>>, vector<1x16xf32>,
      %parallel_loop3A_153 = vector.shape_cast %parallel_loop3A_152 : vector<1x16xf32> to vector<16xf32>
      %parallel_loop3A_154 = arith.addf %parallel_loop3A_149, %parallel_loop3A_153 : vector<16xf32>
      %parallel_loop3A_155 = arith.addf %parallel_loop3A_127, %parallel_loop3A_136 : vector<16xf32>
      %parallel_loop3A_156 = arith.addf %parallel_loop3A_145, %parallel_loop3A_154 : vector<16xf32>
      %parallel_loop3A_157 = arith.addf %parallel_loop3A_155, %parallel_loop3A_156 : vector<16xf32>
      %parallel_loop3A_158 = arith.mulf %parallel_loop3A_127, %parallel_loop3A_127 : vector<16xf32>
      %parallel_loop3A_159 = arith.mulf %parallel_loop3A_136, %parallel_loop3A_136 : vector<16xf32>
      %parallel_loop3A_160 = arith.mulf %parallel_loop3A_145, %parallel_loop3A_145 : vector<16xf32>
      %parallel_loop3A_161 = arith.mulf %parallel_loop3A_154, %parallel_loop3A_154 : vector<16xf32>
      %parallel_loop3A_162 = arith.addf %parallel_loop3A_158, %parallel_loop3A_159 : vector<16xf32>
      %parallel_loop3A_163 = arith.addf %parallel_loop3A_160, %parallel_loop3A_161 : vector<16xf32>
      %parallel_loop3A_164 = arith.addf %parallel_loop3A_162, %parallel_loop3A_163 : vector<16xf32>
      %parallel_loop3A_165 = arith.constant 0 : i32
      %parallel_loop3A_166 = vector.broadcast %parallel_loop3A_165 : i32 to vector<16xi32>
      %parallel_loop3A_167 = arith.cmpi slt, %xor3A_29, %parallel_loop3A_166 : vector<16xi32>
      %parallel_loop3A_168 = arith.constant 16 : i32
      %parallel_loop3A_169 = vector.broadcast %parallel_loop3A_168 : i32 to vector<16xi32>
      %parallel_loop3A_170 = arith.addi %xor3A_29, %parallel_loop3A_169 : vector<16xi32>
      %parallel_loop3A_171 = arith.select %parallel_loop3A_167, %parallel_loop3A_170, %xor3A_29 : vector<16xi1>, vector<16xi32>
      %parallel_loop3A_172 = vector.shape_cast %parallel_loop3A_171 : vector<16xi32> to vector<16x1xi32>
      %parallel_loop3A_173 = vector.shape_cast %parallel_loop3A_172 : vector<16x1xi32> to vector<16xi32>
      %parallel_loop3A_174 = tpu.dynamic_gather %parallel_loop3A_157[%parallel_loop3A_173] in [0] : vector<16xf32>, vector<16xi32> -> vector<16xf32>
      %parallel_loop3A_175 = arith.addf %parallel_loop3A_157, %parallel_loop3A_174 : vector<16xf32>
      %parallel_loop3A_176 = arith.constant 0 : i32
      %parallel_loop3A_177 = vector.broadcast %parallel_loop3A_176 : i32 to vector<16xi32>
      %parallel_loop3A_178 = arith.cmpi slt, %xor3A_32, %parallel_loop3A_177 : vector<16xi32>
      %parallel_loop3A_179 = arith.constant 16 : i32
      %parallel_loop3A_180 = vector.broadcast %parallel_loop3A_179 : i32 to vector<16xi32>
      %parallel_loop3A_181 = arith.addi %xor3A_32, %parallel_loop3A_180 : vector<16xi32>
      %parallel_loop3A_182 = arith.select %parallel_loop3A_178, %parallel_loop3A_181, %xor3A_32 : vector<16xi1>, vector<16xi32>
      %parallel_loop3A_183 = vector.shape_cast %parallel_loop3A_182 : vector<16xi32> to vector<16x1xi32>
      %parallel_loop3A_184 = vector.shape_cast %parallel_loop3A_183 : vector<16x1xi32> to vector<16xi32>
      %parallel_loop3A_185 = tpu.dynamic_gather %parallel_loop3A_175[%parallel_loop3A_184] in [0] : vector<16xf32>, vector<16xi32> -> vector<16xf32>
      %parallel_loop3A_186 = arith.addf %parallel_loop3A_175, %parallel_loop3A_185 : vector<16xf32>
      %parallel_loop3A_187 = arith.constant 0 : i32
      %parallel_loop3A_188 = vector.broadcast %parallel_loop3A_187 : i32 to vector<16xi32>
      %parallel_loop3A_189 = arith.cmpi slt, %xor3A_35, %parallel_loop3A_188 : vector<16xi32>
      %parallel_loop3A_190 = arith.constant 16 : i32
      %parallel_loop3A_191 = vector.broadcast %parallel_loop3A_190 : i32 to vector<16xi32>
      %parallel_loop3A_192 = arith.addi %xor3A_35, %parallel_loop3A_191 : vector<16xi32>
      %parallel_loop3A_193 = arith.select %parallel_loop3A_189, %parallel_loop3A_192, %xor3A_35 : vector<16xi1>, vector<16xi32>
      %parallel_loop3A_194 = vector.shape_cast %parallel_loop3A_193 : vector<16xi32> to vector<16x1xi32>
      %parallel_loop3A_195 = vector.shape_cast %parallel_loop3A_194 : vector<16x1xi32> to vector<16xi32>
      %parallel_loop3A_196 = tpu.dynamic_gather %parallel_loop3A_186[%parallel_loop3A_195] in [0] : vector<16xf32>, vector<16xi32> -> vector<16xf32>
      %parallel_loop3A_197 = arith.addf %parallel_loop3A_186, %parallel_loop3A_196 : vector<16xf32>
      %parallel_loop3A_198 = arith.constant 0 : i32
      %parallel_loop3A_199 = vector.broadcast %parallel_loop3A_198 : i32 to vector<16xi32>
      %parallel_loop3A_200 = arith.cmpi slt, %xor3A_38, %parallel_loop3A_199 : vector<16xi32>
      %parallel_loop3A_201 = arith.constant 16 : i32
      %parallel_loop3A_202 = vector.broadcast %parallel_loop3A_201 : i32 to vector<16xi32>
      %parallel_loop3A_203 = arith.addi %xor3A_38, %parallel_loop3A_202 : vector<16xi32>
      %parallel_loop3A_204 = arith.select %parallel_loop3A_200, %parallel_loop3A_203, %xor3A_38 : vector<16xi1>, vector<16xi32>
      %parallel_loop3A_205 = vector.shape_cast %parallel_loop3A_204 : vector<16xi32> to vector<16x1xi32>
      %parallel_loop3A_206 = vector.shape_cast %parallel_loop3A_205 : vector<16x1xi32> to vector<16xi32>
      %parallel_loop3A_207 = tpu.dynamic_gather %parallel_loop3A_197[%parallel_loop3A_206] in [0] : vector<16xf32>, vector<16xi32> -> vector<16xf32>
      %parallel_loop3A_208 = arith.addf %parallel_loop3A_197, %parallel_loop3A_207 : vector<16xf32>
      %parallel_loop3A_209 = arith.constant 1.562500e-02 : f32
      %parallel_loop3A_210 = vector.broadcast %parallel_loop3A_209 : f32 to vector<16xf32>
      %parallel_loop3A_211 = arith.mulf %parallel_loop3A_208, %parallel_loop3A_210 : vector<16xf32>
      %parallel_loop3A_212 = arith.constant 0 : i32
      %parallel_loop3A_213 = vector.broadcast %parallel_loop3A_212 : i32 to vector<16xi32>
      %parallel_loop3A_214 = arith.cmpi slt, %xor3A_29, %parallel_loop3A_213 : vector<16xi32>
      %parallel_loop3A_215 = arith.constant 16 : i32
      %parallel_loop3A_216 = vector.broadcast %parallel_loop3A_215 : i32 to vector<16xi32>
      %parallel_loop3A_217 = arith.addi %xor3A_29, %parallel_loop3A_216 : vector<16xi32>
      %parallel_loop3A_218 = arith.select %parallel_loop3A_214, %parallel_loop3A_217, %xor3A_29 : vector<16xi1>, vector<16xi32>
      %parallel_loop3A_219 = vector.shape_cast %parallel_loop3A_218 : vector<16xi32> to vector<16x1xi32>
      %parallel_loop3A_220 = vector.shape_cast %parallel_loop3A_219 : vector<16x1xi32> to vector<16xi32>
      %parallel_loop3A_221 = tpu.dynamic_gather %parallel_loop3A_164[%parallel_loop3A_220] in [0] : vector<16xf32>, vector<16xi32> -> vector<16xf32>
      %parallel_loop3A_222 = arith.addf %parallel_loop3A_164, %parallel_loop3A_221 : vector<16xf32>
      %parallel_loop3A_223 = arith.constant 0 : i32
      %parallel_loop3A_224 = vector.broadcast %parallel_loop3A_223 : i32 to vector<16xi32>
      %parallel_loop3A_225 = arith.cmpi slt, %xor3A_32, %parallel_loop3A_224 : vector<16xi32>
      %parallel_loop3A_226 = arith.constant 16 : i32
      %parallel_loop3A_227 = vector.broadcast %parallel_loop3A_226 : i32 to vector<16xi32>
      %parallel_loop3A_228 = arith.addi %xor3A_32, %parallel_loop3A_227 : vector<16xi32>
      %parallel_loop3A_229 = arith.select %parallel_loop3A_225, %parallel_loop3A_228, %xor3A_32 : vector<16xi1>, vector<16xi32>
      %parallel_loop3A_230 = vector.shape_cast %parallel_loop3A_229 : vector<16xi32> to vector<16x1xi32>
      %parallel_loop3A_231 = vector.shape_cast %parallel_loop3A_230 : vector<16x1xi32> to vector<16xi32>
      %parallel_loop3A_232 = tpu.dynamic_gather %parallel_loop3A_222[%parallel_loop3A_231] in [0] : vector<16xf32>, vector<16xi32> -> vector<16xf32>
      %parallel_loop3A_233 = arith.addf %parallel_loop3A_222, %parallel_loop3A_232 : vector<16xf32>
      %parallel_loop3A_234 = arith.constant 0 : i32
      %parallel_loop3A_235 = vector.broadcast %parallel_loop3A_234 : i32 to vector<16xi32>
      %parallel_loop3A_236 = arith.cmpi slt, %xor3A_35, %parallel_loop3A_235 : vector<16xi32>
      %parallel_loop3A_237 = arith.constant 16 : i32
      %parallel_loop3A_238 = vector.broadcast %parallel_loop3A_237 : i32 to vector<16xi32>
      %parallel_loop3A_239 = arith.addi %xor3A_35, %parallel_loop3A_238 : vector<16xi32>
      %parallel_loop3A_240 = arith.select %parallel_loop3A_236, %parallel_loop3A_239, %xor3A_35 : vector<16xi1>, vector<16xi32>
      %parallel_loop3A_241 = vector.shape_cast %parallel_loop3A_240 : vector<16xi32> to vector<16x1xi32>
      %parallel_loop3A_242 = vector.shape_cast %parallel_loop3A_241 : vector<16x1xi32> to vector<16xi32>
      %parallel_loop3A_243 = tpu.dynamic_gather %parallel_loop3A_233[%parallel_loop3A_242] in [0] : vector<16xf32>, vector<16xi32> -> vector<16xf32>
      %parallel_loop3A_244 = arith.addf %parallel_loop3A_233, %parallel_loop3A_243 : vector<16xf32>
      %parallel_loop3A_245 = arith.constant 0 : i32
      %parallel_loop3A_246 = vector.broadcast %parallel_loop3A_245 : i32 to vector<16xi32>
      %parallel_loop3A_247 = arith.cmpi slt, %xor3A_38, %parallel_loop3A_246 : vector<16xi32>
      %parallel_loop3A_248 = arith.constant 16 : i32
      %parallel_loop3A_249 = vector.broadcast %parallel_loop3A_248 : i32 to vector<16xi32>
      %parallel_loop3A_250 = arith.addi %xor3A_38, %parallel_loop3A_249 : vector<16xi32>
      %parallel_loop3A_251 = arith.select %parallel_loop3A_247, %parallel_loop3A_250, %xor3A_38 : vector<16xi1>, vector<16xi32>
      %parallel_loop3A_252 = vector.shape_cast %parallel_loop3A_251 : vector<16xi32> to vector<16x1xi32>
      %parallel_loop3A_253 = vector.shape_cast %parallel_loop3A_252 : vector<16x1xi32> to vector<16xi32>
      %parallel_loop3A_254 = tpu.dynamic_gather %parallel_loop3A_244[%parallel_loop3A_253] in [0] : vector<16xf32>, vector<16xi32> -> vector<16xf32>
      %parallel_loop3A_255 = arith.addf %parallel_loop3A_244, %parallel_loop3A_254 : vector<16xf32>
      %parallel_loop3A_256 = arith.constant 1.562500e-02 : f32
      %parallel_loop3A_257 = vector.broadcast %parallel_loop3A_256 : f32 to vector<16xf32>
      %parallel_loop3A_258 = arith.mulf %parallel_loop3A_255, %parallel_loop3A_257 : vector<16xf32>
      %parallel_loop3A_259 = arith.mulf %parallel_loop3A_211, %parallel_loop3A_211 : vector<16xf32>
      %parallel_loop3A_260 = arith.subf %parallel_loop3A_258, %parallel_loop3A_259 : vector<16xf32>
      %parallel_loop3A_261 = arith.constant 9.99999974E-6 : f32
      %parallel_loop3A_262 = vector.broadcast %parallel_loop3A_261 : f32 to vector<16xf32>
      %parallel_loop3A_263 = arith.addf %parallel_loop3A_260, %parallel_loop3A_262 : vector<16xf32>
      %parallel_loop3A_264 = tpu.bitcast %parallel_loop3A_263 : vector<16xf32> -> vector<16xi32>
      %parallel_loop3A_265 = arith.constant 1597463007 : i32
      %parallel_loop3A_266 = vector.broadcast %parallel_loop3A_265 : i32 to vector<16xi32>
      %parallel_loop3A_267 = arith.constant 1 : i32
      %parallel_loop3A_268 = vector.broadcast %parallel_loop3A_267 : i32 to vector<16xi32>
      %parallel_loop3A_269 = arith.shrsi %parallel_loop3A_264, %parallel_loop3A_268 : vector<16xi32>
      %parallel_loop3A_270 = arith.subi %parallel_loop3A_266, %parallel_loop3A_269 : vector<16xi32>
      %parallel_loop3A_271 = tpu.bitcast %parallel_loop3A_270 : vector<16xi32> -> vector<16xf32>
      %parallel_loop3A_272 = arith.constant 5.000000e-01 : f32
      %parallel_loop3A_273 = vector.broadcast %parallel_loop3A_272 : f32 to vector<16xf32>
      %parallel_loop3A_274 = arith.mulf %parallel_loop3A_273, %parallel_loop3A_263 : vector<16xf32>
      %parallel_loop3A_275 = arith.mulf %parallel_loop3A_274, %parallel_loop3A_271 : vector<16xf32>
      %parallel_loop3A_276 = arith.mulf %parallel_loop3A_275, %parallel_loop3A_271 : vector<16xf32>
      %parallel_loop3A_277 = arith.constant 1.500000e+00 : f32
      %parallel_loop3A_278 = vector.broadcast %parallel_loop3A_277 : f32 to vector<16xf32>
      %parallel_loop3A_279 = arith.subf %parallel_loop3A_278, %parallel_loop3A_276 : vector<16xf32>
      %parallel_loop3A_280 = arith.mulf %parallel_loop3A_271, %parallel_loop3A_279 : vector<16xf32>
      %parallel_loop3A_281 = arith.mulf %parallel_loop3A_274, %parallel_loop3A_280 : vector<16xf32>
      %parallel_loop3A_282 = arith.mulf %parallel_loop3A_281, %parallel_loop3A_280 : vector<16xf32>
      %parallel_loop3A_283 = arith.constant 1.500000e+00 : f32
      %parallel_loop3A_284 = vector.broadcast %parallel_loop3A_283 : f32 to vector<16xf32>
      %parallel_loop3A_285 = arith.subf %parallel_loop3A_284, %parallel_loop3A_282 : vector<16xf32>
      %parallel_loop3A_286 = arith.mulf %parallel_loop3A_280, %parallel_loop3A_285 : vector<16xf32>
      %parallel_loop3A_287 = arith.subf %parallel_loop3A_127, %parallel_loop3A_211 : vector<16xf32>
      %parallel_loop3A_288 = arith.mulf %parallel_loop3A_286, %get3A_6 : vector<16xf32>
      %parallel_loop3A_289 = arith.mulf %parallel_loop3A_287, %parallel_loop3A_288 : vector<16xf32>
      %parallel_loop3A_290 = arith.addf %parallel_loop3A_289, %get3A_18 : vector<16xf32>
      %parallel_loop3A_291 = arith.index_cast %parallel_loop3A_112 : i32 to index
      %parallel_loop3A_292 = arith.constant 0 : index
      %parallel_loop3A_293 = tpu.vector_load %arg11[%parallel_loop3A_291, %parallel_loop3A_292] {strides = array<i32>} : memref<128x64xf32, #tpu.memory_space<vmem>>, vector<1x16xf32>,
      %parallel_loop3A_294 = vector.shape_cast %parallel_loop3A_293 : vector<1x16xf32> to vector<16xf32>
      %parallel_loop3A_295 = vector.shape_cast %parallel_loop3A_290 : vector<16xf32> to vector<1x16xf32>
      tpu.vector_store %arg11[%parallel_loop3A_291, %parallel_loop3A_292], %parallel_loop3A_295 {strides = array<i32>} : memref<128x64xf32, #tpu.memory_space<vmem>>, vector<1x16xf32>,
      %parallel_loop3A_296 = arith.subf %parallel_loop3A_136, %parallel_loop3A_211 : vector<16xf32>
      %parallel_loop3A_297 = arith.mulf %parallel_loop3A_286, %get3A_9 : vector<16xf32>
      %parallel_loop3A_298 = arith.mulf %parallel_loop3A_296, %parallel_loop3A_297 : vector<16xf32>
      %parallel_loop3A_299 = arith.addf %parallel_loop3A_298, %get3A_21 : vector<16xf32>
      %parallel_loop3A_300 = arith.index_cast %parallel_loop3A_112 : i32 to index
      %parallel_loop3A_301 = arith.constant 16 : index
      %parallel_loop3A_302 = tpu.vector_load %arg11[%parallel_loop3A_300, %parallel_loop3A_301] {strides = array<i32>} : memref<128x64xf32, #tpu.memory_space<vmem>>, vector<1x16xf32>,
      %parallel_loop3A_303 = vector.shape_cast %parallel_loop3A_302 : vector<1x16xf32> to vector<16xf32>
      %parallel_loop3A_304 = vector.shape_cast %parallel_loop3A_299 : vector<16xf32> to vector<1x16xf32>
      tpu.vector_store %arg11[%parallel_loop3A_300, %parallel_loop3A_301], %parallel_loop3A_304 {strides = array<i32>} : memref<128x64xf32, #tpu.memory_space<vmem>>, vector<1x16xf32>,
      %parallel_loop3A_305 = arith.subf %parallel_loop3A_145, %parallel_loop3A_211 : vector<16xf32>
      %parallel_loop3A_306 = arith.mulf %parallel_loop3A_286, %get3A_12 : vector<16xf32>
      %parallel_loop3A_307 = arith.mulf %parallel_loop3A_305, %parallel_loop3A_306 : vector<16xf32>
      %parallel_loop3A_308 = arith.addf %parallel_loop3A_307, %get3A_24 : vector<16xf32>
      %parallel_loop3A_309 = arith.index_cast %parallel_loop3A_112 : i32 to index
      %parallel_loop3A_310 = arith.constant 32 : index
      %parallel_loop3A_311 = tpu.vector_load %arg11[%parallel_loop3A_309, %parallel_loop3A_310] {strides = array<i32>} : memref<128x64xf32, #tpu.memory_space<vmem>>, vector<1x16xf32>,
      %parallel_loop3A_312 = vector.shape_cast %parallel_loop3A_311 : vector<1x16xf32> to vector<16xf32>
      %parallel_loop3A_313 = vector.shape_cast %parallel_loop3A_308 : vector<16xf32> to vector<1x16xf32>
      tpu.vector_store %arg11[%parallel_loop3A_309, %parallel_loop3A_310], %parallel_loop3A_313 {strides = array<i32>} : memref<128x64xf32, #tpu.memory_space<vmem>>, vector<1x16xf32>,
      %parallel_loop3A_314 = arith.subf %parallel_loop3A_154, %parallel_loop3A_211 : vector<16xf32>
      %parallel_loop3A_315 = arith.mulf %parallel_loop3A_286, %get3A_15 : vector<16xf32>
      %parallel_loop3A_316 = arith.mulf %parallel_loop3A_314, %parallel_loop3A_315 : vector<16xf32>
      %parallel_loop3A_317 = arith.addf %parallel_loop3A_316, %get3A_27 : vector<16xf32>
      %parallel_loop3A_318 = arith.index_cast %parallel_loop3A_112 : i32 to index
      %parallel_loop3A_319 = arith.constant 48 : index
      %parallel_loop3A_320 = tpu.vector_load %arg11[%parallel_loop3A_318, %parallel_loop3A_319] {strides = array<i32>} : memref<128x64xf32, #tpu.memory_space<vmem>>, vector<1x16xf32>,
      %parallel_loop3A_321 = vector.shape_cast %parallel_loop3A_320 : vector<1x16xf32> to vector<16xf32>
      %parallel_loop3A_322 = vector.shape_cast %parallel_loop3A_317 : vector<16xf32> to vector<1x16xf32>
      tpu.vector_store %arg11[%parallel_loop3A_318, %parallel_loop3A_319], %parallel_loop3A_322 {strides = array<i32>} : memref<128x64xf32, #tpu.memory_space<vmem>>, vector<1x16xf32>,
    } {sc.loop_unroll_factor = 4 : i64, sc.parallel_access}
    %add3A_63 = arith.constant 0 : i32
    %add3A_64 = arith.addi %mul3A_2, %add3A_63 : i32
    %multiple_of3A_65 = tpu.assume_multiple %add3A_64, 128 : i32
    %dma_start3A_66 = arith.constant 0 : i32
    %dma_start3A_67 = tpu.memref_slice %arg7[%multiple_of3A_65, %dma_start3A_66] : memref<819200x64xf32, #tpu.memory_space<hbm>> -> memref<128x64xf32, #tpu.memory_space<hbm>>
    %dma_start3A_68 = arith.constant 0 : i32
    %dma_start3A_69 = tpu.memref_slice %arg7[%multiple_of3A_65, %dma_start3A_68] : memref<819200x64xf32, #tpu.memory_space<hbm>> -> memref<128x64xf32, #tpu.memory_space<hbm>>
    tpu.enqueue_dma source(%arg11 : memref<128x64xf32, #tpu.memory_space<vmem>>) target(%dma_start3A_69 : memref<128x64xf32, #tpu.memory_space<hbm>>) target_semaphore(%arg18 : memref<!tpu.dma_semaphore, #tpu.memory_space<semaphore_mem>>)
    %scan3A = arith.constant 0 : i32
    %scan3A_70 = arith.constant 0 : i32
    %scan3A_71 = arith.constant 99 : i32
    %scan3A_72 = arith.addi %scan3A_70, %scan3A_71 : i32
    %scan3A_73 = arith.constant 1 : i32
    %scan3A_74 = scf.for %scan3A_112 = %scan3A_70 to %scan3A_72 step %scan3A_73 iter_args(%scan3A_113 = %scan3A) -> (i32)  : i32 {
      %mul3A_114 = arith.constant 2 : i32
      %mul3A_115 = arith.muli %mul3A_114, %scan3A_112 : i32
      %add3A_116 = arith.constant 1 : i32
      %add3A_117 = arith.addi %add3A_116, %mul3A_115 : i32
      %add3A_118 = arith.constant 0 : i32
      %add3A_119 = arith.addi %add3A_117, %add3A_118 : i32
      %sub3A = arith.constant 1 : i32
      %sub3A_120 = arith.subi %add3A_119, %sub3A : i32
      %mul3A_121 = arith.constant 128 : i32
      %mul3A_122 = arith.muli %sub3A_120, %mul3A_121 : i32
      %add3A_123 = arith.addi %mul3A_2, %mul3A_122 : i32
      %multiple_of3A_124 = tpu.assume_multiple %add3A_123, 128 : i32
      %dma_wait3A_125 = arith.constant 0 : i32
      %dma_wait3A_126 = tpu.memref_slice %arg7[%multiple_of3A_124, %dma_wait3A_125] : memref<819200x64xf32, #tpu.memory_space<hbm>> -> memref<128x64xf32, #tpu.memory_space<hbm>>
      %dma_wait3A_127 = arith.constant 0 : i32
      %dma_wait3A_128 = tpu.memref_slice %arg7[%multiple_of3A_124, %dma_wait3A_127] : memref<819200x64xf32, #tpu.memory_space<hbm>> -> memref<128x64xf32, #tpu.memory_space<hbm>>
      tpu.wait_dma2 semaphore(%arg18 : memref<!tpu.dma_semaphore, #tpu.memory_space<semaphore_mem>>) src(%arg11 : memref<128x64xf32, #tpu.memory_space<vmem>>) dst(%dma_wait3A_128 : memref<128x64xf32, #tpu.memory_space<hbm>>)
      %add3A_129 = arith.constant 1 : i32
      %add3A_130 = arith.addi %add3A_119, %add3A_129 : i32
      %dma_start3A_131 = arith.constant 0 : i32
      %dma_start3A_132 = tpu.memref_slice %arg8[%add3A_130, %dma_start3A_131] : memref<200x128xi32, #tpu.memory_space<vmem>> -> memref<1x128xi32, #tpu.memory_space<vmem>>
      %dma_start3A_133 = tpu.memref_squeeze %dma_start3A_132 : memref<1x128xi32, #tpu.memory_space<vmem>> -> memref<128xi32, #tpu.memory_space<vmem>>
      %dma_start3A_134 = arith.constant 0 : i32
      %dma_start3A_135 = arith.constant 0 : i32
      %dma_start3A_136 = tpu.memref_slice %arg3[%dma_start3A_134, %dma_start3A_135] : memref<1000000x128xf32, #tpu.memory_space<hbm>> -> memref<1000000x128xf32, #tpu.memory_space<hbm>>
      tpu.enqueue_indirect_dma source(%dma_start3A_136 : memref<1000000x128xf32, #tpu.memory_space<hbm>>) target(%arg9 : memref<128x128xf32, #tpu.memory_space<vmem>>) offsets(%dma_start3A_133 : memref<128xi32, #tpu.memory_space<vmem>>) semaphore(%arg16 : memref<!tpu.dma_semaphore, #tpu.memory_space<semaphore_mem>>)
      %dma_wait3A_137 = arith.constant 0 : i32
      %dma_wait3A_138 = tpu.memref_slice %arg8[%add3A_119, %dma_wait3A_137] : memref<200x128xi32, #tpu.memory_space<vmem>> -> memref<1x128xi32, #tpu.memory_space<vmem>>
      %dma_wait3A_139 = tpu.memref_squeeze %dma_wait3A_138 : memref<1x128xi32, #tpu.memory_space<vmem>> -> memref<128xi32, #tpu.memory_space<vmem>>
      %dma_wait3A_140 = arith.constant 0 : i32
      %dma_wait3A_141 = arith.constant 0 : i32
      %dma_wait3A_142 = tpu.memref_slice %arg3[%dma_wait3A_140, %dma_wait3A_141] : memref<1000000x128xf32, #tpu.memory_space<hbm>> -> memref<1000000x128xf32, #tpu.memory_space<hbm>>
      tpu.wait_indirect_dma semaphore(%arg17 : memref<!tpu.dma_semaphore, #tpu.memory_space<semaphore_mem>>) src(%dma_wait3A_142 : memref<1000000x128xf32, #tpu.memory_space<hbm>>) dst(%arg10 : memref<128x128xf32, #tpu.memory_space<vmem>>)
      %mul3A_143 = arith.constant 128 : i32
      %mul3A_144 = arith.muli %add3A_119, %mul3A_143 : i32
      %add3A_145 = arith.addi %mul3A_2, %mul3A_144 : i32
      %multiple_of3A_146 = tpu.assume_multiple %add3A_145, 128 : i32
      %rem3A_147 = arith.constant 200 : i32
      %rem3A_148 = arith.remsi %multiple_of3A_146, %rem3A_147 : i32
      %parallel_loop3A_149 = arith.constant 0 : i32
      %parallel_loop3A_150 = arith.constant 128 : i32
      %parallel_loop3A_151 = arith.constant 1 : i32
      scf.for %parallel_loop3A_208 = %parallel_loop3A_149 to %parallel_loop3A_150 step %parallel_loop3A_151  : i32 {
        %parallel_loop3A_209 = arith.addi %rem3A_148, %parallel_loop3A_208 : i32
        %parallel_loop3A_210 = arith.constant 200 : i32
        %parallel_loop3A_211 = arith.cmpi sge, %parallel_loop3A_209, %parallel_loop3A_210 : i32
        %parallel_loop3A_212 = arith.constant 200 : i32
        %parallel_loop3A_213 = arith.subi %parallel_loop3A_209, %parallel_loop3A_212 : i32
        %parallel_loop3A_214 = arith.select %parallel_loop3A_211, %parallel_loop3A_213, %parallel_loop3A_209 : i32
        %parallel_loop3A_215 = arith.index_cast %parallel_loop3A_208 : i32 to index
        %parallel_loop3A_216 = arith.constant 0 : index
        %parallel_loop3A_217 = tpu.vector_load %arg10[%parallel_loop3A_215, %parallel_loop3A_216] {strides = array<i32>} : memref<128x128xf32, #tpu.memory_space<vmem>>, vector<1x16xf32>,
        %parallel_loop3A_218 = vector.shape_cast %parallel_loop3A_217 : vector<1x16xf32> to vector<16xf32>
        %parallel_loop3A_219 = arith.index_cast %parallel_loop3A_214 : i32 to index
        %parallel_loop3A_220 = arith.constant 0 : index
        %parallel_loop3A_221 = tpu.vector_load %arg13[%parallel_loop3A_219, %parallel_loop3A_220] {strides = array<i32>} : memref<200x64xf32, #tpu.memory_space<vmem>>, vector<1x16xf32>,
        %parallel_loop3A_222 = vector.shape_cast %parallel_loop3A_221 : vector<1x16xf32> to vector<16xf32>
        %parallel_loop3A_223 = arith.addf %parallel_loop3A_218, %parallel_loop3A_222 : vector<16xf32>
        %parallel_loop3A_224 = arith.index_cast %parallel_loop3A_208 : i32 to index
        %parallel_loop3A_225 = arith.constant 16 : index
        %parallel_loop3A_226 = tpu.vector_load %arg10[%parallel_loop3A_224, %parallel_loop3A_225] {strides = array<i32>} : memref<128x128xf32, #tpu.memory_space<vmem>>, vector<1x16xf32>,
        %parallel_loop3A_227 = vector.shape_cast %parallel_loop3A_226 : vector<1x16xf32> to vector<16xf32>
        %parallel_loop3A_228 = arith.index_cast %parallel_loop3A_214 : i32 to index
        %parallel_loop3A_229 = arith.constant 16 : index
        %parallel_loop3A_230 = tpu.vector_load %arg13[%parallel_loop3A_228, %parallel_loop3A_229] {strides = array<i32>} : memref<200x64xf32, #tpu.memory_space<vmem>>, vector<1x16xf32>,
        %parallel_loop3A_231 = vector.shape_cast %parallel_loop3A_230 : vector<1x16xf32> to vector<16xf32>
        %parallel_loop3A_232 = arith.addf %parallel_loop3A_227, %parallel_loop3A_231 : vector<16xf32>
        %parallel_loop3A_233 = arith.index_cast %parallel_loop3A_208 : i32 to index
        %parallel_loop3A_234 = arith.constant 32 : index
        %parallel_loop3A_235 = tpu.vector_load %arg10[%parallel_loop3A_233, %parallel_loop3A_234] {strides = array<i32>} : memref<128x128xf32, #tpu.memory_space<vmem>>, vector<1x16xf32>,
        %parallel_loop3A_236 = vector.shape_cast %parallel_loop3A_235 : vector<1x16xf32> to vector<16xf32>
        %parallel_loop3A_237 = arith.index_cast %parallel_loop3A_214 : i32 to index
        %parallel_loop3A_238 = arith.constant 32 : index
        %parallel_loop3A_239 = tpu.vector_load %arg13[%parallel_loop3A_237, %parallel_loop3A_238] {strides = array<i32>} : memref<200x64xf32, #tpu.memory_space<vmem>>, vector<1x16xf32>,
        %parallel_loop3A_240 = vector.shape_cast %parallel_loop3A_239 : vector<1x16xf32> to vector<16xf32>
        %parallel_loop3A_241 = arith.addf %parallel_loop3A_236, %parallel_loop3A_240 : vector<16xf32>
        %parallel_loop3A_242 = arith.index_cast %parallel_loop3A_208 : i32 to index
        %parallel_loop3A_243 = arith.constant 48 : index
        %parallel_loop3A_244 = tpu.vector_load %arg10[%parallel_loop3A_242, %parallel_loop3A_243] {strides = array<i32>} : memref<128x128xf32, #tpu.memory_space<vmem>>, vector<1x16xf32>,
        %parallel_loop3A_245 = vector.shape_cast %parallel_loop3A_244 : vector<1x16xf32> to vector<16xf32>
        %parallel_loop3A_246 = arith.index_cast %parallel_loop3A_214 : i32 to index
        %parallel_loop3A_247 = arith.constant 48 : index
        %parallel_loop3A_248 = tpu.vector_load %arg13[%parallel_loop3A_246, %parallel_loop3A_247] {strides = array<i32>} : memref<200x64xf32, #tpu.memory_space<vmem>>, vector<1x16xf32>,
        %parallel_loop3A_249 = vector.shape_cast %parallel_loop3A_248 : vector<1x16xf32> to vector<16xf32>
        %parallel_loop3A_250 = arith.addf %parallel_loop3A_245, %parallel_loop3A_249 : vector<16xf32>
        %parallel_loop3A_251 = arith.addf %parallel_loop3A_223, %parallel_loop3A_232 : vector<16xf32>
        %parallel_loop3A_252 = arith.addf %parallel_loop3A_241, %parallel_loop3A_250 : vector<16xf32>
        %parallel_loop3A_253 = arith.addf %parallel_loop3A_251, %parallel_loop3A_252 : vector<16xf32>
        %parallel_loop3A_254 = arith.mulf %parallel_loop3A_223, %parallel_loop3A_223 : vector<16xf32>
        %parallel_loop3A_255 = arith.mulf %parallel_loop3A_232, %parallel_loop3A_232 : vector<16xf32>
        %parallel_loop3A_256 = arith.mulf %parallel_loop3A_241, %parallel_loop3A_241 : vector<16xf32>
        %parallel_loop3A_257 = arith.mulf %parallel_loop3A_250, %parallel_loop3A_250 : vector<16xf32>
        %parallel_loop3A_258 = arith.addf %parallel_loop3A_254, %parallel_loop3A_255 : vector<16xf32>
        %parallel_loop3A_259 = arith.addf %parallel_loop3A_256, %parallel_loop3A_257 : vector<16xf32>
        %parallel_loop3A_260 = arith.addf %parallel_loop3A_258, %parallel_loop3A_259 : vector<16xf32>
        %parallel_loop3A_261 = arith.constant 0 : i32
        %parallel_loop3A_262 = vector.broadcast %parallel_loop3A_261 : i32 to vector<16xi32>
        %parallel_loop3A_263 = arith.cmpi slt, %xor3A_29, %parallel_loop3A_262 : vector<16xi32>
        %parallel_loop3A_264 = arith.constant 16 : i32
        %parallel_loop3A_265 = vector.broadcast %parallel_loop3A_264 : i32 to vector<16xi32>
        %parallel_loop3A_266 = arith.addi %xor3A_29, %parallel_loop3A_265 : vector<16xi32>
        %parallel_loop3A_267 = arith.select %parallel_loop3A_263, %parallel_loop3A_266, %xor3A_29 : vector<16xi1>, vector<16xi32>
        %parallel_loop3A_268 = vector.shape_cast %parallel_loop3A_267 : vector<16xi32> to vector<16x1xi32>
        %parallel_loop3A_269 = vector.shape_cast %parallel_loop3A_268 : vector<16x1xi32> to vector<16xi32>
        %parallel_loop3A_270 = tpu.dynamic_gather %parallel_loop3A_253[%parallel_loop3A_269] in [0] : vector<16xf32>, vector<16xi32> -> vector<16xf32>
        %parallel_loop3A_271 = arith.addf %parallel_loop3A_253, %parallel_loop3A_270 : vector<16xf32>
        %parallel_loop3A_272 = arith.constant 0 : i32
        %parallel_loop3A_273 = vector.broadcast %parallel_loop3A_272 : i32 to vector<16xi32>
        %parallel_loop3A_274 = arith.cmpi slt, %xor3A_32, %parallel_loop3A_273 : vector<16xi32>
        %parallel_loop3A_275 = arith.constant 16 : i32
        %parallel_loop3A_276 = vector.broadcast %parallel_loop3A_275 : i32 to vector<16xi32>
        %parallel_loop3A_277 = arith.addi %xor3A_32, %parallel_loop3A_276 : vector<16xi32>
        %parallel_loop3A_278 = arith.select %parallel_loop3A_274, %parallel_loop3A_277, %xor3A_32 : vector<16xi1>, vector<16xi32>
        %parallel_loop3A_279 = vector.shape_cast %parallel_loop3A_278 : vector<16xi32> to vector<16x1xi32>
        %parallel_loop3A_280 = vector.shape_cast %parallel_loop3A_279 : vector<16x1xi32> to vector<16xi32>
        %parallel_loop3A_281 = tpu.dynamic_gather %parallel_loop3A_271[%parallel_loop3A_280] in [0] : vector<16xf32>, vector<16xi32> -> vector<16xf32>
        %parallel_loop3A_282 = arith.addf %parallel_loop3A_271, %parallel_loop3A_281 : vector<16xf32>
        %parallel_loop3A_283 = arith.constant 0 : i32
        %parallel_loop3A_284 = vector.broadcast %parallel_loop3A_283 : i32 to vector<16xi32>
        %parallel_loop3A_285 = arith.cmpi slt, %xor3A_35, %parallel_loop3A_284 : vector<16xi32>
        %parallel_loop3A_286 = arith.constant 16 : i32
        %parallel_loop3A_287 = vector.broadcast %parallel_loop3A_286 : i32 to vector<16xi32>
        %parallel_loop3A_288 = arith.addi %xor3A_35, %parallel_loop3A_287 : vector<16xi32>
        %parallel_loop3A_289 = arith.select %parallel_loop3A_285, %parallel_loop3A_288, %xor3A_35 : vector<16xi1>, vector<16xi32>
        %parallel_loop3A_290 = vector.shape_cast %parallel_loop3A_289 : vector<16xi32> to vector<16x1xi32>
        %parallel_loop3A_291 = vector.shape_cast %parallel_loop3A_290 : vector<16x1xi32> to vector<16xi32>
        %parallel_loop3A_292 = tpu.dynamic_gather %parallel_loop3A_282[%parallel_loop3A_291] in [0] : vector<16xf32>, vector<16xi32> -> vector<16xf32>
        %parallel_loop3A_293 = arith.addf %parallel_loop3A_282, %parallel_loop3A_292 : vector<16xf32>
        %parallel_loop3A_294 = arith.constant 0 : i32
        %parallel_loop3A_295 = vector.broadcast %parallel_loop3A_294 : i32 to vector<16xi32>
        %parallel_loop3A_296 = arith.cmpi slt, %xor3A_38, %parallel_loop3A_295 : vector<16xi32>
        %parallel_loop3A_297 = arith.constant 16 : i32
        %parallel_loop3A_298 = vector.broadcast %parallel_loop3A_297 : i32 to vector<16xi32>
        %parallel_loop3A_299 = arith.addi %xor3A_38, %parallel_loop3A_298 : vector<16xi32>
        %parallel_loop3A_300 = arith.select %parallel_loop3A_296, %parallel_loop3A_299, %xor3A_38 : vector<16xi1>, vector<16xi32>
        %parallel_loop3A_301 = vector.shape_cast %parallel_loop3A_300 : vector<16xi32> to vector<16x1xi32>
        %parallel_loop3A_302 = vector.shape_cast %parallel_loop3A_301 : vector<16x1xi32> to vector<16xi32>
        %parallel_loop3A_303 = tpu.dynamic_gather %parallel_loop3A_293[%parallel_loop3A_302] in [0] : vector<16xf32>, vector<16xi32> -> vector<16xf32>
        %parallel_loop3A_304 = arith.addf %parallel_loop3A_293, %parallel_loop3A_303 : vector<16xf32>
        %parallel_loop3A_305 = arith.constant 1.562500e-02 : f32
        %parallel_loop3A_306 = vector.broadcast %parallel_loop3A_305 : f32 to vector<16xf32>
        %parallel_loop3A_307 = arith.mulf %parallel_loop3A_304, %parallel_loop3A_306 : vector<16xf32>
        %parallel_loop3A_308 = arith.constant 0 : i32
        %parallel_loop3A_309 = vector.broadcast %parallel_loop3A_308 : i32 to vector<16xi32>
        %parallel_loop3A_310 = arith.cmpi slt, %xor3A_29, %parallel_loop3A_309 : vector<16xi32>
        %parallel_loop3A_311 = arith.constant 16 : i32
        %parallel_loop3A_312 = vector.broadcast %parallel_loop3A_311 : i32 to vector<16xi32>
        %parallel_loop3A_313 = arith.addi %xor3A_29, %parallel_loop3A_312 : vector<16xi32>
        %parallel_loop3A_314 = arith.select %parallel_loop3A_310, %parallel_loop3A_313, %xor3A_29 : vector<16xi1>, vector<16xi32>
        %parallel_loop3A_315 = vector.shape_cast %parallel_loop3A_314 : vector<16xi32> to vector<16x1xi32>
        %parallel_loop3A_316 = vector.shape_cast %parallel_loop3A_315 : vector<16x1xi32> to vector<16xi32>
        %parallel_loop3A_317 = tpu.dynamic_gather %parallel_loop3A_260[%parallel_loop3A_316] in [0] : vector<16xf32>, vector<16xi32> -> vector<16xf32>
        %parallel_loop3A_318 = arith.addf %parallel_loop3A_260, %parallel_loop3A_317 : vector<16xf32>
        %parallel_loop3A_319 = arith.constant 0 : i32
        %parallel_loop3A_320 = vector.broadcast %parallel_loop3A_319 : i32 to vector<16xi32>
        %parallel_loop3A_321 = arith.cmpi slt, %xor3A_32, %parallel_loop3A_320 : vector<16xi32>
        %parallel_loop3A_322 = arith.constant 16 : i32
        %parallel_loop3A_323 = vector.broadcast %parallel_loop3A_322 : i32 to vector<16xi32>
        %parallel_loop3A_324 = arith.addi %xor3A_32, %parallel_loop3A_323 : vector<16xi32>
        %parallel_loop3A_325 = arith.select %parallel_loop3A_321, %parallel_loop3A_324, %xor3A_32 : vector<16xi1>, vector<16xi32>
        %parallel_loop3A_326 = vector.shape_cast %parallel_loop3A_325 : vector<16xi32> to vector<16x1xi32>
        %parallel_loop3A_327 = vector.shape_cast %parallel_loop3A_326 : vector<16x1xi32> to vector<16xi32>
        %parallel_loop3A_328 = tpu.dynamic_gather %parallel_loop3A_318[%parallel_loop3A_327] in [0] : vector<16xf32>, vector<16xi32> -> vector<16xf32>
        %parallel_loop3A_329 = arith.addf %parallel_loop3A_318, %parallel_loop3A_328 : vector<16xf32>
        %parallel_loop3A_330 = arith.constant 0 : i32
        %parallel_loop3A_331 = vector.broadcast %parallel_loop3A_330 : i32 to vector<16xi32>
        %parallel_loop3A_332 = arith.cmpi slt, %xor3A_35, %parallel_loop3A_331 : vector<16xi32>
        %parallel_loop3A_333 = arith.constant 16 : i32
        %parallel_loop3A_334 = vector.broadcast %parallel_loop3A_333 : i32 to vector<16xi32>
        %parallel_loop3A_335 = arith.addi %xor3A_35, %parallel_loop3A_334 : vector<16xi32>
        %parallel_loop3A_336 = arith.select %parallel_loop3A_332, %parallel_loop3A_335, %xor3A_35 : vector<16xi1>, vector<16xi32>
        %parallel_loop3A_337 = vector.shape_cast %parallel_loop3A_336 : vector<16xi32> to vector<16x1xi32>
        %parallel_loop3A_338 = vector.shape_cast %parallel_loop3A_337 : vector<16x1xi32> to vector<16xi32>
        %parallel_loop3A_339 = tpu.dynamic_gather %parallel_loop3A_329[%parallel_loop3A_338] in [0] : vector<16xf32>, vector<16xi32> -> vector<16xf32>
        %parallel_loop3A_340 = arith.addf %parallel_loop3A_329, %parallel_loop3A_339 : vector<16xf32>
        %parallel_loop3A_341 = arith.constant 0 : i32
        %parallel_loop3A_342 = vector.broadcast %parallel_loop3A_341 : i32 to vector<16xi32>
        %parallel_loop3A_343 = arith.cmpi slt, %xor3A_38, %parallel_loop3A_342 : vector<16xi32>
        %parallel_loop3A_344 = arith.constant 16 : i32
        %parallel_loop3A_345 = vector.broadcast %parallel_loop3A_344 : i32 to vector<16xi32>
        %parallel_loop3A_346 = arith.addi %xor3A_38, %parallel_loop3A_345 : vector<16xi32>
        %parallel_loop3A_347 = arith.select %parallel_loop3A_343, %parallel_loop3A_346, %xor3A_38 : vector<16xi1>, vector<16xi32>
        %parallel_loop3A_348 = vector.shape_cast %parallel_loop3A_347 : vector<16xi32> to vector<16x1xi32>
        %parallel_loop3A_349 = vector.shape_cast %parallel_loop3A_348 : vector<16x1xi32> to vector<16xi32>
        %parallel_loop3A_350 = tpu.dynamic_gather %parallel_loop3A_340[%parallel_loop3A_349] in [0] : vector<16xf32>, vector<16xi32> -> vector<16xf32>
        %parallel_loop3A_351 = arith.addf %parallel_loop3A_340, %parallel_loop3A_350 : vector<16xf32>
        %parallel_loop3A_352 = arith.constant 1.562500e-02 : f32
        %parallel_loop3A_353 = vector.broadcast %parallel_loop3A_352 : f32 to vector<16xf32>
        %parallel_loop3A_354 = arith.mulf %parallel_loop3A_351, %parallel_loop3A_353 : vector<16xf32>
        %parallel_loop3A_355 = arith.mulf %parallel_loop3A_307, %parallel_loop3A_307 : vector<16xf32>
        %parallel_loop3A_356 = arith.subf %parallel_loop3A_354, %parallel_loop3A_355 : vector<16xf32>
        %parallel_loop3A_357 = arith.constant 9.99999974E-6 : f32
        %parallel_loop3A_358 = vector.broadcast %parallel_loop3A_357 : f32 to vector<16xf32>
        %parallel_loop3A_359 = arith.addf %parallel_loop3A_356, %parallel_loop3A_358 : vector<16xf32>
        %parallel_loop3A_360 = tpu.bitcast %parallel_loop3A_359 : vector<16xf32> -> vector<16xi32>
        %parallel_loop3A_361 = arith.constant 1597463007 : i32
        %parallel_loop3A_362 = vector.broadcast %parallel_loop3A_361 : i32 to vector<16xi32>
        %parallel_loop3A_363 = arith.constant 1 : i32
        %parallel_loop3A_364 = vector.broadcast %parallel_loop3A_363 : i32 to vector<16xi32>
        %parallel_loop3A_365 = arith.shrsi %parallel_loop3A_360, %parallel_loop3A_364 : vector<16xi32>
        %parallel_loop3A_366 = arith.subi %parallel_loop3A_362, %parallel_loop3A_365 : vector<16xi32>
        %parallel_loop3A_367 = tpu.bitcast %parallel_loop3A_366 : vector<16xi32> -> vector<16xf32>
        %parallel_loop3A_368 = arith.constant 5.000000e-01 : f32
        %parallel_loop3A_369 = vector.broadcast %parallel_loop3A_368 : f32 to vector<16xf32>
        %parallel_loop3A_370 = arith.mulf %parallel_loop3A_369, %parallel_loop3A_359 : vector<16xf32>
        %parallel_loop3A_371 = arith.mulf %parallel_loop3A_370, %parallel_loop3A_367 : vector<16xf32>
        %parallel_loop3A_372 = arith.mulf %parallel_loop3A_371, %parallel_loop3A_367 : vector<16xf32>
        %parallel_loop3A_373 = arith.constant 1.500000e+00 : f32
        %parallel_loop3A_374 = vector.broadcast %parallel_loop3A_373 : f32 to vector<16xf32>
        %parallel_loop3A_375 = arith.subf %parallel_loop3A_374, %parallel_loop3A_372 : vector<16xf32>
        %parallel_loop3A_376 = arith.mulf %parallel_loop3A_367, %parallel_loop3A_375 : vector<16xf32>
        %parallel_loop3A_377 = arith.mulf %parallel_loop3A_370, %parallel_loop3A_376 : vector<16xf32>
        %parallel_loop3A_378 = arith.mulf %parallel_loop3A_377, %parallel_loop3A_376 : vector<16xf32>
        %parallel_loop3A_379 = arith.constant 1.500000e+00 : f32
        %parallel_loop3A_380 = vector.broadcast %parallel_loop3A_379 : f32 to vector<16xf32>
        %parallel_loop3A_381 = arith.subf %parallel_loop3A_380, %parallel_loop3A_378 : vector<16xf32>
        %parallel_loop3A_382 = arith.mulf %parallel_loop3A_376, %parallel_loop3A_381 : vector<16xf32>
        %parallel_loop3A_383 = arith.subf %parallel_loop3A_223, %parallel_loop3A_307 : vector<16xf32>
        %parallel_loop3A_384 = arith.mulf %parallel_loop3A_382, %get3A_6 : vector<16xf32>
        %parallel_loop3A_385 = arith.mulf %parallel_loop3A_383, %parallel_loop3A_384 : vector<16xf32>
        %parallel_loop3A_386 = arith.addf %parallel_loop3A_385, %get3A_18 : vector<16xf32>
        %parallel_loop3A_387 = arith.index_cast %parallel_loop3A_208 : i32 to index
        %parallel_loop3A_388 = arith.constant 0 : index
        %parallel_loop3A_389 = tpu.vector_load %arg12[%parallel_loop3A_387, %parallel_loop3A_388] {strides = array<i32>} : memref<128x64xf32, #tpu.memory_space<vmem>>, vector<1x16xf32>,
        %parallel_loop3A_390 = vector.shape_cast %parallel_loop3A_389 : vector<1x16xf32> to vector<16xf32>
        %parallel_loop3A_391 = vector.shape_cast %parallel_loop3A_386 : vector<16xf32> to vector<1x16xf32>
        tpu.vector_store %arg12[%parallel_loop3A_387, %parallel_loop3A_388], %parallel_loop3A_391 {strides = array<i32>} : memref<128x64xf32, #tpu.memory_space<vmem>>, vector<1x16xf32>,
        %parallel_loop3A_392 = arith.subf %parallel_loop3A_232, %parallel_loop3A_307 : vector<16xf32>
        %parallel_loop3A_393 = arith.mulf %parallel_loop3A_382, %get3A_9 : vector<16xf32>
        %parallel_loop3A_394 = arith.mulf %parallel_loop3A_392, %parallel_loop3A_393 : vector<16xf32>
        %parallel_loop3A_395 = arith.addf %parallel_loop3A_394, %get3A_21 : vector<16xf32>
        %parallel_loop3A_396 = arith.index_cast %parallel_loop3A_208 : i32 to index
        %parallel_loop3A_397 = arith.constant 16 : index
        %parallel_loop3A_398 = tpu.vector_load %arg12[%parallel_loop3A_396, %parallel_loop3A_397] {strides = array<i32>} : memref<128x64xf32, #tpu.memory_space<vmem>>, vector<1x16xf32>,
        %parallel_loop3A_399 = vector.shape_cast %parallel_loop3A_398 : vector<1x16xf32> to vector<16xf32>
        %parallel_loop3A_400 = vector.shape_cast %parallel_loop3A_395 : vector<16xf32> to vector<1x16xf32>
        tpu.vector_store %arg12[%parallel_loop3A_396, %parallel_loop3A_397], %parallel_loop3A_400 {strides = array<i32>} : memref<128x64xf32, #tpu.memory_space<vmem>>, vector<1x16xf32>,
        %parallel_loop3A_401 = arith.subf %parallel_loop3A_241, %parallel_loop3A_307 : vector<16xf32>
        %parallel_loop3A_402 = arith.mulf %parallel_loop3A_382, %get3A_12 : vector<16xf32>
        %parallel_loop3A_403 = arith.mulf %parallel_loop3A_401, %parallel_loop3A_402 : vector<16xf32>
        %parallel_loop3A_404 = arith.addf %parallel_loop3A_403, %get3A_24 : vector<16xf32>
        %parallel_loop3A_405 = arith.index_cast %parallel_loop3A_208 : i32 to index
        %parallel_loop3A_406 = arith.constant 32 : index
        %parallel_loop3A_407 = tpu.vector_load %arg12[%parallel_loop3A_405, %parallel_loop3A_406] {strides = array<i32>} : memref<128x64xf32, #tpu.memory_space<vmem>>, vector<1x16xf32>,
        %parallel_loop3A_408 = vector.shape_cast %parallel_loop3A_407 : vector<1x16xf32> to vector<16xf32>
        %parallel_loop3A_409 = vector.shape_cast %parallel_loop3A_404 : vector<16xf32> to vector<1x16xf32>
        tpu.vector_store %arg12[%parallel_loop3A_405, %parallel_loop3A_406], %parallel_loop3A_409 {strides = array<i32>} : memref<128x64xf32, #tpu.memory_space<vmem>>, vector<1x16xf32>,
        %parallel_loop3A_410 = arith.subf %parallel_loop3A_250, %parallel_loop3A_307 : vector<16xf32>
        %parallel_loop3A_411 = arith.mulf %parallel_loop3A_382, %get3A_15 : vector<16xf32>
        %parallel_loop3A_412 = arith.mulf %parallel_loop3A_410, %parallel_loop3A_411 : vector<16xf32>
        %parallel_loop3A_413 = arith.addf %parallel_loop3A_412, %get3A_27 : vector<16xf32>
        %parallel_loop3A_414 = arith.index_cast %parallel_loop3A_208 : i32 to index
        %parallel_loop3A_415 = arith.constant 48 : index
        %parallel_loop3A_416 = tpu.vector_load %arg12[%parallel_loop3A_414, %parallel_loop3A_415] {strides = array<i32>} : memref<128x64xf32, #tpu.memory_space<vmem>>, vector<1x16xf32>,
        %parallel_loop3A_417 = vector.shape_cast %parallel_loop3A_416 : vector<1x16xf32> to vector<16xf32>
        %parallel_loop3A_418 = vector.shape_cast %parallel_loop3A_413 : vector<16xf32> to vector<1x16xf32>
        tpu.vector_store %arg12[%parallel_loop3A_414, %parallel_loop3A_415], %parallel_loop3A_418 {strides = array<i32>} : memref<128x64xf32, #tpu.memory_space<vmem>>, vector<1x16xf32>,
      } {sc.loop_unroll_factor = 4 : i64, sc.parallel_access}
      %mul3A_152 = arith.constant 128 : i32
      %mul3A_153 = arith.muli %add3A_119, %mul3A_152 : i32
      %add3A_154 = arith.addi %mul3A_2, %mul3A_153 : i32
      %multiple_of3A_155 = tpu.assume_multiple %add3A_154, 128 : i32
      %dma_start3A_156 = arith.constant 0 : i32
      %dma_start3A_157 = tpu.memref_slice %arg7[%multiple_of3A_155, %dma_start3A_156] : memref<819200x64xf32, #tpu.memory_space<hbm>> -> memref<128x64xf32, #tpu.memory_space<hbm>>
      %dma_start3A_158 = arith.constant 0 : i32
      %dma_start3A_159 = tpu.memref_slice %arg7[%multiple_of3A_155, %dma_start3A_158] : memref<819200x64xf32, #tpu.memory_space<hbm>> -> memref<128x64xf32, #tpu.memory_space<hbm>>
      tpu.enqueue_dma source(%arg12 : memref<128x64xf32, #tpu.memory_space<vmem>>) target(%dma_start3A_159 : memref<128x64xf32, #tpu.memory_space<hbm>>) target_semaphore(%arg19 : memref<!tpu.dma_semaphore, #tpu.memory_space<semaphore_mem>>)
      %mul3A_160 = arith.constant 2 : i32
      %mul3A_161 = arith.muli %mul3A_160, %scan3A_112 : i32
      %add3A_162 = arith.constant 1 : i32
      %add3A_163 = arith.addi %add3A_162, %mul3A_161 : i32
      %add3A_164 = arith.constant 1 : i32
      %add3A_165 = arith.addi %add3A_163, %add3A_164 : i32
      %sub3A_166 = arith.constant 1 : i32
      %sub3A_167 = arith.subi %add3A_165, %sub3A_166 : i32
      %mul3A_168 = arith.constant 128 : i32
      %mul3A_169 = arith.muli %sub3A_167, %mul3A_168 : i32
      %add3A_170 = arith.addi %mul3A_2, %mul3A_169 : i32
      %multiple_of3A_171 = tpu.assume_multiple %add3A_170, 128 : i32
      %dma_wait3A_172 = arith.constant 0 : i32
      %dma_wait3A_173 = tpu.memref_slice %arg7[%multiple_of3A_171, %dma_wait3A_172] : memref<819200x64xf32, #tpu.memory_space<hbm>> -> memref<128x64xf32, #tpu.memory_space<hbm>>
      %dma_wait3A_174 = arith.constant 0 : i32
      %dma_wait3A_175 = tpu.memref_slice %arg7[%multiple_of3A_171, %dma_wait3A_174] : memref<819200x64xf32, #tpu.memory_space<hbm>> -> memref<128x64xf32, #tpu.memory_space<hbm>>
      tpu.wait_dma2 semaphore(%arg19 : memref<!tpu.dma_semaphore, #tpu.memory_space<semaphore_mem>>) src(%arg12 : memref<128x64xf32, #tpu.memory_space<vmem>>) dst(%dma_wait3A_175 : memref<128x64xf32, #tpu.memory_space<hbm>>)
      %add3A_176 = arith.constant 1 : i32
      %add3A_177 = arith.addi %add3A_165, %add3A_176 : i32
      %dma_start3A_178 = arith.constant 0 : i32
      %dma_start3A_179 = tpu.memref_slice %arg8[%add3A_177, %dma_start3A_178] : memref<200x128xi32, #tpu.memory_space<vmem>> -> memref<1x128xi32, #tpu.memory_space<vmem>>
      %dma_start3A_180 = tpu.memref_squeeze %dma_start3A_179 : memref<1x128xi32, #tpu.memory_space<vmem>> -> memref<128xi32, #tpu.memory_space<vmem>>
      %dma_start3A_181 = arith.constant 0 : i32
      %dma_start3A_182 = arith.constant 0 : i32
      %dma_start3A_183 = tpu.memref_slice %arg3[%dma_start3A_181, %dma_start3A_182] : memref<1000000x128xf32, #tpu.memory_space<hbm>> -> memref<1000000x128xf32, #tpu.memory_space<hbm>>
      tpu.enqueue_indirect_dma source(%dma_start3A_183 : memref<1000000x128xf32, #tpu.memory_space<hbm>>) target(%arg10 : memref<128x128xf32, #tpu.memory_space<vmem>>) offsets(%dma_start3A_180 : memref<128xi32, #tpu.memory_space<vmem>>) semaphore(%arg17 : memref<!tpu.dma_semaphore, #tpu.memory_space<semaphore_mem>>)
      %dma_wait3A_184 = arith.constant 0 : i32
      %dma_wait3A_185 = tpu.memref_slice %arg8[%add3A_165, %dma_wait3A_184] : memref<200x128xi32, #tpu.memory_space<vmem>> -> memref<1x128xi32, #tpu.memory_space<vmem>>
      %dma_wait3A_186 = tpu.memref_squeeze %dma_wait3A_185 : memref<1x128xi32, #tpu.memory_space<vmem>> -> memref<128xi32, #tpu.memory_space<vmem>>
      %dma_wait3A_187 = arith.constant 0 : i32
      %dma_wait3A_188 = arith.constant 0 : i32
      %dma_wait3A_189 = tpu.memref_slice %arg3[%dma_wait3A_187, %dma_wait3A_188] : memref<1000000x128xf32, #tpu.memory_space<hbm>> -> memref<1000000x128xf32, #tpu.memory_space<hbm>>
      tpu.wait_indirect_dma semaphore(%arg16 : memref<!tpu.dma_semaphore, #tpu.memory_space<semaphore_mem>>) src(%dma_wait3A_189 : memref<1000000x128xf32, #tpu.memory_space<hbm>>) dst(%arg9 : memref<128x128xf32, #tpu.memory_space<vmem>>)
      %mul3A_190 = arith.constant 128 : i32
      %mul3A_191 = arith.muli %add3A_165, %mul3A_190 : i32
      %add3A_192 = arith.addi %mul3A_2, %mul3A_191 : i32
      %multiple_of3A_193 = tpu.assume_multiple %add3A_192, 128 : i32
      %rem3A_194 = arith.constant 200 : i32
      %rem3A_195 = arith.remsi %multiple_of3A_193, %rem3A_194 : i32
      %parallel_loop3A_196 = arith.constant 0 : i32
      %parallel_loop3A_197 = arith.constant 128 : i32
      %parallel_loop3A_198 = arith.constant 1 : i32
      scf.for %parallel_loop3A_208 = %parallel_loop3A_196 to %parallel_loop3A_197 step %parallel_loop3A_198  : i32 {
        %parallel_loop3A_209 = arith.addi %rem3A_195, %parallel_loop3A_208 : i32
        %parallel_loop3A_210 = arith.constant 200 : i32
        %parallel_loop3A_211 = arith.cmpi sge, %parallel_loop3A_209, %parallel_loop3A_210 : i32
        %parallel_loop3A_212 = arith.constant 200 : i32
        %parallel_loop3A_213 = arith.subi %parallel_loop3A_209, %parallel_loop3A_212 : i32
        %parallel_loop3A_214 = arith.select %parallel_loop3A_211, %parallel_loop3A_213, %parallel_loop3A_209 : i32
        %parallel_loop3A_215 = arith.index_cast %parallel_loop3A_208 : i32 to index
        %parallel_loop3A_216 = arith.constant 0 : index
        %parallel_loop3A_217 = tpu.vector_load %arg9[%parallel_loop3A_215, %parallel_loop3A_216] {strides = array<i32>} : memref<128x128xf32, #tpu.memory_space<vmem>>, vector<1x16xf32>,
        %parallel_loop3A_218 = vector.shape_cast %parallel_loop3A_217 : vector<1x16xf32> to vector<16xf32>
        %parallel_loop3A_219 = arith.index_cast %parallel_loop3A_214 : i32 to index
        %parallel_loop3A_220 = arith.constant 0 : index
        %parallel_loop3A_221 = tpu.vector_load %arg13[%parallel_loop3A_219, %parallel_loop3A_220] {strides = array<i32>} : memref<200x64xf32, #tpu.memory_space<vmem>>, vector<1x16xf32>,
        %parallel_loop3A_222 = vector.shape_cast %parallel_loop3A_221 : vector<1x16xf32> to vector<16xf32>
        %parallel_loop3A_223 = arith.addf %parallel_loop3A_218, %parallel_loop3A_222 : vector<16xf32>
        %parallel_loop3A_224 = arith.index_cast %parallel_loop3A_208 : i32 to index
        %parallel_loop3A_225 = arith.constant 16 : index
        %parallel_loop3A_226 = tpu.vector_load %arg9[%parallel_loop3A_224, %parallel_loop3A_225] {strides = array<i32>} : memref<128x128xf32, #tpu.memory_space<vmem>>, vector<1x16xf32>,
        %parallel_loop3A_227 = vector.shape_cast %parallel_loop3A_226 : vector<1x16xf32> to vector<16xf32>
        %parallel_loop3A_228 = arith.index_cast %parallel_loop3A_214 : i32 to index
        %parallel_loop3A_229 = arith.constant 16 : index
        %parallel_loop3A_230 = tpu.vector_load %arg13[%parallel_loop3A_228, %parallel_loop3A_229] {strides = array<i32>} : memref<200x64xf32, #tpu.memory_space<vmem>>, vector<1x16xf32>,
        %parallel_loop3A_231 = vector.shape_cast %parallel_loop3A_230 : vector<1x16xf32> to vector<16xf32>
        %parallel_loop3A_232 = arith.addf %parallel_loop3A_227, %parallel_loop3A_231 : vector<16xf32>
        %parallel_loop3A_233 = arith.index_cast %parallel_loop3A_208 : i32 to index
        %parallel_loop3A_234 = arith.constant 32 : index
        %parallel_loop3A_235 = tpu.vector_load %arg9[%parallel_loop3A_233, %parallel_loop3A_234] {strides = array<i32>} : memref<128x128xf32, #tpu.memory_space<vmem>>, vector<1x16xf32>,
        %parallel_loop3A_236 = vector.shape_cast %parallel_loop3A_235 : vector<1x16xf32> to vector<16xf32>
        %parallel_loop3A_237 = arith.index_cast %parallel_loop3A_214 : i32 to index
        %parallel_loop3A_238 = arith.constant 32 : index
        %parallel_loop3A_239 = tpu.vector_load %arg13[%parallel_loop3A_237, %parallel_loop3A_238] {strides = array<i32>} : memref<200x64xf32, #tpu.memory_space<vmem>>, vector<1x16xf32>,
        %parallel_loop3A_240 = vector.shape_cast %parallel_loop3A_239 : vector<1x16xf32> to vector<16xf32>
        %parallel_loop3A_241 = arith.addf %parallel_loop3A_236, %parallel_loop3A_240 : vector<16xf32>
        %parallel_loop3A_242 = arith.index_cast %parallel_loop3A_208 : i32 to index
        %parallel_loop3A_243 = arith.constant 48 : index
        %parallel_loop3A_244 = tpu.vector_load %arg9[%parallel_loop3A_242, %parallel_loop3A_243] {strides = array<i32>} : memref<128x128xf32, #tpu.memory_space<vmem>>, vector<1x16xf32>,
        %parallel_loop3A_245 = vector.shape_cast %parallel_loop3A_244 : vector<1x16xf32> to vector<16xf32>
        %parallel_loop3A_246 = arith.index_cast %parallel_loop3A_214 : i32 to index
        %parallel_loop3A_247 = arith.constant 48 : index
        %parallel_loop3A_248 = tpu.vector_load %arg13[%parallel_loop3A_246, %parallel_loop3A_247] {strides = array<i32>} : memref<200x64xf32, #tpu.memory_space<vmem>>, vector<1x16xf32>,
        %parallel_loop3A_249 = vector.shape_cast %parallel_loop3A_248 : vector<1x16xf32> to vector<16xf32>
        %parallel_loop3A_250 = arith.addf %parallel_loop3A_245, %parallel_loop3A_249 : vector<16xf32>
        %parallel_loop3A_251 = arith.addf %parallel_loop3A_223, %parallel_loop3A_232 : vector<16xf32>
        %parallel_loop3A_252 = arith.addf %parallel_loop3A_241, %parallel_loop3A_250 : vector<16xf32>
        %parallel_loop3A_253 = arith.addf %parallel_loop3A_251, %parallel_loop3A_252 : vector<16xf32>
        %parallel_loop3A_254 = arith.mulf %parallel_loop3A_223, %parallel_loop3A_223 : vector<16xf32>
        %parallel_loop3A_255 = arith.mulf %parallel_loop3A_232, %parallel_loop3A_232 : vector<16xf32>
        %parallel_loop3A_256 = arith.mulf %parallel_loop3A_241, %parallel_loop3A_241 : vector<16xf32>
        %parallel_loop3A_257 = arith.mulf %parallel_loop3A_250, %parallel_loop3A_250 : vector<16xf32>
        %parallel_loop3A_258 = arith.addf %parallel_loop3A_254, %parallel_loop3A_255 : vector<16xf32>
        %parallel_loop3A_259 = arith.addf %parallel_loop3A_256, %parallel_loop3A_257 : vector<16xf32>
        %parallel_loop3A_260 = arith.addf %parallel_loop3A_258, %parallel_loop3A_259 : vector<16xf32>
        %parallel_loop3A_261 = arith.constant 0 : i32
        %parallel_loop3A_262 = vector.broadcast %parallel_loop3A_261 : i32 to vector<16xi32>
        %parallel_loop3A_263 = arith.cmpi slt, %xor3A_29, %parallel_loop3A_262 : vector<16xi32>
        %parallel_loop3A_264 = arith.constant 16 : i32
        %parallel_loop3A_265 = vector.broadcast %parallel_loop3A_264 : i32 to vector<16xi32>
        %parallel_loop3A_266 = arith.addi %xor3A_29, %parallel_loop3A_265 : vector<16xi32>
        %parallel_loop3A_267 = arith.select %parallel_loop3A_263, %parallel_loop3A_266, %xor3A_29 : vector<16xi1>, vector<16xi32>
        %parallel_loop3A_268 = vector.shape_cast %parallel_loop3A_267 : vector<16xi32> to vector<16x1xi32>
        %parallel_loop3A_269 = vector.shape_cast %parallel_loop3A_268 : vector<16x1xi32> to vector<16xi32>
        %parallel_loop3A_270 = tpu.dynamic_gather %parallel_loop3A_253[%parallel_loop3A_269] in [0] : vector<16xf32>, vector<16xi32> -> vector<16xf32>
        %parallel_loop3A_271 = arith.addf %parallel_loop3A_253, %parallel_loop3A_270 : vector<16xf32>
        %parallel_loop3A_272 = arith.constant 0 : i32
        %parallel_loop3A_273 = vector.broadcast %parallel_loop3A_272 : i32 to vector<16xi32>
        %parallel_loop3A_274 = arith.cmpi slt, %xor3A_32, %parallel_loop3A_273 : vector<16xi32>
        %parallel_loop3A_275 = arith.constant 16 : i32
        %parallel_loop3A_276 = vector.broadcast %parallel_loop3A_275 : i32 to vector<16xi32>
        %parallel_loop3A_277 = arith.addi %xor3A_32, %parallel_loop3A_276 : vector<16xi32>
        %parallel_loop3A_278 = arith.select %parallel_loop3A_274, %parallel_loop3A_277, %xor3A_32 : vector<16xi1>, vector<16xi32>
        %parallel_loop3A_279 = vector.shape_cast %parallel_loop3A_278 : vector<16xi32> to vector<16x1xi32>
        %parallel_loop3A_280 = vector.shape_cast %parallel_loop3A_279 : vector<16x1xi32> to vector<16xi32>
        %parallel_loop3A_281 = tpu.dynamic_gather %parallel_loop3A_271[%parallel_loop3A_280] in [0] : vector<16xf32>, vector<16xi32> -> vector<16xf32>
        %parallel_loop3A_282 = arith.addf %parallel_loop3A_271, %parallel_loop3A_281 : vector<16xf32>
        %parallel_loop3A_283 = arith.constant 0 : i32
        %parallel_loop3A_284 = vector.broadcast %parallel_loop3A_283 : i32 to vector<16xi32>
        %parallel_loop3A_285 = arith.cmpi slt, %xor3A_35, %parallel_loop3A_284 : vector<16xi32>
        %parallel_loop3A_286 = arith.constant 16 : i32
        %parallel_loop3A_287 = vector.broadcast %parallel_loop3A_286 : i32 to vector<16xi32>
        %parallel_loop3A_288 = arith.addi %xor3A_35, %parallel_loop3A_287 : vector<16xi32>
        %parallel_loop3A_289 = arith.select %parallel_loop3A_285, %parallel_loop3A_288, %xor3A_35 : vector<16xi1>, vector<16xi32>
        %parallel_loop3A_290 = vector.shape_cast %parallel_loop3A_289 : vector<16xi32> to vector<16x1xi32>
        %parallel_loop3A_291 = vector.shape_cast %parallel_loop3A_290 : vector<16x1xi32> to vector<16xi32>
        %parallel_loop3A_292 = tpu.dynamic_gather %parallel_loop3A_282[%parallel_loop3A_291] in [0] : vector<16xf32>, vector<16xi32> -> vector<16xf32>
        %parallel_loop3A_293 = arith.addf %parallel_loop3A_282, %parallel_loop3A_292 : vector<16xf32>
        %parallel_loop3A_294 = arith.constant 0 : i32
        %parallel_loop3A_295 = vector.broadcast %parallel_loop3A_294 : i32 to vector<16xi32>
        %parallel_loop3A_296 = arith.cmpi slt, %xor3A_38, %parallel_loop3A_295 : vector<16xi32>
        %parallel_loop3A_297 = arith.constant 16 : i32
        %parallel_loop3A_298 = vector.broadcast %parallel_loop3A_297 : i32 to vector<16xi32>
        %parallel_loop3A_299 = arith.addi %xor3A_38, %parallel_loop3A_298 : vector<16xi32>
        %parallel_loop3A_300 = arith.select %parallel_loop3A_296, %parallel_loop3A_299, %xor3A_38 : vector<16xi1>, vector<16xi32>
        %parallel_loop3A_301 = vector.shape_cast %parallel_loop3A_300 : vector<16xi32> to vector<16x1xi32>
        %parallel_loop3A_302 = vector.shape_cast %parallel_loop3A_301 : vector<16x1xi32> to vector<16xi32>
        %parallel_loop3A_303 = tpu.dynamic_gather %parallel_loop3A_293[%parallel_loop3A_302] in [0] : vector<16xf32>, vector<16xi32> -> vector<16xf32>
        %parallel_loop3A_304 = arith.addf %parallel_loop3A_293, %parallel_loop3A_303 : vector<16xf32>
        %parallel_loop3A_305 = arith.constant 1.562500e-02 : f32
        %parallel_loop3A_306 = vector.broadcast %parallel_loop3A_305 : f32 to vector<16xf32>
        %parallel_loop3A_307 = arith.mulf %parallel_loop3A_304, %parallel_loop3A_306 : vector<16xf32>
        %parallel_loop3A_308 = arith.constant 0 : i32
        %parallel_loop3A_309 = vector.broadcast %parallel_loop3A_308 : i32 to vector<16xi32>
        %parallel_loop3A_310 = arith.cmpi slt, %xor3A_29, %parallel_loop3A_309 : vector<16xi32>
        %parallel_loop3A_311 = arith.constant 16 : i32
        %parallel_loop3A_312 = vector.broadcast %parallel_loop3A_311 : i32 to vector<16xi32>
        %parallel_loop3A_313 = arith.addi %xor3A_29, %parallel_loop3A_312 : vector<16xi32>
        %parallel_loop3A_314 = arith.select %parallel_loop3A_310, %parallel_loop3A_313, %xor3A_29 : vector<16xi1>, vector<16xi32>
        %parallel_loop3A_315 = vector.shape_cast %parallel_loop3A_314 : vector<16xi32> to vector<16x1xi32>
        %parallel_loop3A_316 = vector.shape_cast %parallel_loop3A_315 : vector<16x1xi32> to vector<16xi32>
        %parallel_loop3A_317 = tpu.dynamic_gather %parallel_loop3A_260[%parallel_loop3A_316] in [0] : vector<16xf32>, vector<16xi32> -> vector<16xf32>
        %parallel_loop3A_318 = arith.addf %parallel_loop3A_260, %parallel_loop3A_317 : vector<16xf32>
        %parallel_loop3A_319 = arith.constant 0 : i32
        %parallel_loop3A_320 = vector.broadcast %parallel_loop3A_319 : i32 to vector<16xi32>
        %parallel_loop3A_321 = arith.cmpi slt, %xor3A_32, %parallel_loop3A_320 : vector<16xi32>
        %parallel_loop3A_322 = arith.constant 16 : i32
        %parallel_loop3A_323 = vector.broadcast %parallel_loop3A_322 : i32 to vector<16xi32>
        %parallel_loop3A_324 = arith.addi %xor3A_32, %parallel_loop3A_323 : vector<16xi32>
        %parallel_loop3A_325 = arith.select %parallel_loop3A_321, %parallel_loop3A_324, %xor3A_32 : vector<16xi1>, vector<16xi32>
        %parallel_loop3A_326 = vector.shape_cast %parallel_loop3A_325 : vector<16xi32> to vector<16x1xi32>
        %parallel_loop3A_327 = vector.shape_cast %parallel_loop3A_326 : vector<16x1xi32> to vector<16xi32>
        %parallel_loop3A_328 = tpu.dynamic_gather %parallel_loop3A_318[%parallel_loop3A_327] in [0] : vector<16xf32>, vector<16xi32> -> vector<16xf32>
        %parallel_loop3A_329 = arith.addf %parallel_loop3A_318, %parallel_loop3A_328 : vector<16xf32>
        %parallel_loop3A_330 = arith.constant 0 : i32
        %parallel_loop3A_331 = vector.broadcast %parallel_loop3A_330 : i32 to vector<16xi32>
        %parallel_loop3A_332 = arith.cmpi slt, %xor3A_35, %parallel_loop3A_331 : vector<16xi32>
        %parallel_loop3A_333 = arith.constant 16 : i32
        %parallel_loop3A_334 = vector.broadcast %parallel_loop3A_333 : i32 to vector<16xi32>
        %parallel_loop3A_335 = arith.addi %xor3A_35, %parallel_loop3A_334 : vector<16xi32>
        %parallel_loop3A_336 = arith.select %parallel_loop3A_332, %parallel_loop3A_335, %xor3A_35 : vector<16xi1>, vector<16xi32>
        %parallel_loop3A_337 = vector.shape_cast %parallel_loop3A_336 : vector<16xi32> to vector<16x1xi32>
        %parallel_loop3A_338 = vector.shape_cast %parallel_loop3A_337 : vector<16x1xi32> to vector<16xi32>
        %parallel_loop3A_339 = tpu.dynamic_gather %parallel_loop3A_329[%parallel_loop3A_338] in [0] : vector<16xf32>, vector<16xi32> -> vector<16xf32>
        %parallel_loop3A_340 = arith.addf %parallel_loop3A_329, %parallel_loop3A_339 : vector<16xf32>
        %parallel_loop3A_341 = arith.constant 0 : i32
        %parallel_loop3A_342 = vector.broadcast %parallel_loop3A_341 : i32 to vector<16xi32>
        %parallel_loop3A_343 = arith.cmpi slt, %xor3A_38, %parallel_loop3A_342 : vector<16xi32>
        %parallel_loop3A_344 = arith.constant 16 : i32
        %parallel_loop3A_345 = vector.broadcast %parallel_loop3A_344 : i32 to vector<16xi32>
        %parallel_loop3A_346 = arith.addi %xor3A_38, %parallel_loop3A_345 : vector<16xi32>
        %parallel_loop3A_347 = arith.select %parallel_loop3A_343, %parallel_loop3A_346, %xor3A_38 : vector<16xi1>, vector<16xi32>
        %parallel_loop3A_348 = vector.shape_cast %parallel_loop3A_347 : vector<16xi32> to vector<16x1xi32>
        %parallel_loop3A_349 = vector.shape_cast %parallel_loop3A_348 : vector<16x1xi32> to vector<16xi32>
        %parallel_loop3A_350 = tpu.dynamic_gather %parallel_loop3A_340[%parallel_loop3A_349] in [0] : vector<16xf32>, vector<16xi32> -> vector<16xf32>
        %parallel_loop3A_351 = arith.addf %parallel_loop3A_340, %parallel_loop3A_350 : vector<16xf32>
        %parallel_loop3A_352 = arith.constant 1.562500e-02 : f32
        %parallel_loop3A_353 = vector.broadcast %parallel_loop3A_352 : f32 to vector<16xf32>
        %parallel_loop3A_354 = arith.mulf %parallel_loop3A_351, %parallel_loop3A_353 : vector<16xf32>
        %parallel_loop3A_355 = arith.mulf %parallel_loop3A_307, %parallel_loop3A_307 : vector<16xf32>
        %parallel_loop3A_356 = arith.subf %parallel_loop3A_354, %parallel_loop3A_355 : vector<16xf32>
        %parallel_loop3A_357 = arith.constant 9.99999974E-6 : f32
        %parallel_loop3A_358 = vector.broadcast %parallel_loop3A_357 : f32 to vector<16xf32>
        %parallel_loop3A_359 = arith.addf %parallel_loop3A_356, %parallel_loop3A_358 : vector<16xf32>
        %parallel_loop3A_360 = tpu.bitcast %parallel_loop3A_359 : vector<16xf32> -> vector<16xi32>
        %parallel_loop3A_361 = arith.constant 1597463007 : i32
        %parallel_loop3A_362 = vector.broadcast %parallel_loop3A_361 : i32 to vector<16xi32>
        %parallel_loop3A_363 = arith.constant 1 : i32
        %parallel_loop3A_364 = vector.broadcast %parallel_loop3A_363 : i32 to vector<16xi32>
        %parallel_loop3A_365 = arith.shrsi %parallel_loop3A_360, %parallel_loop3A_364 : vector<16xi32>
        %parallel_loop3A_366 = arith.subi %parallel_loop3A_362, %parallel_loop3A_365 : vector<16xi32>
        %parallel_loop3A_367 = tpu.bitcast %parallel_loop3A_366 : vector<16xi32> -> vector<16xf32>
        %parallel_loop3A_368 = arith.constant 5.000000e-01 : f32
        %parallel_loop3A_369 = vector.broadcast %parallel_loop3A_368 : f32 to vector<16xf32>
        %parallel_loop3A_370 = arith.mulf %parallel_loop3A_369, %parallel_loop3A_359 : vector<16xf32>
        %parallel_loop3A_371 = arith.mulf %parallel_loop3A_370, %parallel_loop3A_367 : vector<16xf32>
        %parallel_loop3A_372 = arith.mulf %parallel_loop3A_371, %parallel_loop3A_367 : vector<16xf32>
        %parallel_loop3A_373 = arith.constant 1.500000e+00 : f32
        %parallel_loop3A_374 = vector.broadcast %parallel_loop3A_373 : f32 to vector<16xf32>
        %parallel_loop3A_375 = arith.subf %parallel_loop3A_374, %parallel_loop3A_372 : vector<16xf32>
        %parallel_loop3A_376 = arith.mulf %parallel_loop3A_367, %parallel_loop3A_375 : vector<16xf32>
        %parallel_loop3A_377 = arith.mulf %parallel_loop3A_370, %parallel_loop3A_376 : vector<16xf32>
        %parallel_loop3A_378 = arith.mulf %parallel_loop3A_377, %parallel_loop3A_376 : vector<16xf32>
        %parallel_loop3A_379 = arith.constant 1.500000e+00 : f32
        %parallel_loop3A_380 = vector.broadcast %parallel_loop3A_379 : f32 to vector<16xf32>
        %parallel_loop3A_381 = arith.subf %parallel_loop3A_380, %parallel_loop3A_378 : vector<16xf32>
        %parallel_loop3A_382 = arith.mulf %parallel_loop3A_376, %parallel_loop3A_381 : vector<16xf32>
        %parallel_loop3A_383 = arith.subf %parallel_loop3A_223, %parallel_loop3A_307 : vector<16xf32>
        %parallel_loop3A_384 = arith.mulf %parallel_loop3A_382, %get3A_6 : vector<16xf32>
        %parallel_loop3A_385 = arith.mulf %parallel_loop3A_383, %parallel_loop3A_384 : vector<16xf32>
        %parallel_loop3A_386 = arith.addf %parallel_loop3A_385, %get3A_18 : vector<16xf32>
        %parallel_loop3A_387 = arith.index_cast %parallel_loop3A_208 : i32 to index
        %parallel_loop3A_388 = arith.constant 0 : index
        %parallel_loop3A_389 = tpu.vector_load %arg11[%parallel_loop3A_387, %parallel_loop3A_388] {strides = array<i32>} : memref<128x64xf32, #tpu.memory_space<vmem>>, vector<1x16xf32>,
        %parallel_loop3A_390 = vector.shape_cast %parallel_loop3A_389 : vector<1x16xf32> to vector<16xf32>
        %parallel_loop3A_391 = vector.shape_cast %parallel_loop3A_386 : vector<16xf32> to vector<1x16xf32>
        tpu.vector_store %arg11[%parallel_loop3A_387, %parallel_loop3A_388], %parallel_loop3A_391 {strides = array<i32>} : memref<128x64xf32, #tpu.memory_space<vmem>>, vector<1x16xf32>,
        %parallel_loop3A_392 = arith.subf %parallel_loop3A_232, %parallel_loop3A_307 : vector<16xf32>
        %parallel_loop3A_393 = arith.mulf %parallel_loop3A_382, %get3A_9 : vector<16xf32>
        %parallel_loop3A_394 = arith.mulf %parallel_loop3A_392, %parallel_loop3A_393 : vector<16xf32>
        %parallel_loop3A_395 = arith.addf %parallel_loop3A_394, %get3A_21 : vector<16xf32>
        %parallel_loop3A_396 = arith.index_cast %parallel_loop3A_208 : i32 to index
        %parallel_loop3A_397 = arith.constant 16 : index
        %parallel_loop3A_398 = tpu.vector_load %arg11[%parallel_loop3A_396, %parallel_loop3A_397] {strides = array<i32>} : memref<128x64xf32, #tpu.memory_space<vmem>>, vector<1x16xf32>,
        %parallel_loop3A_399 = vector.shape_cast %parallel_loop3A_398 : vector<1x16xf32> to vector<16xf32>
        %parallel_loop3A_400 = vector.shape_cast %parallel_loop3A_395 : vector<16xf32> to vector<1x16xf32>
        tpu.vector_store %arg11[%parallel_loop3A_396, %parallel_loop3A_397], %parallel_loop3A_400 {strides = array<i32>} : memref<128x64xf32, #tpu.memory_space<vmem>>, vector<1x16xf32>,
        %parallel_loop3A_401 = arith.subf %parallel_loop3A_241, %parallel_loop3A_307 : vector<16xf32>
        %parallel_loop3A_402 = arith.mulf %parallel_loop3A_382, %get3A_12 : vector<16xf32>
        %parallel_loop3A_403 = arith.mulf %parallel_loop3A_401, %parallel_loop3A_402 : vector<16xf32>
        %parallel_loop3A_404 = arith.addf %parallel_loop3A_403, %get3A_24 : vector<16xf32>
        %parallel_loop3A_405 = arith.index_cast %parallel_loop3A_208 : i32 to index
        %parallel_loop3A_406 = arith.constant 32 : index
        %parallel_loop3A_407 = tpu.vector_load %arg11[%parallel_loop3A_405, %parallel_loop3A_406] {strides = array<i32>} : memref<128x64xf32, #tpu.memory_space<vmem>>, vector<1x16xf32>,
        %parallel_loop3A_408 = vector.shape_cast %parallel_loop3A_407 : vector<1x16xf32> to vector<16xf32>
        %parallel_loop3A_409 = vector.shape_cast %parallel_loop3A_404 : vector<16xf32> to vector<1x16xf32>
        tpu.vector_store %arg11[%parallel_loop3A_405, %parallel_loop3A_406], %parallel_loop3A_409 {strides = array<i32>} : memref<128x64xf32, #tpu.memory_space<vmem>>, vector<1x16xf32>,
        %parallel_loop3A_410 = arith.subf %parallel_loop3A_250, %parallel_loop3A_307 : vector<16xf32>
        %parallel_loop3A_411 = arith.mulf %parallel_loop3A_382, %get3A_15 : vector<16xf32>
        %parallel_loop3A_412 = arith.mulf %parallel_loop3A_410, %parallel_loop3A_411 : vector<16xf32>
        %parallel_loop3A_413 = arith.addf %parallel_loop3A_412, %get3A_27 : vector<16xf32>
        %parallel_loop3A_414 = arith.index_cast %parallel_loop3A_208 : i32 to index
        %parallel_loop3A_415 = arith.constant 48 : index
        %parallel_loop3A_416 = tpu.vector_load %arg11[%parallel_loop3A_414, %parallel_loop3A_415] {strides = array<i32>} : memref<128x64xf32, #tpu.memory_space<vmem>>, vector<1x16xf32>,
        %parallel_loop3A_417 = vector.shape_cast %parallel_loop3A_416 : vector<1x16xf32> to vector<16xf32>
        %parallel_loop3A_418 = vector.shape_cast %parallel_loop3A_413 : vector<16xf32> to vector<1x16xf32>
        tpu.vector_store %arg11[%parallel_loop3A_414, %parallel_loop3A_415], %parallel_loop3A_418 {strides = array<i32>} : memref<128x64xf32, #tpu.memory_space<vmem>>, vector<1x16xf32>,
      } {sc.loop_unroll_factor = 4 : i64, sc.parallel_access}
      %mul3A_199 = arith.constant 128 : i32
      %mul3A_200 = arith.muli %add3A_165, %mul3A_199 : i32
      %add3A_201 = arith.addi %mul3A_2, %mul3A_200 : i32
      %multiple_of3A_202 = tpu.assume_multiple %add3A_201, 128 : i32
      %dma_start3A_203 = arith.constant 0 : i32
      %dma_start3A_204 = tpu.memref_slice %arg7[%multiple_of3A_202, %dma_start3A_203] : memref<819200x64xf32, #tpu.memory_space<hbm>> -> memref<128x64xf32, #tpu.memory_space<hbm>>
      %dma_start3A_205 = arith.constant 0 : i32
      %dma_start3A_206 = tpu.memref_slice %arg7[%multiple_of3A_202, %dma_start3A_205] : memref<819200x64xf32, #tpu.memory_space<hbm>> -> memref<128x64xf32, #tpu.memory_space<hbm>>
      tpu.enqueue_dma source(%arg11 : memref<128x64xf32, #tpu.memory_space<vmem>>) target(%dma_start3A_206 : memref<128x64xf32, #tpu.memory_space<hbm>>) target_semaphore(%arg18 : memref<!tpu.dma_semaphore, #tpu.memory_space<semaphore_mem>>)
      %scan3A_207 = arith.constant 0 : i32
      scf.yield %scan3A_207 : i32
    }
    %scan3A_75 = arith.constant 99 : i32
    %dma_wait3A_76 = arith.constant 199 : i32
    %dma_wait3A_77 = arith.constant 0 : i32
    %dma_wait3A_78 = tpu.memref_slice %arg8[%dma_wait3A_76, %dma_wait3A_77] : memref<200x128xi32, #tpu.memory_space<vmem>> -> memref<1x128xi32, #tpu.memory_space<vmem>>
    %dma_wait3A_79 = tpu.memref_squeeze %dma_wait3A_78 : memref<1x128xi32, #tpu.memory_space<vmem>> -> memref<128xi32, #tpu.memory_space<vmem>>
    %dma_wait3A_80 = arith.constant 0 : i32
    %dma_wait3A_81 = arith.constant 0 : i32
    %dma_wait3A_82 = tpu.memref_slice %arg3[%dma_wait3A_80, %dma_wait3A_81] : memref<1000000x128xf32, #tpu.memory_space<hbm>> -> memref<1000000x128xf32, #tpu.memory_space<hbm>>
    tpu.wait_indirect_dma semaphore(%arg17 : memref<!tpu.dma_semaphore, #tpu.memory_space<semaphore_mem>>) src(%dma_wait3A_82 : memref<1000000x128xf32, #tpu.memory_space<hbm>>) dst(%arg10 : memref<128x128xf32, #tpu.memory_space<vmem>>)
    %add3A_83 = arith.constant 25472 : i32
    %add3A_84 = arith.addi %mul3A_2, %add3A_83 : i32
    %multiple_of3A_85 = tpu.assume_multiple %add3A_84, 128 : i32
    %rem3A_86 = arith.constant 200 : i32
    %rem3A_87 = arith.remsi %multiple_of3A_85, %rem3A_86 : i32
    %parallel_loop3A_88 = arith.constant 0 : i32
    %parallel_loop3A_89 = arith.constant 128 : i32
    %parallel_loop3A_90 = arith.constant 1 : i32
    scf.for %parallel_loop3A_112 = %parallel_loop3A_88 to %parallel_loop3A_89 step %parallel_loop3A_90  : i32 {
      %parallel_loop3A_113 = arith.addi %rem3A_87, %parallel_loop3A_112 : i32
      %parallel_loop3A_114 = arith.constant 200 : i32
      %parallel_loop3A_115 = arith.cmpi sge, %parallel_loop3A_113, %parallel_loop3A_114 : i32
      %parallel_loop3A_116 = arith.constant 200 : i32
      %parallel_loop3A_117 = arith.subi %parallel_loop3A_113, %parallel_loop3A_116 : i32
      %parallel_loop3A_118 = arith.select %parallel_loop3A_115, %parallel_loop3A_117, %parallel_loop3A_113 : i32
      %parallel_loop3A_119 = arith.index_cast %parallel_loop3A_112 : i32 to index
      %parallel_loop3A_120 = arith.constant 0 : index
      %parallel_loop3A_121 = tpu.vector_load %arg10[%parallel_loop3A_119, %parallel_loop3A_120] {strides = array<i32>} : memref<128x128xf32, #tpu.memory_space<vmem>>, vector<1x16xf32>,
      %parallel_loop3A_122 = vector.shape_cast %parallel_loop3A_121 : vector<1x16xf32> to vector<16xf32>
      %parallel_loop3A_123 = arith.index_cast %parallel_loop3A_118 : i32 to index
      %parallel_loop3A_124 = arith.constant 0 : index
      %parallel_loop3A_125 = tpu.vector_load %arg13[%parallel_loop3A_123, %parallel_loop3A_124] {strides = array<i32>} : memref<200x64xf32, #tpu.memory_space<vmem>>, vector<1x16xf32>,
      %parallel_loop3A_126 = vector.shape_cast %parallel_loop3A_125 : vector<1x16xf32> to vector<16xf32>
      %parallel_loop3A_127 = arith.addf %parallel_loop3A_122, %parallel_loop3A_126 : vector<16xf32>
      %parallel_loop3A_128 = arith.index_cast %parallel_loop3A_112 : i32 to index
      %parallel_loop3A_129 = arith.constant 16 : index
      %parallel_loop3A_130 = tpu.vector_load %arg10[%parallel_loop3A_128, %parallel_loop3A_129] {strides = array<i32>} : memref<128x128xf32, #tpu.memory_space<vmem>>, vector<1x16xf32>,
      %parallel_loop3A_131 = vector.shape_cast %parallel_loop3A_130 : vector<1x16xf32> to vector<16xf32>
      %parallel_loop3A_132 = arith.index_cast %parallel_loop3A_118 : i32 to index
      %parallel_loop3A_133 = arith.constant 16 : index
      %parallel_loop3A_134 = tpu.vector_load %arg13[%parallel_loop3A_132, %parallel_loop3A_133] {strides = array<i32>} : memref<200x64xf32, #tpu.memory_space<vmem>>, vector<1x16xf32>,
      %parallel_loop3A_135 = vector.shape_cast %parallel_loop3A_134 : vector<1x16xf32> to vector<16xf32>
      %parallel_loop3A_136 = arith.addf %parallel_loop3A_131, %parallel_loop3A_135 : vector<16xf32>
      %parallel_loop3A_137 = arith.index_cast %parallel_loop3A_112 : i32 to index
      %parallel_loop3A_138 = arith.constant 32 : index
      %parallel_loop3A_139 = tpu.vector_load %arg10[%parallel_loop3A_137, %parallel_loop3A_138] {strides = array<i32>} : memref<128x128xf32, #tpu.memory_space<vmem>>, vector<1x16xf32>,
      %parallel_loop3A_140 = vector.shape_cast %parallel_loop3A_139 : vector<1x16xf32> to vector<16xf32>
      %parallel_loop3A_141 = arith.index_cast %parallel_loop3A_118 : i32 to index
      %parallel_loop3A_142 = arith.constant 32 : index
      %parallel_loop3A_143 = tpu.vector_load %arg13[%parallel_loop3A_141, %parallel_loop3A_142] {strides = array<i32>} : memref<200x64xf32, #tpu.memory_space<vmem>>, vector<1x16xf32>,
      %parallel_loop3A_144 = vector.shape_cast %parallel_loop3A_143 : vector<1x16xf32> to vector<16xf32>
      %parallel_loop3A_145 = arith.addf %parallel_loop3A_140, %parallel_loop3A_144 : vector<16xf32>
      %parallel_loop3A_146 = arith.index_cast %parallel_loop3A_112 : i32 to index
      %parallel_loop3A_147 = arith.constant 48 : index
      %parallel_loop3A_148 = tpu.vector_load %arg10[%parallel_loop3A_146, %parallel_loop3A_147] {strides = array<i32>} : memref<128x128xf32, #tpu.memory_space<vmem>>, vector<1x16xf32>,
      %parallel_loop3A_149 = vector.shape_cast %parallel_loop3A_148 : vector<1x16xf32> to vector<16xf32>
      %parallel_loop3A_150 = arith.index_cast %parallel_loop3A_118 : i32 to index
      %parallel_loop3A_151 = arith.constant 48 : index
      %parallel_loop3A_152 = tpu.vector_load %arg13[%parallel_loop3A_150, %parallel_loop3A_151] {strides = array<i32>} : memref<200x64xf32, #tpu.memory_space<vmem>>, vector<1x16xf32>,
      %parallel_loop3A_153 = vector.shape_cast %parallel_loop3A_152 : vector<1x16xf32> to vector<16xf32>
      %parallel_loop3A_154 = arith.addf %parallel_loop3A_149, %parallel_loop3A_153 : vector<16xf32>
      %parallel_loop3A_155 = arith.addf %parallel_loop3A_127, %parallel_loop3A_136 : vector<16xf32>
      %parallel_loop3A_156 = arith.addf %parallel_loop3A_145, %parallel_loop3A_154 : vector<16xf32>
      %parallel_loop3A_157 = arith.addf %parallel_loop3A_155, %parallel_loop3A_156 : vector<16xf32>
      %parallel_loop3A_158 = arith.mulf %parallel_loop3A_127, %parallel_loop3A_127 : vector<16xf32>
      %parallel_loop3A_159 = arith.mulf %parallel_loop3A_136, %parallel_loop3A_136 : vector<16xf32>
      %parallel_loop3A_160 = arith.mulf %parallel_loop3A_145, %parallel_loop3A_145 : vector<16xf32>
      %parallel_loop3A_161 = arith.mulf %parallel_loop3A_154, %parallel_loop3A_154 : vector<16xf32>
      %parallel_loop3A_162 = arith.addf %parallel_loop3A_158, %parallel_loop3A_159 : vector<16xf32>
      %parallel_loop3A_163 = arith.addf %parallel_loop3A_160, %parallel_loop3A_161 : vector<16xf32>
      %parallel_loop3A_164 = arith.addf %parallel_loop3A_162, %parallel_loop3A_163 : vector<16xf32>
      %parallel_loop3A_165 = arith.constant 0 : i32
      %parallel_loop3A_166 = vector.broadcast %parallel_loop3A_165 : i32 to vector<16xi32>
      %parallel_loop3A_167 = arith.cmpi slt, %xor3A_29, %parallel_loop3A_166 : vector<16xi32>
      %parallel_loop3A_168 = arith.constant 16 : i32
      %parallel_loop3A_169 = vector.broadcast %parallel_loop3A_168 : i32 to vector<16xi32>
      %parallel_loop3A_170 = arith.addi %xor3A_29, %parallel_loop3A_169 : vector<16xi32>
      %parallel_loop3A_171 = arith.select %parallel_loop3A_167, %parallel_loop3A_170, %xor3A_29 : vector<16xi1>, vector<16xi32>
      %parallel_loop3A_172 = vector.shape_cast %parallel_loop3A_171 : vector<16xi32> to vector<16x1xi32>
      %parallel_loop3A_173 = vector.shape_cast %parallel_loop3A_172 : vector<16x1xi32> to vector<16xi32>
      %parallel_loop3A_174 = tpu.dynamic_gather %parallel_loop3A_157[%parallel_loop3A_173] in [0] : vector<16xf32>, vector<16xi32> -> vector<16xf32>
      %parallel_loop3A_175 = arith.addf %parallel_loop3A_157, %parallel_loop3A_174 : vector<16xf32>
      %parallel_loop3A_176 = arith.constant 0 : i32
      %parallel_loop3A_177 = vector.broadcast %parallel_loop3A_176 : i32 to vector<16xi32>
      %parallel_loop3A_178 = arith.cmpi slt, %xor3A_32, %parallel_loop3A_177 : vector<16xi32>
      %parallel_loop3A_179 = arith.constant 16 : i32
      %parallel_loop3A_180 = vector.broadcast %parallel_loop3A_179 : i32 to vector<16xi32>
      %parallel_loop3A_181 = arith.addi %xor3A_32, %parallel_loop3A_180 : vector<16xi32>
      %parallel_loop3A_182 = arith.select %parallel_loop3A_178, %parallel_loop3A_181, %xor3A_32 : vector<16xi1>, vector<16xi32>
      %parallel_loop3A_183 = vector.shape_cast %parallel_loop3A_182 : vector<16xi32> to vector<16x1xi32>
      %parallel_loop3A_184 = vector.shape_cast %parallel_loop3A_183 : vector<16x1xi32> to vector<16xi32>
      %parallel_loop3A_185 = tpu.dynamic_gather %parallel_loop3A_175[%parallel_loop3A_184] in [0] : vector<16xf32>, vector<16xi32> -> vector<16xf32>
      %parallel_loop3A_186 = arith.addf %parallel_loop3A_175, %parallel_loop3A_185 : vector<16xf32>
      %parallel_loop3A_187 = arith.constant 0 : i32
      %parallel_loop3A_188 = vector.broadcast %parallel_loop3A_187 : i32 to vector<16xi32>
      %parallel_loop3A_189 = arith.cmpi slt, %xor3A_35, %parallel_loop3A_188 : vector<16xi32>
      %parallel_loop3A_190 = arith.constant 16 : i32
      %parallel_loop3A_191 = vector.broadcast %parallel_loop3A_190 : i32 to vector<16xi32>
      %parallel_loop3A_192 = arith.addi %xor3A_35, %parallel_loop3A_191 : vector<16xi32>
      %parallel_loop3A_193 = arith.select %parallel_loop3A_189, %parallel_loop3A_192, %xor3A_35 : vector<16xi1>, vector<16xi32>
      %parallel_loop3A_194 = vector.shape_cast %parallel_loop3A_193 : vector<16xi32> to vector<16x1xi32>
      %parallel_loop3A_195 = vector.shape_cast %parallel_loop3A_194 : vector<16x1xi32> to vector<16xi32>
      %parallel_loop3A_196 = tpu.dynamic_gather %parallel_loop3A_186[%parallel_loop3A_195] in [0] : vector<16xf32>, vector<16xi32> -> vector<16xf32>
      %parallel_loop3A_197 = arith.addf %parallel_loop3A_186, %parallel_loop3A_196 : vector<16xf32>
      %parallel_loop3A_198 = arith.constant 0 : i32
      %parallel_loop3A_199 = vector.broadcast %parallel_loop3A_198 : i32 to vector<16xi32>
      %parallel_loop3A_200 = arith.cmpi slt, %xor3A_38, %parallel_loop3A_199 : vector<16xi32>
      %parallel_loop3A_201 = arith.constant 16 : i32
      %parallel_loop3A_202 = vector.broadcast %parallel_loop3A_201 : i32 to vector<16xi32>
      %parallel_loop3A_203 = arith.addi %xor3A_38, %parallel_loop3A_202 : vector<16xi32>
      %parallel_loop3A_204 = arith.select %parallel_loop3A_200, %parallel_loop3A_203, %xor3A_38 : vector<16xi1>, vector<16xi32>
      %parallel_loop3A_205 = vector.shape_cast %parallel_loop3A_204 : vector<16xi32> to vector<16x1xi32>
      %parallel_loop3A_206 = vector.shape_cast %parallel_loop3A_205 : vector<16x1xi32> to vector<16xi32>
      %parallel_loop3A_207 = tpu.dynamic_gather %parallel_loop3A_197[%parallel_loop3A_206] in [0] : vector<16xf32>, vector<16xi32> -> vector<16xf32>
      %parallel_loop3A_208 = arith.addf %parallel_loop3A_197, %parallel_loop3A_207 : vector<16xf32>
      %parallel_loop3A_209 = arith.constant 1.562500e-02 : f32
      %parallel_loop3A_210 = vector.broadcast %parallel_loop3A_209 : f32 to vector<16xf32>
      %parallel_loop3A_211 = arith.mulf %parallel_loop3A_208, %parallel_loop3A_210 : vector<16xf32>
      %parallel_loop3A_212 = arith.constant 0 : i32
      %parallel_loop3A_213 = vector.broadcast %parallel_loop3A_212 : i32 to vector<16xi32>
      %parallel_loop3A_214 = arith.cmpi slt, %xor3A_29, %parallel_loop3A_213 : vector<16xi32>
      %parallel_loop3A_215 = arith.constant 16 : i32
      %parallel_loop3A_216 = vector.broadcast %parallel_loop3A_215 : i32 to vector<16xi32>
      %parallel_loop3A_217 = arith.addi %xor3A_29, %parallel_loop3A_216 : vector<16xi32>
      %parallel_loop3A_218 = arith.select %parallel_loop3A_214, %parallel_loop3A_217, %xor3A_29 : vector<16xi1>, vector<16xi32>
      %parallel_loop3A_219 = vector.shape_cast %parallel_loop3A_218 : vector<16xi32> to vector<16x1xi32>
      %parallel_loop3A_220 = vector.shape_cast %parallel_loop3A_219 : vector<16x1xi32> to vector<16xi32>
      %parallel_loop3A_221 = tpu.dynamic_gather %parallel_loop3A_164[%parallel_loop3A_220] in [0] : vector<16xf32>, vector<16xi32> -> vector<16xf32>
      %parallel_loop3A_222 = arith.addf %parallel_loop3A_164, %parallel_loop3A_221 : vector<16xf32>
      %parallel_loop3A_223 = arith.constant 0 : i32
      %parallel_loop3A_224 = vector.broadcast %parallel_loop3A_223 : i32 to vector<16xi32>
      %parallel_loop3A_225 = arith.cmpi slt, %xor3A_32, %parallel_loop3A_224 : vector<16xi32>
      %parallel_loop3A_226 = arith.constant 16 : i32
      %parallel_loop3A_227 = vector.broadcast %parallel_loop3A_226 : i32 to vector<16xi32>
      %parallel_loop3A_228 = arith.addi %xor3A_32, %parallel_loop3A_227 : vector<16xi32>
      %parallel_loop3A_229 = arith.select %parallel_loop3A_225, %parallel_loop3A_228, %xor3A_32 : vector<16xi1>, vector<16xi32>
      %parallel_loop3A_230 = vector.shape_cast %parallel_loop3A_229 : vector<16xi32> to vector<16x1xi32>
      %parallel_loop3A_231 = vector.shape_cast %parallel_loop3A_230 : vector<16x1xi32> to vector<16xi32>
      %parallel_loop3A_232 = tpu.dynamic_gather %parallel_loop3A_222[%parallel_loop3A_231] in [0] : vector<16xf32>, vector<16xi32> -> vector<16xf32>
      %parallel_loop3A_233 = arith.addf %parallel_loop3A_222, %parallel_loop3A_232 : vector<16xf32>
      %parallel_loop3A_234 = arith.constant 0 : i32
      %parallel_loop3A_235 = vector.broadcast %parallel_loop3A_234 : i32 to vector<16xi32>
      %parallel_loop3A_236 = arith.cmpi slt, %xor3A_35, %parallel_loop3A_235 : vector<16xi32>
      %parallel_loop3A_237 = arith.constant 16 : i32
      %parallel_loop3A_238 = vector.broadcast %parallel_loop3A_237 : i32 to vector<16xi32>
      %parallel_loop3A_239 = arith.addi %xor3A_35, %parallel_loop3A_238 : vector<16xi32>
      %parallel_loop3A_240 = arith.select %parallel_loop3A_236, %parallel_loop3A_239, %xor3A_35 : vector<16xi1>, vector<16xi32>
      %parallel_loop3A_241 = vector.shape_cast %parallel_loop3A_240 : vector<16xi32> to vector<16x1xi32>
      %parallel_loop3A_242 = vector.shape_cast %parallel_loop3A_241 : vector<16x1xi32> to vector<16xi32>
      %parallel_loop3A_243 = tpu.dynamic_gather %parallel_loop3A_233[%parallel_loop3A_242] in [0] : vector<16xf32>, vector<16xi32> -> vector<16xf32>
      %parallel_loop3A_244 = arith.addf %parallel_loop3A_233, %parallel_loop3A_243 : vector<16xf32>
      %parallel_loop3A_245 = arith.constant 0 : i32
      %parallel_loop3A_246 = vector.broadcast %parallel_loop3A_245 : i32 to vector<16xi32>
      %parallel_loop3A_247 = arith.cmpi slt, %xor3A_38, %parallel_loop3A_246 : vector<16xi32>
      %parallel_loop3A_248 = arith.constant 16 : i32
      %parallel_loop3A_249 = vector.broadcast %parallel_loop3A_248 : i32 to vector<16xi32>
      %parallel_loop3A_250 = arith.addi %xor3A_38, %parallel_loop3A_249 : vector<16xi32>
      %parallel_loop3A_251 = arith.select %parallel_loop3A_247, %parallel_loop3A_250, %xor3A_38 : vector<16xi1>, vector<16xi32>
      %parallel_loop3A_252 = vector.shape_cast %parallel_loop3A_251 : vector<16xi32> to vector<16x1xi32>
      %parallel_loop3A_253 = vector.shape_cast %parallel_loop3A_252 : vector<16x1xi32> to vector<16xi32>
      %parallel_loop3A_254 = tpu.dynamic_gather %parallel_loop3A_244[%parallel_loop3A_253] in [0] : vector<16xf32>, vector<16xi32> -> vector<16xf32>
      %parallel_loop3A_255 = arith.addf %parallel_loop3A_244, %parallel_loop3A_254 : vector<16xf32>
      %parallel_loop3A_256 = arith.constant 1.562500e-02 : f32
      %parallel_loop3A_257 = vector.broadcast %parallel_loop3A_256 : f32 to vector<16xf32>
      %parallel_loop3A_258 = arith.mulf %parallel_loop3A_255, %parallel_loop3A_257 : vector<16xf32>
      %parallel_loop3A_259 = arith.mulf %parallel_loop3A_211, %parallel_loop3A_211 : vector<16xf32>
      %parallel_loop3A_260 = arith.subf %parallel_loop3A_258, %parallel_loop3A_259 : vector<16xf32>
      %parallel_loop3A_261 = arith.constant 9.99999974E-6 : f32
      %parallel_loop3A_262 = vector.broadcast %parallel_loop3A_261 : f32 to vector<16xf32>
      %parallel_loop3A_263 = arith.addf %parallel_loop3A_260, %parallel_loop3A_262 : vector<16xf32>
      %parallel_loop3A_264 = tpu.bitcast %parallel_loop3A_263 : vector<16xf32> -> vector<16xi32>
      %parallel_loop3A_265 = arith.constant 1597463007 : i32
      %parallel_loop3A_266 = vector.broadcast %parallel_loop3A_265 : i32 to vector<16xi32>
      %parallel_loop3A_267 = arith.constant 1 : i32
      %parallel_loop3A_268 = vector.broadcast %parallel_loop3A_267 : i32 to vector<16xi32>
      %parallel_loop3A_269 = arith.shrsi %parallel_loop3A_264, %parallel_loop3A_268 : vector<16xi32>
      %parallel_loop3A_270 = arith.subi %parallel_loop3A_266, %parallel_loop3A_269 : vector<16xi32>
      %parallel_loop3A_271 = tpu.bitcast %parallel_loop3A_270 : vector<16xi32> -> vector<16xf32>
      %parallel_loop3A_272 = arith.constant 5.000000e-01 : f32
      %parallel_loop3A_273 = vector.broadcast %parallel_loop3A_272 : f32 to vector<16xf32>
      %parallel_loop3A_274 = arith.mulf %parallel_loop3A_273, %parallel_loop3A_263 : vector<16xf32>
      %parallel_loop3A_275 = arith.mulf %parallel_loop3A_274, %parallel_loop3A_271 : vector<16xf32>
      %parallel_loop3A_276 = arith.mulf %parallel_loop3A_275, %parallel_loop3A_271 : vector<16xf32>
      %parallel_loop3A_277 = arith.constant 1.500000e+00 : f32
      %parallel_loop3A_278 = vector.broadcast %parallel_loop3A_277 : f32 to vector<16xf32>
      %parallel_loop3A_279 = arith.subf %parallel_loop3A_278, %parallel_loop3A_276 : vector<16xf32>
      %parallel_loop3A_280 = arith.mulf %parallel_loop3A_271, %parallel_loop3A_279 : vector<16xf32>
      %parallel_loop3A_281 = arith.mulf %parallel_loop3A_274, %parallel_loop3A_280 : vector<16xf32>
      %parallel_loop3A_282 = arith.mulf %parallel_loop3A_281, %parallel_loop3A_280 : vector<16xf32>
      %parallel_loop3A_283 = arith.constant 1.500000e+00 : f32
      %parallel_loop3A_284 = vector.broadcast %parallel_loop3A_283 : f32 to vector<16xf32>
      %parallel_loop3A_285 = arith.subf %parallel_loop3A_284, %parallel_loop3A_282 : vector<16xf32>
      %parallel_loop3A_286 = arith.mulf %parallel_loop3A_280, %parallel_loop3A_285 : vector<16xf32>
      %parallel_loop3A_287 = arith.subf %parallel_loop3A_127, %parallel_loop3A_211 : vector<16xf32>
      %parallel_loop3A_288 = arith.mulf %parallel_loop3A_286, %get3A_6 : vector<16xf32>
      %parallel_loop3A_289 = arith.mulf %parallel_loop3A_287, %parallel_loop3A_288 : vector<16xf32>
      %parallel_loop3A_290 = arith.addf %parallel_loop3A_289, %get3A_18 : vector<16xf32>
      %parallel_loop3A_291 = arith.index_cast %parallel_loop3A_112 : i32 to index
      %parallel_loop3A_292 = arith.constant 0 : index
      %parallel_loop3A_293 = tpu.vector_load %arg12[%parallel_loop3A_291, %parallel_loop3A_292] {strides = array<i32>} : memref<128x64xf32, #tpu.memory_space<vmem>>, vector<1x16xf32>,
      %parallel_loop3A_294 = vector.shape_cast %parallel_loop3A_293 : vector<1x16xf32> to vector<16xf32>
      %parallel_loop3A_295 = vector.shape_cast %parallel_loop3A_290 : vector<16xf32> to vector<1x16xf32>
      tpu.vector_store %arg12[%parallel_loop3A_291, %parallel_loop3A_292], %parallel_loop3A_295 {strides = array<i32>} : memref<128x64xf32, #tpu.memory_space<vmem>>, vector<1x16xf32>,
      %parallel_loop3A_296 = arith.subf %parallel_loop3A_136, %parallel_loop3A_211 : vector<16xf32>
      %parallel_loop3A_297 = arith.mulf %parallel_loop3A_286, %get3A_9 : vector<16xf32>
      %parallel_loop3A_298 = arith.mulf %parallel_loop3A_296, %parallel_loop3A_297 : vector<16xf32>
      %parallel_loop3A_299 = arith.addf %parallel_loop3A_298, %get3A_21 : vector<16xf32>
      %parallel_loop3A_300 = arith.index_cast %parallel_loop3A_112 : i32 to index
      %parallel_loop3A_301 = arith.constant 16 : index
      %parallel_loop3A_302 = tpu.vector_load %arg12[%parallel_loop3A_300, %parallel_loop3A_301] {strides = array<i32>} : memref<128x64xf32, #tpu.memory_space<vmem>>, vector<1x16xf32>,
      %parallel_loop3A_303 = vector.shape_cast %parallel_loop3A_302 : vector<1x16xf32> to vector<16xf32>
      %parallel_loop3A_304 = vector.shape_cast %parallel_loop3A_299 : vector<16xf32> to vector<1x16xf32>
      tpu.vector_store %arg12[%parallel_loop3A_300, %parallel_loop3A_301], %parallel_loop3A_304 {strides = array<i32>} : memref<128x64xf32, #tpu.memory_space<vmem>>, vector<1x16xf32>,
      %parallel_loop3A_305 = arith.subf %parallel_loop3A_145, %parallel_loop3A_211 : vector<16xf32>
      %parallel_loop3A_306 = arith.mulf %parallel_loop3A_286, %get3A_12 : vector<16xf32>
      %parallel_loop3A_307 = arith.mulf %parallel_loop3A_305, %parallel_loop3A_306 : vector<16xf32>
      %parallel_loop3A_308 = arith.addf %parallel_loop3A_307, %get3A_24 : vector<16xf32>
      %parallel_loop3A_309 = arith.index_cast %parallel_loop3A_112 : i32 to index
      %parallel_loop3A_310 = arith.constant 32 : index
      %parallel_loop3A_311 = tpu.vector_load %arg12[%parallel_loop3A_309, %parallel_loop3A_310] {strides = array<i32>} : memref<128x64xf32, #tpu.memory_space<vmem>>, vector<1x16xf32>,
      %parallel_loop3A_312 = vector.shape_cast %parallel_loop3A_311 : vector<1x16xf32> to vector<16xf32>
      %parallel_loop3A_313 = vector.shape_cast %parallel_loop3A_308 : vector<16xf32> to vector<1x16xf32>
      tpu.vector_store %arg12[%parallel_loop3A_309, %parallel_loop3A_310], %parallel_loop3A_313 {strides = array<i32>} : memref<128x64xf32, #tpu.memory_space<vmem>>, vector<1x16xf32>,
      %parallel_loop3A_314 = arith.subf %parallel_loop3A_154, %parallel_loop3A_211 : vector<16xf32>
      %parallel_loop3A_315 = arith.mulf %parallel_loop3A_286, %get3A_15 : vector<16xf32>
      %parallel_loop3A_316 = arith.mulf %parallel_loop3A_314, %parallel_loop3A_315 : vector<16xf32>
      %parallel_loop3A_317 = arith.addf %parallel_loop3A_316, %get3A_27 : vector<16xf32>
      %parallel_loop3A_318 = arith.index_cast %parallel_loop3A_112 : i32 to index
      %parallel_loop3A_319 = arith.constant 48 : index
      %parallel_loop3A_320 = tpu.vector_load %arg12[%parallel_loop3A_318, %parallel_loop3A_319] {strides = array<i32>} : memref<128x64xf32, #tpu.memory_space<vmem>>, vector<1x16xf32>,
      %parallel_loop3A_321 = vector.shape_cast %parallel_loop3A_320 : vector<1x16xf32> to vector<16xf32>
      %parallel_loop3A_322 = vector.shape_cast %parallel_loop3A_317 : vector<16xf32> to vector<1x16xf32>
      tpu.vector_store %arg12[%parallel_loop3A_318, %parallel_loop3A_319], %parallel_loop3A_322 {strides = array<i32>} : memref<128x64xf32, #tpu.memory_space<vmem>>, vector<1x16xf32>,
    } {sc.loop_unroll_factor = 4 : i64, sc.parallel_access}
    %add3A_91 = arith.constant 25472 : i32
    %add3A_92 = arith.addi %mul3A_2, %add3A_91 : i32
    %multiple_of3A_93 = tpu.assume_multiple %add3A_92, 128 : i32
    %dma_start3A_94 = arith.constant 0 : i32
    %dma_start3A_95 = tpu.memref_slice %arg7[%multiple_of3A_93, %dma_start3A_94] : memref<819200x64xf32, #tpu.memory_space<hbm>> -> memref<128x64xf32, #tpu.memory_space<hbm>>
    %dma_start3A_96 = arith.constant 0 : i32
    %dma_start3A_97 = tpu.memref_slice %arg7[%multiple_of3A_93, %dma_start3A_96] : memref<819200x64xf32, #tpu.memory_space<hbm>> -> memref<128x64xf32, #tpu.memory_space<hbm>>
    tpu.enqueue_dma source(%arg12 : memref<128x64xf32, #tpu.memory_space<vmem>>) target(%dma_start3A_97 : memref<128x64xf32, #tpu.memory_space<hbm>>) target_semaphore(%arg19 : memref<!tpu.dma_semaphore, #tpu.memory_space<semaphore_mem>>)
    %add3A_98 = arith.constant 25344 : i32
    %add3A_99 = arith.addi %mul3A_2, %add3A_98 : i32
    %multiple_of3A_100 = tpu.assume_multiple %add3A_99, 128 : i32
    %dma_wait3A_101 = arith.constant 0 : i32
    %dma_wait3A_102 = tpu.memref_slice %arg7[%multiple_of3A_100, %dma_wait3A_101] : memref<819200x64xf32, #tpu.memory_space<hbm>> -> memref<128x64xf32, #tpu.memory_space<hbm>>
    %dma_wait3A_103 = arith.constant 0 : i32
    %dma_wait3A_104 = tpu.memref_slice %arg7[%multiple_of3A_100, %dma_wait3A_103] : memref<819200x64xf32, #tpu.memory_space<hbm>> -> memref<128x64xf32, #tpu.memory_space<hbm>>
    tpu.wait_dma2 semaphore(%arg18 : memref<!tpu.dma_semaphore, #tpu.memory_space<semaphore_mem>>) src(%arg11 : memref<128x64xf32, #tpu.memory_space<vmem>>) dst(%dma_wait3A_104 : memref<128x64xf32, #tpu.memory_space<hbm>>)
    %add3A_105 = arith.constant 25472 : i32
    %add3A_106 = arith.addi %mul3A_2, %add3A_105 : i32
    %multiple_of3A_107 = tpu.assume_multiple %add3A_106, 128 : i32
    %dma_wait3A_108 = arith.constant 0 : i32
    %dma_wait3A_109 = tpu.memref_slice %arg7[%multiple_of3A_107, %dma_wait3A_108] : memref<819200x64xf32, #tpu.memory_space<hbm>> -> memref<128x64xf32, #tpu.memory_space<hbm>>
    %dma_wait3A_110 = arith.constant 0 : i32
    %dma_wait3A_111 = tpu.memref_slice %arg7[%multiple_of3A_107, %dma_wait3A_110] : memref<819200x64xf32, #tpu.memory_space<hbm>> -> memref<128x64xf32, #tpu.memory_space<hbm>>
    tpu.wait_dma2 semaphore(%arg19 : memref<!tpu.dma_semaphore, #tpu.memory_space<semaphore_mem>>) src(%arg12 : memref<128x64xf32, #tpu.memory_space<vmem>>) dst(%dma_wait3A_111 : memref<128x64xf32, #tpu.memory_space<hbm>>)
    return
  }
}

</mosaic_0001>

<sc_bundles>
// kernel: kernel.3.cloned.1.call-start
scs
__scs_entry_jumppad:
0x0: {  	(pc) =	sbr.rel $0x88, $3  }
0x1: {  	(tag) =	ssettag $0x0;
	lr =	simm.s32 $0x1  }
0x2: {  	[smem:$0x3F9C] =	sst lr;
	_ =	strace $0xD0000000  }
0x3: {  	_ = 	snop  }
0x4: {  	_ = 	snop  }
0x5: {  	_ = 	snop  }
0x6: {  	_ = 	snop  }
0x7: {  	_ = 	snop  }
__scs_overlays_trampoline_lowered:
0x8: {  	[smem:$0x3FAB] =	sst s0  }
0x9: {  	[smem:$0x3FAC] =	sst s1  }
0xa: {  	[smem:$0x3FAD] =	sst s2  }
0xb: {  	[smem:$0x3FAE] =	sst s3  }
0xc: {  	[smem:$0x3FAF] =	sst s4  }
0xd: {  	[smem:$0x3FB0] =	sst s5  }
0xe: {  	[smem:$0x3FB1] =	sst s6  }
0xf: {  	[smem:$0x3FB2] =	sst s7  }
0x10: {  	[smem:$0x3FB3] =	sst s8  }
0x11: {  	[smem:$0x3FB4] =	sst s9;
	s0 =	simm.s32 @!p0 $0x0  }
0x12: {  	s1 =	sld [smem:$0x3F9A];
	s0 =	simm.s32 @p0 $0x1  }
0x13: {  	[smem:$0x3FB5] =	sst s0;
	s0 =	simm.s32 @!p1 $0x0  }
0x14: {  	s2 =	sld [smem:$0x3F99];
	s0 =	simm.s32 @p1 $0x1  }
0x15: {  	[smem:$0x3FB6] =	sst s0;
	s0 =	simm.s32 @!p2 $0x0  }
0x16: {  	s3 =	sld [smem:$0x3FDB];
	s0 =	simm.s32 @p2 $0x1  }
0x17: {  	s4 =	simm.s32 $0x1BF5;
	[smem:$0x3FB8] =	sst s0  }
0x18: {  	s0 =	sld [smem:$0x3F9B];
	_ =	swait.ge [sflag:s4], $0x0  }
0x19: {  	s7 =	sld [smem:$0x3F9C]  }
0x1a: {  	s8 =	sadd.s32 $0xFFFFE003, lr  }
0x1b: {  	s9 =	sadd.s32 $0xFFFFFEF7, lr;
	s5 =	simm.s32 $0xFFFFFFFF;
	p2 =	slt.u32 s8, $0xFFFFF086  }
0x1c: {  	p1 =	slt.u32 s9, $0xF7A;
	s5 =	simm.s32 @!p2 $0x0  }
0x1d: {  	s5 =	simm.s32 @p1 $0x1;
	p0 =	seq.s32 s7, s2  }
0x1e: {  	s7 =	smul.u32 @!p0 $0xF7A, s2;
	p2 =	seq.s32 @!p0 s5, $0x0  }
0x1f: {  	s9 =	smul.u32 $0xF7A, s1;
	s8 =	simm.s32 @!p0 $0x1BF5;
	p2 =	por !p2, p0  }
0x20: {  	[sflag:s8] =	ssyncset.s32 @!p0 $0xFFFFF086;
	s6 =	sadd.s32 @!p0 s3, s7;
	s7 =	simm.s32 @!p0 $0x108  }
0x21: {  	s3 =	sadd.s32 s3, s9;
	s6 =	sadd.s32 @!p0 $0x88, s6;
	s7 =	simm.s32 @p2 $0x1082  }
0x22: {  	[simem:s7], [sflag:s8] =	dma.local @!p0 [hbm:s6], $0xF7A  }
0x23: {  	s9 =	sor.u32 $0xD0000000, s2;
	s6 =	simm.s32 $0x108;
	_ =	swait.ge @!p0 [sflag:s8], $0x0  }
0x24: {  	s3 =	sadd.s32 $0x88, s3;
	s6 =	simm.s32 @!p1 $0x1082;
	[sflag:s4] =	ssyncset.s32 $0xFFFFF086  }
0x25: {  	[simem:s6], [sflag:s4] =	dma.local [hbm:s3], $0xF7A  }
0x26: {  	[smem:$0x3F9C] =	sst s1;
	(tag) =	ssettag s2;
	_ =	strace s9  }
0x27: {  	s1 =	sld [smem:$0x3FAC]  }
0x28: {  	s2 =	sld [smem:$0x3FAD]  }
0x29: {  	s4 =	sld [smem:$0x3FAF]  }
0x2a: {  	p0 =	seq.s32 s5, $0x0;
	s5 =	sld [smem:$0x3FB0]  }
0x2b: {  	s6 =	sld [smem:$0x3FB1]  }
0x2c: {  	s7 =	sld [smem:$0x3FB2]  }
0x2d: {  	s3 =	simm.s32 $0x108;
	s8 =	sld [smem:$0x3FB3]  }
0x2e: {  	s3 =	simm.s32 @!p0 $0x1082;
	s9 =	sld [smem:$0x3FB4]  }
0x2f: {  	lr =	sadd.s32 s0, s3;
	s0 =	sld [smem:$0x3FAB]  }
0x30: {  	s3 =	sld [smem:$0x3FAE]  }
0x31: {  	[smem:$0x3FB7] =	sst s10  }
0x32: {  	s10 =	sld [smem:$0x3FB5];
	_ =	sdelay $0x3  }
0x33: {  	p0 =	seq.s32 s10, $0x1;
	s10 =	sld [smem:$0x3FB7];
	_ =	sdelay $0x3  }
0x34: {  	[smem:$0x3FB7] =	sst s10  }
0x35: {  	s10 =	sld [smem:$0x3FB6];
	_ =	sdelay $0x3  }
0x36: {  	p1 =	seq.s32 s10, $0x1;
	s10 =	sld [smem:$0x3FB7];
	_ =	sdelay $0x3  }
0x37: {  	[smem:$0x3FB7] =	sst s10  }
0x38: {  	s10 =	sld [smem:$0x3FB8]  }
0x39: {  	_ = 	snop;
	(pc) =	sbr.ind lr, $3  }
0x3a: {  	_ = 	snop  }
0x3b: {  	_ = 	snop  }
0x3c: {  	p2 =	seq.s32 s10, $0x1;
	s10 =	sld [smem:$0x3FB7]  }
0x3d: {  	_ =	shalt  }
0x3e: {  	_ =	shalt  }
0x3f: {  	_ =	shalt  }
0x40: {  	_ =	shalt  }
0x41: {  	_ =	shalt  }
0x42: {  	_ =	shalt  }
0x43: {  	_ =	shalt  }
0x44: {  	_ =	shalt  }
0x45: {  	_ =	shalt  }
0x46: {  	_ =	shalt  }
0x47: {  	_ =	shalt  }
0x48: {  	_ =	shalt  }
0x49: {  	_ =	shalt  }
0x4a: {  	_ =	shalt  }
0x4b: {  	_ =	shalt  }
0x4c: {  	_ =	shalt  }
0x4d: {  	_ =	shalt  }
0x4e: {  	_ =	shalt  }
0x4f: {  	_ =	shalt  }
0x50: {  	_ =	shalt  }
0x51: {  	_ =	shalt  }
0x52: {  	_ =	shalt  }
0x53: {  	_ =	shalt  }
0x54: {  	_ =	shalt  }
0x55: {  	_ =	shalt  }
0x56: {  	_ =	shalt  }
0x57: {  	_ =	shalt  }
0x58: {  	_ =	shalt  }
0x59: {  	_ =	shalt  }
0x5a: {  	_ =	shalt  }
0x5b: {  	_ =	shalt  }
0x5c: {  	_ =	shalt  }
0x5d: {  	_ =	shalt  }
0x5e: {  	_ =	shalt  }
0x5f: {  	_ =	shalt  }
0x60: {  	_ =	shalt  }
0x61: {  	_ =	shalt  }
0x62: {  	_ =	shalt  }
0x63: {  	_ =	shalt  }
0x64: {  	_ =	shalt  }
0x65: {  	_ =	shalt  }
0x66: {  	_ =	shalt  }
0x67: {  	_ =	shalt  }
0x68: {  	_ =	shalt  }
0x69: {  	_ =	shalt  }
0x6a: {  	_ =	shalt  }
0x6b: {  	_ =	shalt  }
0x6c: {  	_ =	shalt  }
0x6d: {  	_ =	shalt  }
0x6e: {  	_ =	shalt  }
0x6f: {  	_ =	shalt  }
0x70: {  	_ =	shalt  }
0x71: {  	_ =	shalt  }
0x72: {  	_ =	shalt  }
0x73: {  	_ =	shalt  }
0x74: {  	_ =	shalt  }
0x75: {  	_ =	shalt  }
0x76: {  	_ =	shalt  }
0x77: {  	_ =	shalt  }
0x78: {  	_ =	shalt  }
0x79: {  	_ =	shalt  }
0x7a: {  	_ =	shalt  }
0x7b: {  	_ =	shalt  }
0x7c: {  	_ =	shalt  }
0x7d: {  	_ =	shalt  }
0x7e: {  	_ =	shalt  }
0x7f: {  	_ =	shalt  }
0x80: {  	_ =	shalt  }
0x81: {  	_ =	shalt  }
0x82: {  	_ =	shalt  }
0x83: {  	_ =	shalt  }
0x84: {  	_ =	shalt  }
0x85: {  	_ =	shalt  }
0x86: {  	_ =	shalt  }
0x87: {  	_ =	shalt  }
.Lfunc_end0:
.L_simem_size_0:
called_computation.1_lowered:
.L_overlay_start_0:
0x88: {  	s2 =	sld [smem:$0x3FD9]  }
0x89: {  	s3 =	sld [smem:$0x3FFE];
	_ =	sdelay $0x1  }
0x8a: {  	s1 =	srdreg.scid  }
0x8b: {  	s0 =	sand.u32 $0x1, s1  }
0x8c: {  	s17 =	sshll.u32 s0, $0xA;
	s2 =	sadd.s32 s3, s2  }
0x8d: {  	s2 =	sadd.s32 s2, s17  }
0x8e: {  	[smem:$0x3FC3] =	sst s2  }
0x8f: {  	_ = 	snop  }
0x90: {  	s2 =	sld [smem:$0x3FC6]  }
0x91: {  	s18 =	sld [smem:$0x3FC5]  }
0x92: {  	s4 =	sld [smem:$0x3FD0];
	(tm) =	ssettm $0x1  }
0x93: {  	s5 =	sld [smem:$0x3FFB];
	_ =	sdelay $0x3  }
0x94: {  	_ =	strace s5  }
0x95: {  	s5 =	sld [smem:$0x3FFC];
	_ =	sdelay $0x3  }
0x96: {  	_ =	strace s5  }
0x97: {  	s5 =	sld [smem:$0x3FFD];
	_ =	sdelay $0x3  }
0x98: {  	_ =	strace s5  }
0x99: {  	_ =	strace $0x8FFFFFFF  }
0x9a: {  	s19 =	sld [smem:$0x3FDB];
	_ =	sdelay $0x1  }
0x9b: {  	s6 =	simm.s32 $_scs_section_size  }
0x9c: {  	s7 =	simm.s32 $_size__tile_overlayer_lowered;
	s8 =	simm.s32 $_tile_overlayer_lowered  }
0x9d: {  	s22 =	simm.s32 $0x1BFF;
	s21 =	sshll.u32 s8, $0x1;
	s5 =	sadd.s32 s6, s19  }
0x9e: {  	s9 =	simm.s32 $0x0;
	s20 =	sshll.u32 s7, $0x1;
	s7 =	sadd.s32 s21, s5  }
0x9f: {  	[timem:s9], [sflag:s22] =	dma.local [hbm:s7], s20  }
0xa0: {  	_ =	swait.ge [sflag:s22], s20  }
0xa1: {  	s6 =	ssub.s32 $0x0, s20;
	[sflag:s22] =	ssyncset.done $0x0  }
0xa2: {  	[sflag:s22] =	ssyncadd.s32 s6;
	_ =	sdelay $0x1  }
0xa3: {  	s23 =	simm.s32 $0x1B8B  }
0xa4: {  	_ =	swait.ge [sflag:s23], $0x1  }
0xa5: {  	[sflag:s23] =	ssyncset.done $0x0  }
0xa6: {  	s25 =	simm.s32 $0x1B8E;
	s24 =	sld [smem:$0x3FFE];
	[sflag:s23] =	ssyncadd.s32 $0xFFFFFFFF  }
0xa7: {  	s26 =	simm.s32 $execute0_lowered;
	[smem:$0x3FD2] =	sst s25  }
0xa8: {  	s7 =	sshll.u32 s26, $0x1;
	_ =	strace $0x80000046;
	[dreg:$0x1] =	wrdreg $0xFFFFFFFF  }
0xa9: {  	s28 =	simm.s32 $_size_execute0_lowered;
	s5 =	sadd.s32 s5, s7;
	[dreg:$0x0] =	wrdreg $0x0  }
0xaa: {  	s7 =	sshll.u32 s28, $0x1;
	[dreg:$0x2] =	wrdreg s5  }
0xab: {  	[dreg:$0x3] =	wrdreg s7  }
0xac: {  	[dreg:$0x4] =	wrdreg $0xC0  }
0xad: {  	_ =	task [dreg:s9], $0x5FFFF  }
0xae: {  	[dreg:$0x1] =	wrdreg $0xFFFFFFFF  }
0xaf: {  	[dreg:$0x0] =	wrdreg $0x60  }
0xb0: {  	[dreg:$0x2] =	wrdreg s4  }
0xb1: {  	[dreg:$0x3] =	wrdreg s24  }
0xb2: {  	[dreg:$0x4] =	wrdreg s2  }
0xb3: {  	[dreg:$0x5] =	wrdreg s18  }
0xb4: {  	[dreg:$0x6] =	wrdreg $0x9  }
0xb5: {  	_ =	task.clear_ibuf [dreg:s9], $0x7FFFF;
	_ =	strace $0x90000046  }
0xb6: {  	s29 =	simm.s32 $0x9;
	_ =	strace $0x80000048  }
0xb7: {  	_ =	swait.ge [sflag:s29], $0x1  }
0xb8: {  	[sflag:s29] =	ssyncadd.s32 $0xFFFFFFFF  }
0xb9: {  	_ =	strace $0x90000048  }
0xba: {  	_ =	sfence  }
0xbb: {  	s30 =	sld [smem:$0x0];
	_ =	sdelay $0x2  }
0xbc: {  	s31 =	sshll.u32 s1, $0xD;
	s1 =	sshrl.u32 s1, $0x2  }
0xbd: {  	s3 =	sand.u32 $0x4000, s31;
	s1 =	sadd.s32 s1, s30  }
0xbe: {  	s0 =	sor.u32 s3, s0;
	s1 =	sshll.u32 s1, $0x11  }
0xbf: {  	s0 =	sor.u32 s1, s0  }
0xc0: {  	s0 =	sadd.s32 $0x8F2B, s0  }
0xc1: {  	[sflag:s0] =	ssyncadd.remote.s32 $0x1  }
0xc2: {  	_ =	sfence.sel $0xFFFF  }
0xc3: {  	[dreg:$0x0] =	wrdreg $0xFFFFFFFF;
	(pc) =	sbr.abs _section_cstart, $3  }
0xc4: {  	[dreg:$0x1] =	wrdreg $0xFFFFFFFF  }
0xc5: {  	_ =	task.clear_ibuf [dreg:s9], $0x2FFFF;
	_ =	strace $0x9FFFFFFF  }
0xc6: {  	(tm) =	ssettm $0x7FFFFFFF  }
0xc7: {  	_ =	shalt  }
tec
execute0_lowered:
.L_overlay_start_1:
0x0: {  	(tag) =	ssettag $0x1  }
0x1: {  	s0 =	srdreg.scid  }
0x2: {  	s5 =	stileid.u32;
	s1 =	rddreg [dreg:$0x0]  }
0x3: {  	s4 =	rddreg [dreg:$0x1];
	s6 =	smul.u32 $0xC800, s5  }
0x4: {  	s24 =	simm.s32 $0x0;
	s0 =	sand.u32 $0x1, s0;
	s16 =	smul.u32 $0x640000, s5  }
0x5: {  	s28 =	simm.s32 $0x1;
	s2 =	sshll.u32 s5, $0x1;
	s7 =	smul.u32 $0x6400, s0  }
0x6: {  	s2 =	sor.u32 s0, s2;
	s18 =	ssub.s32 $0x2, s0;
	s0 =	smul.u32 $0x320000, s0  }
0x7: {  	s30 =	simm.s32 $0x3;
	s31 =	simm.s32 $0x2;
	s3 =	smul.u32 $0x6400, s2  }
0x8: {  	[smem:$0x7FF] =	sst s24;
	s17 =	sadd.s32 $0xF43000, s4;
	s8 =	smul.u32 $0xC80, s2  }
0x9: {  	v0 =	vimm.s32 $0xFEDCBA98;
	_ =	strace $0x80000047;
	[dreg:$0x6] =	wrdreg s17;
	s2 =	smul.u32 $0x64000, s2  }
0xa: {  	v1 =	vimm.s32 $0x76543210;
	v2 =	vimm.s32 $0xBA98FEDC;
	s11 =	sshrl.u32 s18, $0x1;
	s14 =	sadd.s32 s7, s6;
	s7 =	sadd.s32 $0xF43E00, s4  }
0xb: {  	v3 =	vimm.s32 $0x32107654;
	v4 =	vimm.s32 $0xDCFE98BA;
	v5 =	vimm.s32 $0x54761032;
	s0 =	sadd.s32 s0, s16;
	s1 =	sadd.s32 s1, s8;
	[dreg:$0x5] =	wrdreg s14  }
0xc: {  	v6 =	vimm.s32 $0xEFCDAB89;
	v7 =	vimm.s32 $0x67452301;
	s9 =	sadd.s32 $0x6380, s14;
	s23 =	sor.u32 $0x80, s14;
	[dreg:$0x7] =	wrdreg s1  }
0xd: {  	v0 =	vunpack.c.l.s4.s8 v0;
	v1 =	vunpack.c.l.s4.s8 v1;
	v2 =	vunpack.c.l.s4.s8 v2;
	s12 =	sshll.u32 s3, $0x4;
	s25 =	sor.u32 $0x4180, s0;
	[dreg:$0xb] =	wrdreg s23  }
0xe: {  	v3 =	vunpack.c.l.s4.s8 v3;
	v4 =	vunpack.c.l.s4.s8 v4;
	v5 =	vunpack.c.l.s4.s8 v5;
	s26 =	sor.u32 $0x100, s14;
	s29 =	sor.u32 $0x8180, s0;
	[dreg:$0xc] =	wrdreg s25  }
0xf: {  	v6 =	vunpack.c.l.s4.s8 v6;
	v7 =	vunpack.c.l.s4.s8 v7;
	v0 =	vunpack.c.0.s8.s32 v0;
	s10 =	smulhi.u32 $0x147AE15, s9;
	s9 =	sadd.s32 $0xC00, s4;
	[dreg:$0xd] =	wrdreg s26  }
0x10: {  	v2 =	vunpack.c.0.s8.s32 v2;
	v3 =	vunpack.c.0.s8.s32 v3;
	v4 =	vunpack.c.0.s8.s32 v4;
	s4 =	ssub.s32 s18, s11;
	[dreg:$0xe] =	wrdreg s29;
	s25 =	simm.s32 $0x80  }
0x11: {  	v5 =	vunpack.c.0.s8.s32 v5;
	v6 =	vunpack.c.0.s8.s32 v6;
	v7 =	vunpack.c.0.s8.s32 v7;
	s19 =	sadd.s32 s9, s12;
	s2 =	sadd.s32 s9, s2;
	s21 =	smul.u32 $0x6400, s10  }
0x12: {  	v1 =	vunpack.c.0.s8.s32 v1;
	v2 =	vcombine.low v3, v2;
	s22 =	smax.u32 s4, $0x1;
	s13 =	smul.u32 $0xC8, s10;
	[dreg:$0x9] =	wrdreg s2  }
0x13: {  	v3 =	vcombine.low v5, v4;
	v4 =	vcombine.low v7, v6;
	v0 =	vand.u32 $0xF, v0;
	s20 =	sadd.s32 $0x63800, s19;
	[dreg:$0xa] =	wrdreg s22;
	s0 =	ssub.s32 s0, s21  }
0x14: {  	v0 =	vcombine.low v0, v1;
	s2 =	simm.s32 $0x0;
	[dreg:$0x8] =	wrdreg s20;
	s0 =	sadd.s32 $0x315D80, s0  }
0x15: {  	v1 =	vand.u32 $0xF, v2;
	v2 =	vand.u32 $0xF, v3;
	v3 =	vand.u32 $0xF, v4;
	s18 =	ssub.s32 s14, s13;
	[dreg:$0xf] =	wrdreg s0;
	s0 =	simm.s32 $0x4  }
.LBB2_1:
0x16: {  	[dreg:$0x10] =	wrdreg s2  }
0x17: {  	s1 =	rddreg [dreg:$0x7];
	s15 =	simm.s32 $0x5  }
0x18: {  	[tilespmem:s24], [sflag:$0x5] =	stream.linear.gather [hbm4b:s1+s24], $0x6400, $0x38;
	[tilespmem:$0x1C900] =	vst v63  }
0x19: {  	_ =	swait.ge [sflag:s15], $0x6400  }
0x1a: {  	[sflag:s15] =	ssyncset.done $0x0  }
0x1b: {  	s4 =	simm.s32 $0x16400;
	s16 =	rddreg [dreg:$0x6];
	[sflag:s15] =	ssyncadd.s32 $0xFFFF9C00  }
0x1c: {  	[tilespmem:s4], [sflag:$0x5] =	stream.linear.gather [hbm4b:s16+s24], $0x6400, $0x38;
	[tilespmem:$0x1C900] =	vst v63  }
0x1d: {  	_ =	swait.ge [sflag:s15], $0x6400  }
0x1e: {  	[sflag:s15] =	ssyncset.done $0x0  }
0x1f: {  	[sflag:s15] =	ssyncadd.s32 $0xFFFF9C00  }
0x20: {  	s19 =	simm.s32 $0x1C800;
	s17 =	rddreg [dreg:$0x2]  }
0x21: {  	[tilespmem:s19], [sflag:$0x5] =	stream.linear.gather [hbm4b:s17+s24], $0x80, $0x38;
	[tilespmem:$0x1C900] =	vst v63  }
0x22: {  	_ =	swait.ge [sflag:s15], $0x80  }
0x23: {  	[sflag:s15] =	ssyncset.done $0x0  }
0x24: {  	[sflag:s15] =	ssyncadd.s32 $0xFFFFFF80  }
0x25: {  	s21 =	simm.s32 $0x1C880;
	s20 =	rddreg [dreg:$0x3]  }
0x26: {  	[tilespmem:s21], [sflag:$0x5] =	stream.linear.gather [hbm4b:s20+s24], $0x80, $0x38;
	[tilespmem:$0x1C900] =	vst v63  }
0x27: {  	_ =	swait.ge [sflag:s15], $0x80  }
0x28: {  	[sflag:s15] =	ssyncset.done $0x0  }
0x29: {  	[sflag:s15] =	ssyncadd.s32 $0xFFFFFF80  }
0x2a: {  	v11 =	vld [tilespmem:$0x1C800]  }
0x2b: {  	v10 =	vld [tilespmem:$0x1C810]  }
0x2c: {  	v9 =	vld [tilespmem:$0x1C820]  }
0x2d: {  	v8 =	vld [tilespmem:$0x1C830]  }
0x2e: {  	v7 =	vld [tilespmem:$0x1C880]  }
0x2f: {  	v5 =	vld [tilespmem:$0x1C890]  }
0x30: {  	s22 =	simm.s32 $0x6400;
	v6 =	vld [tilespmem:$0x1C8A0]  }
0x31: {  	v4 =	vld [tilespmem:$0x1C8B0];
	[tilespmem:s22], [sflag:$0x1] =	stream.indirect.gather [hbm4b:s7+s25], $0x80, s24, s25, $0xb8  }
0x32: {  	s23 =	simm.s32 $0xA400  }
0x33: {  	[tilespmem:s23], [sflag:$0x2] =	stream.indirect.gather [hbm4b:s7+s25], $0x80, s25, s25, $0xb8;
	[tilespmem:$0x1C900] =	vst v63  }
0x34: {  	_ =	swait.ge [sflag:s28], $0x4000  }
0x35: {  	[sflag:s28] =	ssyncset.done $0x0  }
0x36: {  	s24 =	simm.s32 $0x6500;
	[sflag:s28] =	ssyncadd.s32 $0xFFFFC000  }
0x37: {  	s26 =	simm.s32 $0x16500;
	v12 =	vld [tilespmem:s24+$0x80]  }
0x38: {  	v13 =	vld [tilespmem:s26+$0x80]  }
0x39: {  	v15 =	vld [tilespmem:s24+$0x90]  }
0x3a: {  	v16 =	vld [tilespmem:s26+$0x90]  }
0x3b: {  	v17 =	vld [tilespmem:s24+$0xA0]  }
0x3c: {  	v18 =	vld [tilespmem:s26+$0xA0]  }
0x3d: {  	v19 =	vld [tilespmem:s24+$0xB0]  }
0x3e: {  	v20 =	vld [tilespmem:s26+$0xB0]  }
0x3f: {  	v29 =	vld [tilespmem:s26+$0xFFFFFF00]  }
0x40: {  	v21 =	vld [tilespmem:s24+$0xFFFFFF10]  }
0x41: {  	v22 =	vld [tilespmem:s26+$0xFFFFFF10]  }
0x42: {  	v23 =	vld [tilespmem:s24+$0xFFFFFF20]  }
0x43: {  	v26 =	vld [tilespmem:s24+$0xFFFFFF80]  }
0x44: {  	v30 =	vld [tilespmem:s26+$0xFFFFFF80];
	v14 =	vadd.f32 v13, v12;
	v13 =	vadd.f32 v16, v15  }
0x45: {  	v31 =	vld [tilespmem:s24+$0xFFFFFF90];
	v12 =	vadd.f32 v18, v17;
	v18 =	vadd.f32 v20, v19  }
0x46: {  	v42 =	vld [tilespmem:s24+$0xFFFFFF00];
	v17 =	vadd.f32 v13, v14  }
0x47: {  	v15 =	vld [tilespmem:s26+$0xFFFFFF20];
	v20 =	vadd.f32 v18, v12;
	v24 =	vmul.f32 v14, v14;
	v25 =	vmul.f32 v13, v13  }
0x48: {  	v16 =	vld [tilespmem:s24+$0xFFFFFF30];
	v27 =	vmul.f32 v12, v12;
	v28 =	vmul.f32 v18, v18  }
0x49: {  	v19 =	vld [tilespmem:s26+$0xFFFFFF30];
	v17 =	vadd.f32 v20, v17  }
0x4a: {  	v35 =	vld [tilespmem:s26+$0x0];
	v20 =	vadd.f32 v25, v24;
	v24 =	vadd.f32 v28, v27  }
0x4b: {  	v29 =	vadd.f32 v29, v42;
	v27 =	vadd.f32 v22, v21;
	v22 =	vld [tilespmem:s24+$0x0]  }
0x4c: {  	v32 =	vld [tilespmem:s24+$0xFFFFFFA0];
	v24 =	vadd.f32 v24, v20;
	v25 =	vperm.xlane v17, v0  }
0x4d: {  	v60 =	vmul.f32 v29, v29;
	v28 =	vld [tilespmem:s26+$0xFFFFFF90];
	v20 =	vadd.f32 v15, v23;
	v52 =	vmul.f32 v27, v27  }
0x4e: {  	v33 =	vld [tilespmem:s26+$0xFFFFFFA0];
	v23 =	vadd.f32 v19, v16;
	v17 =	vadd.f32 v17, v25;
	v25 =	vperm.xlane v24, v0  }
0x4f: {  	v46 =	vld [tilespmem:s26+$0x10];
	v59 =	vadd.f32 v27, v29;
	v19 =	vmul.f32 v20, v20;
	v63 =	vadd.f32 v52, v60  }
0x50: {  	v15 =	vld [tilespmem:s24+$0xFFFFFFB0];
	v34 =	vmul.f32 v23, v23;
	v22 =	vadd.f32 v35, v22;
	v24 =	vadd.f32 v25, v24  }
0x51: {  	v16 =	vld [tilespmem:s26+$0xFFFFFFB0];
	v21 =	vperm.xlane v17, v1;
	v25 =	vadd.f32 v30, v26;
	v30 =	vadd.f32 v23, v20  }
0x52: {  	v26 =	vadd.f32 v28, v31;
	v28 =	vld [tilespmem:s24+$0x10];
	v19 =	vadd.f32 v34, v19  }
0x53: {  	v53 =	vmul.f32 v22, v22;
	v31 =	vadd.f32 v17, v21;
	v21 =	vperm.xlane v24, v1  }
0x54: {  	v45 =	vmul.f32 v25, v25;
	v17 =	vadd.f32 v33, v32;
	v39 =	vadd.f32 v26, v25  }
0x55: {  	v47 =	vmul.f32 v26, v26;
	v30 =	vadd.f32 v30, v59;
	v19 =	vadd.f32 v19, v63  }
0x56: {  	v36 =	vld [tilespmem:s24+$0x20];
	v37 =	vperm.xlane v31, v2;
	v38 =	vadd.f32 v21, v24;
	v21 =	vadd.f32 v16, v15  }
0x57: {  	v15 =	vmul.f32 v17, v17;
	v16 =	vld [tilespmem:s26+$0x20];
	v33 =	vadd.f32 v47, v45;
	v24 =	vadd.f32 v46, v28  }
0x58: {  	v48 =	vld [tilespmem:s24+$0x30];
	v46 =	vperm.xlane v30, v0;
	v31 =	vadd.f32 v31, v37;
	v49 =	vperm.xlane v38, v2  }
0x59: {  	v41 =	vld [tilespmem:s26+$0x30];
	v50 =	vadd.f32 v21, v17;
	v40 =	vmul.f32 v21, v21;
	v54 =	vadd.f32 v24, v22  }
0x5a: {  	v55 =	vmul.f32 v24, v24;
	v30 =	vadd.f32 v30, v46;
	v51 =	vadd.f32 v49, v38  }
0x5b: {  	v28 =	vperm.xlane v31, v3;
	v35 =	vadd.f32 v50, v39;
	v15 =	vadd.f32 v40, v15  }
0x5c: {  	v16 =	vadd.f32 v16, v36;
	v32 =	vadd.f32 v55, v53  }
0x5d: {  	v28 =	vadd.f32 v31, v28;
	v31 =	vperm.xlane v51, v3;
	v33 =	vadd.f32 v15, v33  }
0x5e: {  	v15 =	vadd.f32 v41, v48;
	v62 =	vperm.xlane v35, v0;
	v48 =	vperm.xlane v19, v0  }
0x5f: {  	v56 =	vmul.f32 v16, v16;
	v28 =	vmul.f32 $1.562500000e-02, v28;
	v31 =	vadd.f32 v31, v51  }
0x60: {  	v57 =	vadd.f32 v15, v16;
	v61 =	vmul.f32 v15, v15;
	v44 =	vperm.xlane v33, v0  }
0x61: {  	v35 =	vadd.f32 v35, v62;
	v51 =	vperm.xlane v30, v1;
	v19 =	vadd.f32 v48, v19  }
0x62: {  	v31 =	vmul.f32 $1.562500000e-02, v31;
	v58 =	vmul.f32 v28, v28;
	v38 =	vadd.f32 v57, v54  }
0x63: {  	v34 =	vadd.f32 v61, v56;
	v52 =	vperm.xlane v35, v1;
	v33 =	vadd.f32 v44, v33  }
0x64: {  	v30 =	vadd.f32 v30, v51;
	v54 =	vperm.xlane v19, v1;
	v31 =	vsub.f32 v31, v58  }
0x65: {  	v45 =	vperm.xlane v38, v0;
	v32 =	vadd.f32 v34, v32;
	v35 =	vadd.f32 v35, v52  }
0x66: {  	v55 =	vperm.xlane v33, v1;
	v57 =	vperm.xlane v30, v2;
	v19 =	vadd.f32 v54, v19  }
0x67: {  	v31 =	vadd.f32 $9.999999740e-06, v31;
	v38 =	vadd.f32 v38, v45;
	v49 =	vperm.xlane v32, v0  }
0x68: {  	v59 =	vperm.xlane v35, v2;
	v33 =	vadd.f32 v55, v33;
	v30 =	vadd.f32 v30, v57  }
0x69: {  	v61 =	vperm.xlane v19, v2;
	v53 =	vperm.xlane v38, v1;
	v32 =	vadd.f32 v49, v32  }
0x6a: {  	v47 =	vshra.s32 v31, $0x1;
	v31 =	vmul.f32 $5.000000000e-01, v31;
	v35 =	vadd.f32 v35, v59  }
0x6b: {  	v62 =	vperm.xlane v33, v2;
	v37 =	vadd.f32 v38, v53;
	v58 =	vperm.xlane v32, v1  }
0x6c: {  	v19 =	vadd.f32 v61, v19;
	v44 =	vperm.xlane v30, v3;
	v34 =	vsub.s32 $0x5F3759DF, v47  }
0x6d: {  	v50 =	vmul.f32 v34, v31;
	v60 =	vperm.xlane v37, v2;
	v32 =	vadd.f32 v58, v32  }
0x6e: {  	v45 =	vperm.xlane v35, v3;
	v33 =	vadd.f32 v62, v33;
	v30 =	vadd.f32 v30, v44  }
0x6f: {  	v47 =	vperm.xlane v19, v3;
	v36 =	vadd.f32 v37, v60;
	v63 =	vperm.xlane v32, v2  }
0x70: {  	v40 =	vmul.f32 v34, v50;
	v35 =	vadd.f32 v35, v45;
	v48 =	vperm.xlane v33, v3  }
0x71: {  	v19 =	vadd.f32 v47, v19;
	v46 =	vperm.xlane v36, v3;
	v32 =	vadd.f32 v63, v32  }
0x72: {  	v30 =	vmul.f32 $1.562500000e-02, v30;
	v35 =	vmul.f32 $1.562500000e-02, v35;
	v33 =	vadd.f32 v48, v33  }
0x73: {  	v19 =	vmul.f32 $1.562500000e-02, v19;
	v36 =	vadd.f32 v36, v46;
	v49 =	vperm.xlane v32, v3  }
0x74: {  	v56 =	vsub.f32 $1.500000000e+00, v40;
	v50 =	vmul.f32 v30, v30;
	v33 =	vmul.f32 $1.562500000e-02, v33  }
0x75: {  	v51 =	vmul.f32 v35, v35;
	v36 =	vmul.f32 $1.562500000e-02, v36;
	v32 =	vadd.f32 v49, v32  }
0x76: {  	v18 =	vsub.f32 v18, v28;
	v34 =	vmul.f32 v34, v56;
	v19 =	vsub.f32 v19, v50  }
0x77: {  	v33 =	vsub.f32 v33, v51;
	v32 =	vmul.f32 $1.562500000e-02, v32;
	v52 =	vmul.f32 v36, v36  }
0x78: {  	v14 =	vsub.f32 v14, v28;
	v31 =	vmul.f32 v34, v31;
	v19 =	vadd.f32 $9.999999740e-06, v19  }
0x79: {  	v33 =	vadd.f32 $9.999999740e-06, v33;
	v32 =	vsub.f32 v32, v52  }
0x7a: {  	v13 =	vsub.f32 v13, v28;
	v31 =	vmul.f32 v31, v34;
	v53 =	vshra.s32 v19, $0x1  }
0x7b: {  	v54 =	vmul.f32 $5.000000000e-01, v19;
	v56 =	vshra.s32 v33, $0x1;
	v19 =	vadd.f32 $9.999999740e-06, v32  }
0x7c: {  	v37 =	vsub.s32 $0x5F3759DF, v53;
	v33 =	vmul.f32 $5.000000000e-01, v33;
	v32 =	vsub.s32 $0x5F3759DF, v56  }
0x7d: {  	v57 =	vshra.s32 v19, $0x1;
	v58 =	vmul.f32 $5.000000000e-01, v19;
	v19 =	vmul.f32 v37, v54  }
0x7e: {  	v31 =	vsub.f32 $1.500000000e+00, v31;
	v59 =	vmul.f32 v32, v33;
	v39 =	vsub.s32 $0x5F3759DF, v57  }
0x7f: {  	v12 =	vsub.f32 v12, v28;
	v60 =	vmul.f32 v39, v58;
	v19 =	vmul.f32 v37, v19  }
0x80: {  	v27 =	vsub.f32 v27, v30;
	v31 =	vmul.f32 v31, v34;
	v34 =	vmul.f32 v32, v59  }
0x81: {  	v23 =	vsub.f32 v23, v30;
	v41 =	vmul.f32 v39, v60;
	v43 =	vsub.f32 $1.500000000e+00, v19  }
0x82: {  	s29 =	simm.s32 $0x6700;
	v63 =	vsub.f32 v29, v30;
	v62 =	vmul.f32 v31, v10;
	v34 =	vsub.f32 $1.500000000e+00, v34  }
0x83: {  	s4 =	simm.s32 $0x16700;
	v61 =	vmul.f32 v31, v8;
	v56 =	vld [tilespmem:s29+$0x80];
	v41 =	vsub.f32 $1.500000000e+00, v41;
	v37 =	vmul.f32 v37, v43  }
0x84: {  	v44 =	vsub.f32 v26, v35;
	v28 =	vmul.f32 v62, v13;
	v57 =	vld [tilespmem:s4+$0x80];
	v32 =	vmul.f32 v32, v34  }
0x85: {  	v45 =	vld [tilespmem:s29+$0xA0];
	v17 =	vsub.f32 v17, v35;
	v55 =	vmul.f32 v39, v41;
	v29 =	vmul.f32 v37, v54  }
0x86: {  	v48 =	vld [tilespmem:s4+$0xFFFFFF10];
	v19 =	vmul.f32 v61, v18;
	v39 =	vsub.f32 v20, v30;
	v20 =	vmul.f32 v32, v33  }
0x87: {  	v26 =	vld [tilespmem:s4+$0x90];
	v41 =	vsub.f32 v25, v35;
	v25 =	vmul.f32 v55, v58;
	v29 =	vmul.f32 v29, v37  }
0x88: {  	v46 =	vld [tilespmem:s29+$0xFFFFFF10];
	v47 =	vsub.f32 v22, v36;
	v18 =	vmul.f32 v31, v11;
	v20 =	vmul.f32 v20, v32  }
0x89: {  	v59 =	vld [tilespmem:s29+$0xB0];
	v22 =	vadd.f32 v57, v56;
	v25 =	vmul.f32 v25, v55;
	v30 =	vsub.f32 $1.500000000e+00, v29  }
0x8a: {  	v31 =	vmul.f32 v31, v9;
	v58 =	vld [tilespmem:s29+$0x90];
	v29 =	vmul.f32 v18, v14;
	v14 =	vsub.f32 $1.500000000e+00, v20  }
0x8b: {  	v62 =	vmul.f32 v22, v22;
	v18 =	vld [tilespmem:s4+$0xA0];
	v13 =	vsub.f32 $1.500000000e+00, v25;
	v20 =	vmul.f32 v30, v37  }
0x8c: {  	v42 =	vsub.f32 v21, v35;
	v25 =	vmul.f32 v31, v12;
	v12 =	vmul.f32 v14, v32;
	v14 =	vld [tilespmem:s4+$0xB0]  }
0x8d: {  	v49 =	vsub.f32 v24, v36;
	v52 =	vld [tilespmem:s29+$0xFFFFFF20];
	v30 =	vmul.f32 v13, v55;
	v13 =	vmul.f32 v20, v11  }
0x8e: {  	v40 =	vadd.f32 v48, v46;
	v61 =	vld [tilespmem:s4+$0xFFFFFF30];
	v31 =	vmul.f32 v20, v10;
	v34 =	vmul.f32 v20, v9  }
0x8f: {  	v56 =	vsub.f32 v16, v36;
	v43 =	vld [tilespmem:s29+$0xFFFFFF90];
	v50 =	vmul.f32 v20, v8;
	v51 =	vmul.f32 v12, v11  }
0x90: {  	v33 =	vld [tilespmem:s4+$0xFFFFFF20];
	v53 =	vmul.f32 v12, v10;
	v20 =	vadd.f32 v26, v58;
	v38 =	vmul.f32 v12, v9  }
0x91: {  	v60 =	vmul.f32 v12, v8;
	v55 =	vld [tilespmem:s29+$0xFFFFFF80];
	v21 =	vadd.f32 v18, v45;
	v26 =	vadd.f32 v14, v59  }
0x92: {  	v58 =	vld [tilespmem:s4+$0xFFFFFF80];
	v12 =	vadd.f32 v20, v22;
	v54 =	vmul.f32 v20, v20;
	v35 =	vmul.f32 v13, v63  }
0x93: {  	v18 =	vld [tilespmem:s29+$0xFFFFFF30];
	v24 =	vmul.f32 v31, v27;
	v27 =	vmul.f32 v34, v39;
	v14 =	vadd.f32 v26, v21  }
0x94: {  	v32 =	vsub.f32 v15, v36;
	v63 =	vld [tilespmem:s4+$0xFFFFFF90];
	v16 =	vmul.f32 v21, v21;
	v57 =	vmul.f32 v26, v26  }
0x95: {  	v23 =	vmul.f32 v50, v23;
	v39 =	vld [tilespmem:s29+$0xFFFFFFA0];
	v34 =	vadd.f32 v33, v52;
	v13 =	vadd.f32 v14, v12  }
0x96: {  	v15 =	vmul.f32 v51, v41;
	v41 =	vld [tilespmem:s4+$0xFFFFFFA0];
	v12 =	vadd.f32 v54, v62;
	v14 =	vadd.f32 v57, v16  }
0x97: {  	v45 =	vmul.f32 v30, v11;
	v59 =	vmul.f32 v30, v10;
	v23 =	vadd.f32 v23, v4  }
0x98: {  	v37 =	vadd.f32 v58, v55;
	v57 =	vmul.f32 v34, v34;
	v62 =	vld [tilespmem:s4+$0x0];
	v16 =	vadd.f32 v14, v12  }
0x99: {  	v31 =	vadd.f32 v61, v18;
	v51 =	vperm.xlane v13, v0;
	v14 =	vmul.f32 v38, v17;
	v17 =	vld [tilespmem:s29+$0xFFFFFFB0]  }
0x9a: {  	v36 =	vadd.f32 v63, v43;
	v12 =	vmul.f32 v53, v44;
	v38 =	vld [tilespmem:s4+$0xFFFFFFB0];
	v53 =	vperm.xlane v16, v0  }
0x9b: {  	v39 =	vadd.f32 v41, v39;
	v44 =	vld [tilespmem:s29+$0x0];
	v18 =	vadd.f32 v13, v51;
	v13 =	vmul.f32 v60, v42  }
0x9c: {  	v60 =	vmul.f32 v31, v31;
	v33 =	vadd.f32 v53, v16;
	v16 =	vmul.f32 v45, v47;
	v45 =	vld [tilespmem:s29+$0x10]  }
0x9d: {  	v58 =	vmul.f32 v36, v36;
	v51 =	vadd.f32 v36, v37;
	v61 =	vperm.xlane v18, v1;
	v47 =	vld [tilespmem:s4+$0x10]  }
0x9e: {  	v48 =	vld [tilespmem:s4+$0x20];
	v46 =	vadd.f32 v60, v57;
	v57 =	vmul.f32 v37, v37;
	v63 =	vperm.xlane v33, v1  }
0x9f: {  	v52 =	vld [tilespmem:s29+$0x20];
	v43 =	vadd.f32 v38, v17;
	v17 =	vmul.f32 v39, v39;
	v18 =	vadd.f32 v18, v61  }
0xa0: {  	v53 =	vld [tilespmem:s29+$0xFFFFFF00];
	v41 =	vadd.f32 v58, v57;
	v57 =	vmul.f32 v40, v40;
	v42 =	vadd.f32 v63, v33  }
0xa1: {  	v60 =	vperm.xlane v18, v2;
	v33 =	vadd.f32 v62, v44;
	v44 =	vld [tilespmem:s29+$0x30];
	v62 =	vadd.f32 v43, v39  }
0xa2: {  	v63 =	vmul.f32 v43, v43;
	v38 =	vadd.f32 v47, v45;
	v45 =	vld [tilespmem:s4+$0xFFFFFF00];
	v47 =	vmul.f32 v30, v9  }
0xa3: {  	v18 =	vadd.f32 v18, v60;
	v61 =	vperm.xlane v42, v2;
	v60 =	vld [tilespmem:s4+$0x30];
	v51 =	vadd.f32 v62, v51  }
0xa4: {  	v54 =	vadd.f32 v63, v17;
	v17 =	vmul.f32 v59, v49;
	v49 =	vadd.f32 v31, v34  }
0xa5: {  	v58 =	vadd.f32 v38, v33;
	v50 =	vadd.f32 v61, v42;
	v61 =	vperm.xlane v18, v3  }
0xa6: {  	v42 =	vadd.f32 v48, v52;
	v52 =	vadd.f32 v54, v41;
	v54 =	vperm.xlane v51, v0  }
0xa7: {  	v18 =	vadd.f32 v18, v61;
	v62 =	vperm.xlane v50, v3;
	v45 =	vadd.f32 v45, v53  }
0xa8: {  	v63 =	vmul.f32 v33, v33;
	v51 =	vadd.f32 v51, v54;
	v44 =	vadd.f32 v60, v44  }
0xa9: {  	v60 =	vmul.f32 v38, v38;
	v41 =	vmul.f32 $1.562500000e-02, v18;
	v48 =	vadd.f32 v62, v50  }
0xaa: {  	v18 =	vmul.f32 v47, v56;
	v56 =	vadd.f32 v19, v4;
	v61 =	vadd.f32 v44, v42  }
0xab: {  	v50 =	vadd.f32 v60, v63;
	v63 =	vadd.f32 v40, v45;
	v60 =	vmul.f32 v45, v45  }
0xac: {  	v48 =	vmul.f32 $1.562500000e-02, v48;
	v62 =	vmul.f32 v41, v41;
	v47 =	vadd.f32 v61, v58  }
0xad: {  	v49 =	vadd.f32 v49, v63;
	v55 =	vadd.f32 v57, v60;
	v57 =	vperm.xlane v52, v0  }
0xae: {  	v61 =	vmul.f32 v42, v42;
	v48 =	vsub.f32 v48, v62;
	v62 =	vmul.f32 v44, v44  }
0xaf: {  	v46 =	vadd.f32 v46, v55;
	v60 =	vperm.xlane v49, v0;
	v52 =	vadd.f32 v57, v52  }
0xb0: {  	v30 =	vmul.f32 v30, v8;
	v53 =	vadd.f32 v62, v61;
	v48 =	vadd.f32 $9.999999740e-06, v48  }
0xb1: {  	v63 =	vperm.xlane v47, v0;
	v55 =	vadd.f32 v28, v5;
	v49 =	vadd.f32 v49, v60  }
0xb2: {  	v50 =	vadd.f32 v53, v50;
	v61 =	vshra.s32 v48, $0x1;
	v48 =	vmul.f32 $5.000000000e-01, v48  }
0xb3: {  	v62 =	vperm.xlane v46, v0;
	v53 =	vsub.s32 $0x5F3759DF, v61;
	v61 =	vperm.xlane v49, v1  }
0xb4: {  	v47 =	vadd.f32 v47, v63;
	v63 =	vmul.f32 v53, v48;
	v60 =	vperm.xlane v50, v0  }
0xb5: {  	v46 =	vadd.f32 v62, v46;
	v62 =	vperm.xlane v51, v1;
	v49 =	vadd.f32 v49, v61  }
0xb6: {  	v61 =	vperm.xlane v52, v1;
	v54 =	vmul.f32 v53, v63;
	v50 =	vadd.f32 v60, v50  }
0xb7: {  	v51 =	vadd.f32 v51, v62;
	v63 =	vperm.xlane v47, v1;
	v60 =	vperm.xlane v46, v1  }
0xb8: {  	v52 =	vadd.f32 v61, v52;
	v54 =	vsub.f32 $1.500000000e+00, v54;
	v62 =	vperm.xlane v50, v1  }
0xb9: {  	v47 =	vadd.f32 v47, v63;
	v46 =	vadd.f32 v60, v46;
	v63 =	vperm.xlane v49, v2  }
0xba: {  	v60 =	vperm.xlane v51, v2;
	v53 =	vmul.f32 v53, v54;
	v50 =	vadd.f32 v62, v50  }
0xbb: {  	v19 =	vadd.f32 v49, v63;
	v61 =	vperm.xlane v47, v2;
	v62 =	vperm.xlane v46, v2  }
0xbc: {  	v54 =	vadd.f32 v29, v7;
	v29 =	vadd.f32 v51, v60;
	v63 =	vperm.xlane v52, v2  }
0xbd: {  	v48 =	vmul.f32 v53, v48;
	v47 =	vadd.f32 v47, v61;
	v28 =	vadd.f32 v62, v46  }
0xbe: {  	v57 =	vperm.xlane v50, v2;
	v49 =	vadd.f32 v63, v52;
	v58 =	vperm.xlane v19, v3  }
0xbf: {  	v59 =	vperm.xlane v29, v3;
	v52 =	vadd.f32 v25, v6;
	v48 =	vmul.f32 v48, v53  }
0xc0: {  	v46 =	vadd.f32 v57, v50;
	v19 =	vadd.f32 v19, v58;
	v60 =	vperm.xlane v47, v3  }
0xc1: {  	v25 =	vadd.f32 v29, v59;
	v29 =	vperm.xlane v28, v3;
	v50 =	vadd.f32 v35, v7  }
0xc2: {  	v61 =	vperm.xlane v49, v3;
	v48 =	vsub.f32 $1.500000000e+00, v48;
	v47 =	vadd.f32 v47, v60  }
0xc3: {  	v51 =	vmul.f32 $1.562500000e-02, v19;
	v19 =	vadd.f32 v29, v28;
	v28 =	vperm.xlane v46, v3  }
0xc4: {  	v29 =	vmul.f32 $1.562500000e-02, v25;
	v25 =	vadd.f32 v61, v49;
	v49 =	vmul.f32 $1.562500000e-02, v47  }
0xc5: {  	v60 =	vsub.f32 v26, v41;
	v19 =	vmul.f32 $1.562500000e-02, v19;
	v62 =	vmul.f32 v51, v51  }
0xc6: {  	v28 =	vadd.f32 v28, v46;
	v25 =	vmul.f32 $1.562500000e-02, v25;
	v63 =	vmul.f32 v29, v29  }
0xc7: {  	v48 =	vmul.f32 v48, v53;
	v26 =	vsub.f32 v45, v51;
	v35 =	vsub.f32 v19, v62  }
0xc8: {  	v28 =	vmul.f32 $1.562500000e-02, v28;
	v61 =	vmul.f32 v49, v49;
	v25 =	vsub.f32 v25, v63  }
0xc9: {  	v19 =	vmul.f32 v30, v32;
	v32 =	vsub.f32 v37, v29;
	v33 =	vsub.f32 v33, v49  }
0xca: {  	v53 =	vmul.f32 v48, v8;
	v30 =	vadd.f32 $9.999999740e-06, v35;
	v62 =	vsub.f32 v28, v61  }
0xcb: {  	v63 =	vadd.f32 $9.999999740e-06, v25;
	v25 =	vsub.f32 v40, v51  }
0xcc: {  	v45 =	vmul.f32 v53, v60;
	v28 =	vsub.f32 v34, v51;
	v35 =	vsub.f32 v31, v51  }
0xcd: {  	v46 =	vshra.s32 v30, $0x1;
	v53 =	vmul.f32 $5.000000000e-01, v30;
	v30 =	vadd.f32 $9.999999740e-06, v62  }
0xce: {  	v47 =	vshra.s32 v63, $0x1;
	v57 =	vmul.f32 $5.000000000e-01, v63;
	v40 =	vsub.s32 $0x5F3759DF, v46  }
0xcf: {  	v47 =	vsub.s32 $0x5F3759DF, v47;
	v60 =	vshra.s32 v30, $0x1;
	v58 =	vmul.f32 $5.000000000e-01, v30  }
0xd0: {  	v30 =	vmul.f32 v40, v53;
	v31 =	vmul.f32 v47, v57;
	v51 =	vsub.s32 $0x5F3759DF, v60  }
0xd1: {  	v34 =	vsub.f32 v36, v29;
	v63 =	vadd.f32 v24, v5;
	v62 =	vmul.f32 v51, v58  }
0xd2: {  	s6 =	simm.s32 $0xE500;
	v60 =	vadd.f32 v27, v6;
	v61 =	vmul.f32 v40, v30;
	v24 =	vmul.f32 v47, v31  }
0xd3: {  	[tilespmem:s6+$0xB0] =	vst v56;
	v30 =	vsub.f32 v39, v29;
	v29 =	vsub.f32 v43, v29;
	v27 =	vmul.f32 v51, v62  }
0xd4: {  	[tilespmem:s6+$0x90] =	vst v55;
	v43 =	vmul.f32 v48, v10;
	v31 =	vsub.f32 $1.500000000e+00, v61;
	v24 =	vsub.f32 $1.500000000e+00, v24  }
0xd5: {  	[tilespmem:s6+$0x80] =	vst v54;
	v61 =	vadd.f32 v45, v4;
	v45 =	vmul.f32 v48, v11;
	v27 =	vsub.f32 $1.500000000e+00, v27  }
0xd6: {  	[tilespmem:s6+$0xA0] =	vst v52;
	v37 =	vsub.f32 v20, v41;
	v46 =	vmul.f32 v40, v31;
	v47 =	vmul.f32 v47, v24  }
0xd7: {  	[tilespmem:s6+$0xFFFFFF00] =	vst v50;
	v20 =	vsub.f32 v21, v41;
	v40 =	vmul.f32 v48, v9;
	v36 =	vmul.f32 v51, v27  }
0xd8: {  	[tilespmem:s6+$0xFFFFFF10] =	vst v63;
	v39 =	vsub.f32 v22, v41;
	v62 =	vmul.f32 v46, v53;
	v63 =	vmul.f32 v47, v57  }
0xd9: {  	s2 =	simm.s32 $0xE700;
	[tilespmem:s6+$0xFFFFFF20] =	vst v60;
	v31 =	vsub.f32 v38, v49;
	v27 =	vsub.f32 v42, v49;
	v42 =	vmul.f32 v36, v58  }
0xda: {  	s8 =	simm.s32 $0x4;
	s10 =	simm.s32 $0x6900;
	v24 =	vsub.f32 v44, v49;
	[tilespmem:s2+$0xB0] =	vst v61;
	v22 =	vmul.f32 v62, v46;
	v21 =	vmul.f32 v63, v47  }
.LBB2_2:
0xdb: {  	v38 =	vld [tilespmem:s10+$0x80];
	v41 =	vmul.f32 v42, v36;
	v39 =	vmul.f32 v45, v39;
	s4 =	sadd.s32 $0x200, s4;
	v15 =	vadd.f32 v15, v7  }
0xdc: {  	v37 =	vmul.f32 v43, v37;
	v42 =	vld [tilespmem:s4+$0x80];
	v22 =	vsub.f32 $1.500000000e+00, v22;
	v21 =	vsub.f32 $1.500000000e+00, v21;
	[tilespmem:s6+$0xFFFFFF30] =	vst v23  }
0xdd: {  	v20 =	vmul.f32 v40, v20;
	v12 =	vadd.f32 v12, v5;
	v23 =	vld [tilespmem:s10+$0x90];
	v41 =	vsub.f32 $1.500000000e+00, v41;
	[tilespmem:s6+$0xFFFFFF80] =	vst v15  }
0xde: {  	v14 =	vadd.f32 v14, v6;
	v15 =	vld [tilespmem:s4+$0x90];
	v22 =	vmul.f32 v22, v46;
	v21 =	vmul.f32 v21, v47  }
0xdf: {  	v43 =	vld [tilespmem:s10+$0xA0];
	v36 =	vmul.f32 v41, v36;
	[tilespmem:s6+$0xFFFFFF90] =	vst v12;
	v12 =	vadd.f32 v13, v4;
	v13 =	vadd.f32 v16, v7  }
0xe0: {  	v16 =	vld [tilespmem:s4+$0xA0];
	v41 =	vmul.f32 v22, v11;
	v44 =	vmul.f32 v22, v10;
	[tilespmem:s6+$0xFFFFFFA0] =	vst v14;
	v14 =	vadd.f32 v17, v5  }
0xe1: {  	v45 =	vmul.f32 v22, v9;
	v46 =	vmul.f32 v22, v8;
	v17 =	vld [tilespmem:s10+$0xB0];
	[tilespmem:s6+$0xFFFFFFB0] =	vst v12;
	v12 =	vadd.f32 v18, v6  }
0xe2: {  	v47 =	vmul.f32 v21, v11;
	v48 =	vmul.f32 v21, v10;
	v18 =	vld [tilespmem:s4+$0xB0];
	[tilespmem:s6+$0x0] =	vst v13;
	v13 =	vadd.f32 v19, v4  }
0xe3: {  	s8 =	sadd.s32 $0x4, s8;
	v49 =	vmul.f32 v21, v8;
	v22 =	vadd.f32 v39, v7;
	v19 =	vmul.f32 v21, v9;
	v40 =	vld [tilespmem:s4+$0xFFFFFF00];
	[tilespmem:s6+$0x10] =	vst v14  }
0xe4: {  	p0 =	slt.u32 s8, $0x7C;
	v37 =	vadd.f32 v37, v5;
	v39 =	vmul.f32 v36, v11;
	v50 =	vmul.f32 v36, v10;
	v14 =	vld [tilespmem:s10+$0xFFFFFF10];
	[tilespmem:s6+$0x20] =	vst v12  }
0xe5: {  	v52 =	vadd.f32 v20, v6;
	v51 =	vmul.f32 v36, v9;
	v36 =	vmul.f32 v36, v8;
	v12 =	vld [tilespmem:s4+$0xFFFFFF10];
	[tilespmem:s6+$0x30] =	vst v13;
	s6 =	smov.u32 s2  }
0xe6: {  	v21 =	vadd.f32 v42, v38;
	v38 =	vmul.f32 v41, v26;
	v20 =	vadd.f32 v15, v23;
	v13 =	vld [tilespmem:s10+$0xFFFFFF20];
	[tilespmem:s2+$0x80] =	vst v22  }
0xe7: {  	v42 =	vmul.f32 v44, v25;
	v22 =	vadd.f32 v16, v43;
	v41 =	vld [tilespmem:s4+$0xFFFFFF20];
	v26 =	vadd.f32 v18, v17;
	[tilespmem:s2+$0x90] =	vst v37  }
0xe8: {  	v23 =	vmul.f32 v46, v35;
	v15 =	vadd.f32 v20, v21;
	v37 =	vmul.f32 v45, v28;
	v16 =	vld [tilespmem:s10+$0xFFFFFF30];
	[tilespmem:s2+$0xA0] =	vst v52  }
0xe9: {  	v35 =	vmul.f32 v20, v20;
	v28 =	vmul.f32 v21, v21;
	v17 =	vld [tilespmem:s4+$0xFFFFFF30];
	v18 =	vadd.f32 v26, v22  }
0xea: {  	v44 =	vmul.f32 v26, v26;
	v25 =	vadd.f32 v12, v14;
	v43 =	vld [tilespmem:s10+$0xFFFFFF80];
	v14 =	vmul.f32 v22, v22  }
0xeb: {  	v12 =	vmul.f32 v48, v34;
	v45 =	vld [tilespmem:s4+$0xFFFFFF80];
	v18 =	vadd.f32 v18, v15;
	v15 =	vmul.f32 v47, v32  }
0xec: {  	v35 =	vadd.f32 v35, v28;
	v32 =	vmul.f32 v25, v25;
	v34 =	vld [tilespmem:s10+$0xFFFFFF90];
	v44 =	vadd.f32 v44, v14  }
0xed: {  	v28 =	vadd.f32 v41, v13;
	v14 =	vmul.f32 v19, v30;
	v13 =	vmul.f32 v49, v29;
	v41 =	vld [tilespmem:s4+$0xFFFFFF90]  }
0xee: {  	v29 =	vadd.f32 v17, v16;
	v19 =	vld [tilespmem:s10+$0xFFFFFFA0];
	v35 =	vadd.f32 v44, v35;
	v17 =	vperm.xlane v18, v0  }
0xef: {  	v38 =	vadd.f32 v38, v7;
	v44 =	vmul.f32 v28, v28;
	v16 =	vmul.f32 v39, v33;
	v46 =	vld [tilespmem:s4+$0xFFFFFFA0]  }
0xf0: {  	v30 =	vadd.f32 v45, v43;
	v33 =	vld [tilespmem:s10+$0xFFFFFFB0];
	v39 =	vadd.f32 v18, v17;
	v18 =	vperm.xlane v35, v0  }
0xf1: {  	v43 =	vadd.f32 v29, v28;
	v45 =	vmul.f32 v29, v29;
	v17 =	vmul.f32 v50, v31;
	v47 =	vld [tilespmem:s4+$0xFFFFFFB0];
	[tilespmem:s2+$0xFFFFFF00] =	vst v38  }
0xf2: {  	v31 =	vadd.f32 v41, v34;
	v34 =	vld [tilespmem:s10+$0x0];
	v38 =	vperm.xlane v39, v1;
	v35 =	vadd.f32 v18, v35  }
0xf3: {  	v41 =	vadd.f32 v45, v44;
	v44 =	vmul.f32 v30, v30;
	v18 =	vmul.f32 v51, v27;
	v45 =	vld [tilespmem:s4+$0x0]  }
0xf4: {  	v27 =	vadd.f32 v46, v19;
	v46 =	vld [tilespmem:s10+$0x10];
	v38 =	vadd.f32 v39, v38;
	v39 =	vperm.xlane v35, v1  }
0xf5: {  	v48 =	vadd.f32 v31, v30;
	v49 =	vmul.f32 v31, v31;
	v19 =	vmul.f32 v36, v24;
	v50 =	vld [tilespmem:s4+$0x10]  }
0xf6: {  	v24 =	vadd.f32 v47, v33;
	v47 =	vld [tilespmem:s10+$0x20];
	v36 =	vperm.xlane v38, v2;
	v35 =	vadd.f32 v39, v35  }
0xf7: {  	v42 =	vadd.f32 v42, v5;
	v39 =	vmul.f32 v27, v27;
	v44 =	vadd.f32 v49, v44;
	v49 =	vld [tilespmem:s4+$0x20]  }
0xf8: {  	v33 =	vadd.f32 v45, v34;
	v34 =	vld [tilespmem:s10+$0x30];
	v38 =	vadd.f32 v38, v36;
	v45 =	vperm.xlane v35, v2  }
0xf9: {  	v37 =	vadd.f32 v37, v6;
	v51 =	vadd.f32 v24, v27;
	v52 =	vmul.f32 v24, v24;
	v53 =	vld [tilespmem:s4+$0x30];
	[tilespmem:s2+$0xFFFFFF10] =	vst v42  }
0xfa: {  	v42 =	vld [tilespmem:s10+$0xFFFFFF00];
	v36 =	vadd.f32 v50, v46;
	v46 =	vperm.xlane v38, v3;
	v35 =	vadd.f32 v45, v35  }
0xfb: {  	v45 =	vadd.f32 v51, v48;
	v39 =	vadd.f32 v52, v39;
	v48 =	vmul.f32 v33, v33;
	[tilespmem:s2+$0xFFFFFF20] =	vst v37  }
0xfc: {  	v37 =	vadd.f32 v49, v47;
	v38 =	vadd.f32 v38, v46;
	v46 =	vperm.xlane v35, v3  }
0xfd: {  	v44 =	vadd.f32 v39, v44;
	v47 =	vadd.f32 v36, v33;
	v49 =	vmul.f32 v36, v36  }
0xfe: {  	v39 =	vadd.f32 v53, v34;
	v38 =	vmul.f32 $1.562500000e-02, v38;
	v34 =	vadd.f32 v46, v35  }
0xff: {  	v35 =	vadd.f32 v40, v42;
	v40 =	vmul.f32 v37, v37;
	v42 =	vadd.f32 v49, v48  }
0x100: {  	v46 =	vadd.f32 v39, v37;
	v34 =	vmul.f32 $1.562500000e-02, v34;
	v48 =	vmul.f32 v38, v38  }
0x101: {  	v51 =	vmul.f32 v39, v39;
	v49 =	vadd.f32 v25, v35;
	v50 =	vmul.f32 v35, v35  }
0x102: {  	v52 =	vperm.xlane v45, v0;
	v46 =	vadd.f32 v46, v47;
	v34 =	vsub.f32 v34, v48  }
0x103: {  	v47 =	vperm.xlane v44, v0;
	v43 =	vadd.f32 v43, v49;
	v32 =	vadd.f32 v32, v50  }
0x104: {  	v40 =	vadd.f32 v51, v40;
	v48 =	vperm.xlane v46, v0;
	v34 =	vadd.f32 $9.999999740e-06, v34  }
0x105: {  	v45 =	vadd.f32 v45, v52;
	v32 =	vadd.f32 v41, v32;
	v41 =	vperm.xlane v43, v0  }
0x106: {  	v40 =	vadd.f32 v40, v42;
	v42 =	vshra.s32 v34, $0x1;
	v34 =	vmul.f32 $5.000000000e-01, v34  }
0x107: {  	v41 =	vadd.f32 v43, v41;
	v43 =	vperm.xlane v32, v0;
	v42 =	vsub.s32 $0x5F3759DF, v42  }
0x108: {  	v46 =	vadd.f32 v46, v48;
	v48 =	vperm.xlane v40, v0;
	v49 =	vmul.f32 v42, v34  }
0x109: {  	v50 =	vperm.xlane v41, v1;
	v32 =	vadd.f32 v43, v32;
	v43 =	vperm.xlane v45, v1  }
0x10a: {  	v44 =	vadd.f32 v47, v44;
	v47 =	vperm.xlane v46, v1;
	v49 =	vmul.f32 v42, v49  }
0x10b: {  	v40 =	vadd.f32 v48, v40;
	v41 =	vadd.f32 v41, v50;
	v50 =	vperm.xlane v32, v1  }
0x10c: {  	v43 =	vadd.f32 v45, v43;
	v45 =	vperm.xlane v44, v1;
	v48 =	vsub.f32 $1.500000000e+00, v49  }
0x10d: {  	v46 =	vadd.f32 v46, v47;
	v47 =	vperm.xlane v40, v1;
	v49 =	vperm.xlane v41, v2  }
0x10e: {  	v32 =	vadd.f32 v50, v32;
	v50 =	vperm.xlane v43, v2;
	v42 =	vmul.f32 v42, v48  }
0x10f: {  	v40 =	vadd.f32 v47, v40;
	v44 =	vadd.f32 v45, v44;
	v45 =	vperm.xlane v46, v2  }
0x110: {  	v41 =	vadd.f32 v41, v49;
	v47 =	vperm.xlane v32, v2;
	v34 =	vmul.f32 v42, v34  }
0x111: {  	v43 =	vadd.f32 v43, v50;
	v48 =	vperm.xlane v44, v2;
	v45 =	vadd.f32 v46, v45  }
0x112: {  	v46 =	vperm.xlane v40, v2;
	v32 =	vadd.f32 v47, v32;
	v34 =	vmul.f32 v34, v42  }
0x113: {  	v47 =	vperm.xlane v41, v3;
	v49 =	vperm.xlane v43, v3;
	v44 =	vadd.f32 v48, v44  }
0x114: {  	v48 =	vperm.xlane v45, v3;
	v40 =	vadd.f32 v46, v40;
	v34 =	vsub.f32 $1.500000000e+00, v34  }
0x115: {  	v41 =	vadd.f32 v41, v47;
	v46 =	vperm.xlane v32, v3;
	v43 =	vadd.f32 v43, v49  }
0x116: {  	v47 =	vperm.xlane v44, v3;
	v45 =	vadd.f32 v45, v48;
	v34 =	vmul.f32 v34, v42  }
0x117: {  	v41 =	vmul.f32 $1.562500000e-02, v41;
	v32 =	vadd.f32 v46, v32;
	v42 =	vperm.xlane v40, v3  }
0x118: {  	v46 =	vmul.f32 $1.562500000e-02, v43;
	v43 =	vsub.f32 v26, v38;
	v48 =	vmul.f32 v34, v8  }
0x119: {  	v44 =	vadd.f32 v47, v44;
	v49 =	vmul.f32 $1.562500000e-02, v45;
	v40 =	vadd.f32 v42, v40  }
0x11a: {  	v32 =	vmul.f32 $1.562500000e-02, v32;
	v26 =	vsub.f32 v35, v41;
	v35 =	vmul.f32 v48, v43  }
0x11b: {  	v25 =	vsub.f32 v25, v41;
	v42 =	vmul.f32 v41, v41;
	v43 =	vmul.f32 $1.562500000e-02, v44  }
0x11c: {  	v44 =	vmul.f32 v46, v46;
	v47 =	vmul.f32 $1.562500000e-02, v40;
	v35 =	vadd.f32 v35, v4  }
0x11d: {  	s2 =	sadd.s32 $0x200, s2;
	v45 =	vmul.f32 v34, v11;
	v32 =	vsub.f32 v32, v42;
	v42 =	vmul.f32 v49, v49  }
0x11e: {  	v40 =	vmul.f32 v34, v9;
	v44 =	vsub.f32 v43, v44;
	v43 =	vmul.f32 v34, v10;
	[tilespmem:s2+$0xB0] =	vst v35  }
0x11f: {  	v32 =	vadd.f32 $9.999999740e-06, v32;
	v34 =	vsub.f32 v47, v42  }
0x120: {  	v28 =	vsub.f32 v28, v41;
	v35 =	vadd.f32 $9.999999740e-06, v44  }
0x121: {  	v42 =	vshra.s32 v32, $0x1;
	v44 =	vmul.f32 $5.000000000e-01, v32;
	v32 =	vadd.f32 $9.999999740e-06, v34  }
0x122: {  	v42 =	vsub.s32 $0x5F3759DF, v42;
	v34 =	vshra.s32 v35, $0x1;
	v48 =	vmul.f32 $5.000000000e-01, v35  }
0x123: {  	v50 =	vmul.f32 $5.000000000e-01, v32;
	v47 =	vsub.s32 $0x5F3759DF, v34;
	v34 =	vshra.s32 v32, $0x1  }
0x124: {  	v51 =	vmul.f32 v42, v44;
	v52 =	vmul.f32 v47, v48;
	v53 =	vsub.s32 $0x5F3759DF, v34  }
0x125: {  	v35 =	vsub.f32 v29, v41;
	v32 =	vsub.f32 v30, v46;
	v41 =	vmul.f32 v53, v50  }
0x126: {  	v51 =	vmul.f32 v42, v51;
	v34 =	vsub.f32 v31, v46;
	v52 =	vmul.f32 v47, v52  }
0x127: {  	v29 =	vsub.f32 v24, v46;
	v30 =	vsub.f32 v27, v46;
	v24 =	vmul.f32 v53, v41  }
0x128: {  	v27 =	vsub.f32 $1.500000000e+00, v51;
	v31 =	vsub.f32 $1.500000000e+00, v52  }
0x129: {  	v33 =	vsub.f32 v33, v49;
	v24 =	vsub.f32 $1.500000000e+00, v24  }
.Ltmp0:
0x12a: {  	v46 =	vmul.f32 v42, v27;
	v47 =	vmul.f32 v47, v31;
	v31 =	vsub.f32 v36, v49;
	(pc) =	sbr.rel @p0 .LBB2_2-.Ltmp0, $4  }
0x12b: {  	v27 =	vsub.f32 v37, v49;
	v36 =	vmul.f32 v53, v24;
	v24 =	vsub.f32 v39, v49  }
0x12c: {  	v41 =	vmul.f32 v46, v44;
	v39 =	vsub.f32 v21, v38;
	v44 =	vmul.f32 v47, v48  }
0x12d: {  	v37 =	vsub.f32 v20, v38;
	v20 =	vsub.f32 v22, v38;
	v42 =	vmul.f32 v36, v50  }
0x12e: {  	v23 =	vadd.f32 v23, v4;
	s10 =	sadd.s32 $0x200, s10;
	v22 =	vmul.f32 v41, v46;
	v21 =	vmul.f32 v44, v47  }
0x12f: {  	v15 =	vadd.f32 v15, v7  }
0x130: {  	v12 =	vadd.f32 v12, v5;
	[tilespmem:s6+$0xFFFFFF30] =	vst v23  }
0x131: {  	v14 =	vadd.f32 v14, v6;
	[tilespmem:s6+$0xFFFFFF80] =	vst v15  }
0x132: {  	v59 =	vmul.f32 v42, v36;
	v60 =	vadd.f32 v13, v4;
	v22 =	vsub.f32 $1.500000000e+00, v22;
	[tilespmem:s6+$0xFFFFFF90] =	vst v12  }
0x133: {  	v61 =	vmul.f32 v45, v39;
	v16 =	vadd.f32 v16, v7;
	v62 =	vmul.f32 v43, v37;
	[tilespmem:s6+$0xFFFFFFA0] =	vst v14  }
0x134: {  	v17 =	vadd.f32 v17, v5;
	v21 =	vsub.f32 $1.500000000e+00, v21;
	[tilespmem:s6+$0xFFFFFFB0] =	vst v60;
	v22 =	vmul.f32 v22, v46  }
0x135: {  	v37 =	vmul.f32 v40, v20;
	v18 =	vadd.f32 v18, v6;
	v63 =	vsub.f32 $1.500000000e+00, v59;
	[tilespmem:s6+$0x0] =	vst v16  }
0x136: {  	v19 =	vadd.f32 v19, v4;
	[tilespmem:s6+$0x10] =	vst v17;
	v38 =	vmul.f32 v21, v47;
	v39 =	vmul.f32 v22, v11  }
0x137: {  	v13 =	vadd.f32 v61, v7;
	[tilespmem:s6+$0x20] =	vst v18;
	v12 =	vmul.f32 v63, v36;
	v40 =	vmul.f32 v22, v10  }
0x138: {  	v14 =	vadd.f32 v62, v5;
	[tilespmem:s6+$0x30] =	vst v19;
	v41 =	vmul.f32 v22, v9;
	v42 =	vmul.f32 v39, v26  }
0x139: {  	v15 =	vadd.f32 v37, v6;
	[tilespmem:s2+$0x80] =	vst v13;
	v43 =	vmul.f32 v22, v8;
	v44 =	vmul.f32 v40, v25  }
0x13a: {  	[tilespmem:s2+$0x90] =	vst v14;
	v45 =	vmul.f32 v38, v11;
	v46 =	vmul.f32 v41, v28;
	v47 =	vadd.f32 v42, v7  }
0x13b: {  	[tilespmem:s2+$0xA0] =	vst v15;
	v48 =	vmul.f32 v38, v10;
	v20 =	vmul.f32 v43, v35;
	v13 =	vadd.f32 v44, v5  }
0x13c: {  	v49 =	vmul.f32 v38, v9;
	v17 =	vmul.f32 v45, v32;
	v14 =	vadd.f32 v46, v6;
	[tilespmem:s2+$0xFFFFFF00] =	vst v47  }
0x13d: {  	v16 =	vmul.f32 v38, v8;
	v50 =	vmul.f32 v48, v34;
	v51 =	vadd.f32 v20, v4;
	[tilespmem:s2+$0xFFFFFF10] =	vst v13  }
0x13e: {  	v52 =	vmul.f32 v12, v11;
	v15 =	vmul.f32 v49, v30;
	v53 =	vadd.f32 v17, v7;
	[tilespmem:s2+$0xFFFFFF20] =	vst v14  }
0x13f: {  	v54 =	vmul.f32 v12, v10;
	v16 =	vmul.f32 v16, v29;
	v55 =	vadd.f32 v50, v5;
	[tilespmem:s2+$0xFFFFFF30] =	vst v51  }
0x140: {  	v56 =	vmul.f32 v12, v9;
	v19 =	vmul.f32 v52, v33;
	v57 =	vadd.f32 v15, v6;
	[tilespmem:s2+$0xFFFFFF80] =	vst v53  }
0x141: {  	v12 =	vmul.f32 v12, v8;
	v58 =	vmul.f32 v54, v31;
	v59 =	vadd.f32 v16, v4;
	[tilespmem:s2+$0xFFFFFF90] =	vst v55  }
0x142: {  	v60 =	vmul.f32 v56, v27;
	v61 =	vadd.f32 v19, v7;
	[tilespmem:s2+$0xFFFFFFA0] =	vst v57  }
0x143: {  	v12 =	vmul.f32 v12, v24;
	v62 =	vadd.f32 v58, v5;
	[tilespmem:s2+$0xFFFFFFB0] =	vst v59  }
0x144: {  	v63 =	vadd.f32 v60, v6;
	[tilespmem:s2+$0x0] =	vst v61  }
0x145: {  	v12 =	vadd.f32 v12, v4;
	[tilespmem:s2+$0x10] =	vst v62  }
0x146: {  	[tilespmem:s2+$0x20] =	vst v63  }
0x147: {  	[tilespmem:s2+$0x30] =	vst v12  }
0x148: {  	s1 =	rddreg [dreg:$0x9]  }
0x149: {  	s17 =	rddreg [dreg:$0xe]  }
0x14a: {  	s16 =	rddreg [dreg:$0xd]  }
0x14b: {  	s15 =	rddreg [dreg:$0xc]  }
0x14c: {  	s14 =	rddreg [dreg:$0xb]  }
0x14d: {  	s4 =	simm.s32 $0x0;
	s29 =	simm.s32 $0xE400;
	s6 =	rddreg [dreg:$0x5]  }
0x14e: {  	[hbm4b:s1+s4] =	stream.linear.scatter [tilespmem:s29], [sflag:$0x3], $0x4000, $0x38;
	[tilespmem:$0x1C900] =	vst v63  }
.LBB2_4:
0x14f: {  	s2 =	smulhi.u32 $0x51EB851F, s14  }
0x150: {  	_ =	swait.ge [sflag:s30], $0x4000;
	s8 =	sshll.u32 s4, $0x8  }
0x151: {  	s1 =	simm.s32 $0x6400;
	[sflag:s30] =	ssyncset.done $0x0;
	s10 =	sshrl.u32 s2, $0x6  }
0x152: {  	s11 =	sadd.s32 $0x100, s8;
	[sflag:s30] =	ssyncadd.s32 $0xFFFFC000;
	s2 =	smul.u32 $0xC8, s10  }
0x153: {  	[tilespmem:s1], [sflag:$0x1] =	stream.indirect.gather [hbm4b:s7+s25], $0x80, s11, s25, $0xb8;
	[tilespmem:$0x1C900] =	vst v63  }
0x154: {  	_ =	swait.ge [sflag:s31], $0x4000  }
0x155: {  	s23 =	ssub.s32 s6, s2;
	[sflag:s31] =	ssyncset.done $0x0  }
0x156: {  	s20 =	simm.s32 $0xA500;
	[sflag:s31] =	ssyncadd.s32 $0xFFFFC000;
	s12 =	sadd.s32 $0xFFFFFFFC, s23  }
0x157: {  	s22 =	smul.u32 $0xFFFF9C00, s10;
	s21 =	sadd.s32 $0x86, s12;
	v12 =	vld [tilespmem:s20+$0x0]  }
0x158: {  	s10 =	simm.s32 $0xFFFF9B80;
	v13 =	vld [tilespmem:s20+$0x10];
	p0 =	sgt.u32 s21, $0xC7  }
0x159: {  	s13 =	sadd.s32 s15, s22;
	v16 =	vld [tilespmem:s20+$0x20];
	s10 =	simm.s32 @!p0 $0xFFFFFF80  }
0x15a: {  	v17 =	vld [tilespmem:s20+$0x30];
	s10 =	sadd.s32 s10, s13  }
0x15b: {  	v14 =	vld [tilespmem:s10+$0x16400]  }
0x15c: {  	v15 =	vld [tilespmem:s10+$0x16410]  }
0x15d: {  	v18 =	vld [tilespmem:s10+$0x16420]  }
0x15e: {  	v19 =	vld [tilespmem:s10+$0x16430]  }
0x15f: {  	v32 =	vld [tilespmem:s20+$0xFFFFFF10]  }
0x160: {  	v33 =	vld [tilespmem:s20+$0xFFFFFF20]  }
0x161: {  	v34 =	vld [tilespmem:s20+$0xFFFFFF30]  }
0x162: {  	s19 =	sadd.s32 $0x84, s12;
	v47 =	vld [tilespmem:s20+$0xFFFFFFA0];
	v14 =	vadd.f32 v14, v12;
	v15 =	vadd.f32 v15, v13  }
0x163: {  	v48 =	vld [tilespmem:s20+$0xFFFFFFB0];
	p0 =	sgt.u32 s19, $0xC7;
	s19 =	simm.s32 $0xFFFF9A80;
	v12 =	vadd.f32 v18, v16;
	v16 =	vadd.f32 v19, v17  }
0x164: {  	v40 =	vld [tilespmem:s20+$0xA0];
	s19 =	simm.s32 @!p0 $0xFFFFFE80;
	v18 =	vadd.f32 v15, v14  }
0x165: {  	s25 =	sadd.s32 $0x85, s12;
	v50 =	vld [tilespmem:s20+$0xB0];
	s24 =	sadd.s32 s19, s13;
	v23 =	vadd.f32 v16, v12;
	v24 =	vmul.f32 v14, v14;
	v25 =	vmul.f32 v15, v15  }
0x166: {  	p0 =	sgt.u32 s25, $0xC7;
	s19 =	simm.s32 $0xFFFF9B00;
	v20 =	vld [tilespmem:s24+$0x16400];
	v27 =	vmul.f32 v12, v12;
	v28 =	vmul.f32 v16, v16  }
0x167: {  	v21 =	vld [tilespmem:s24+$0x16410];
	s19 =	simm.s32 @!p0 $0xFFFFFF00;
	v18 =	vadd.f32 v23, v18  }
0x168: {  	s26 =	sadd.s32 $0x87, s12;
	v22 =	vld [tilespmem:s24+$0x16420];
	s19 =	sadd.s32 s19, s13;
	v23 =	vadd.f32 v25, v24;
	v24 =	vadd.f32 v28, v27  }
0x169: {  	s10 =	sadd.s32 $0xFFFF9C00, s13;
	p0 =	sgt.u32 s26, $0xC7;
	v26 =	vld [tilespmem:s19+$0x16420]  }
0x16a: {  	s13 =	smov.u32 @p0 s10;
	v29 =	vld [tilespmem:s19+$0x16430];
	v23 =	vadd.f32 v24, v23;
	v24 =	vperm.xlane v18, v0  }
0x16b: {  	v30 =	vld [tilespmem:s13+$0x16400]  }
0x16c: {  	v27 =	vld [tilespmem:s20+$0xFFFFFF00];
	v18 =	vadd.f32 v18, v24;
	v24 =	vperm.xlane v23, v0  }
0x16d: {  	v35 =	vld [tilespmem:s13+$0x16430]  }
0x16e: {  	v13 =	vld [tilespmem:s24+$0x16430];
	v28 =	vperm.xlane v18, v1;
	v23 =	vadd.f32 v24, v23  }
0x16f: {  	v17 =	vld [tilespmem:s19+$0x16400]  }
0x170: {  	v21 =	vadd.f32 v21, v32;
	v24 =	vld [tilespmem:s20+$0xFFFFFF80];
	v18 =	vadd.f32 v18, v28;
	v36 =	vperm.xlane v23, v1  }
0x171: {  	v19 =	vld [tilespmem:s19+$0x16410];
	v26 =	vadd.f32 v26, v47;
	v28 =	vadd.f32 v20, v27  }
0x172: {  	v20 =	vld [tilespmem:s20+$0xFFFFFF90];
	v27 =	vperm.xlane v18, v2;
	v36 =	vadd.f32 v36, v23;
	v23 =	vadd.f32 v22, v33  }
0x173: {  	v39 =	vmul.f32 v21, v21;
	v22 =	vadd.f32 v13, v34;
	v49 =	vadd.f32 v21, v28;
	v13 =	vld [tilespmem:s20+$0x80]  }
0x174: {  	v25 =	vld [tilespmem:s13+$0x16410];
	v37 =	vmul.f32 v28, v28;
	v18 =	vadd.f32 v18, v27;
	v27 =	vperm.xlane v36, v2  }
0x175: {  	v57 =	vmul.f32 v26, v26;
	v24 =	vadd.f32 v17, v24;
	v17 =	vld [tilespmem:s20+$0x90];
	v38 =	vadd.f32 v22, v23  }
0x176: {  	v31 =	vld [tilespmem:s13+$0x16420];
	v42 =	vmul.f32 v23, v23;
	v37 =	vadd.f32 v39, v37;
	v36 =	vadd.f32 v27, v36  }
0x177: {  	v41 =	vperm.xlane v18, v3;
	v27 =	vadd.f32 v19, v20;
	v20 =	vadd.f32 v29, v48  }
0x178: {  	v52 =	vmul.f32 v22, v22;
	v34 =	vadd.f32 v38, v49;
	v19 =	vadd.f32 v30, v13  }
0x179: {  	v53 =	vmul.f32 v24, v24;
	v13 =	vadd.f32 v35, v50;
	v29 =	vadd.f32 v18, v41  }
0x17a: {  	v51 =	vperm.xlane v36, v3;
	v30 =	vadd.f32 v27, v24;
	v18 =	vadd.f32 v25, v17  }
0x17b: {  	v17 =	vadd.f32 v31, v40;
	v31 =	vadd.f32 v20, v26;
	v55 =	vmul.f32 v27, v27  }
0x17c: {  	v43 =	vmul.f32 v20, v20;
	v41 =	vadd.f32 v52, v42;
	v58 =	vmul.f32 v19, v19  }
0x17d: {  	v60 =	vmul.f32 v13, v13;
	v25 =	vmul.f32 $1.562500000e-02, v29;
	v29 =	vadd.f32 v51, v36  }
0x17e: {  	v56 =	vadd.f32 v18, v19;
	v44 =	vadd.f32 v13, v17;
	v45 =	vmul.f32 v18, v18  }
0x17f: {  	v59 =	vmul.f32 v17, v17;
	v30 =	vadd.f32 v31, v30;
	v31 =	vadd.f32 v55, v53  }
0x180: {  	v62 =	vadd.f32 v43, v57;
	v37 =	vadd.f32 v41, v37;
	v29 =	vmul.f32 $1.562500000e-02, v29  }
0x181: {  	v54 =	vmul.f32 v25, v25;
	v36 =	vadd.f32 v44, v56;
	v32 =	vadd.f32 v45, v58  }
0x182: {  	v38 =	vadd.f32 v60, v59;
	v44 =	vperm.xlane v34, v0;
	v31 =	vadd.f32 v62, v31  }
0x183: {  	v45 =	vperm.xlane v30, v0;
	v16 =	vsub.f32 v16, v25;
	v29 =	vsub.f32 v29, v54  }
0x184: {  	v47 =	vperm.xlane v37, v0;
	v32 =	vadd.f32 v38, v32;
	v34 =	vadd.f32 v34, v44  }
0x185: {  	v46 =	vperm.xlane v36, v0;
	v30 =	vadd.f32 v30, v45;
	v48 =	vperm.xlane v31, v0  }
0x186: {  	v37 =	vadd.f32 v47, v37;
	v29 =	vadd.f32 $9.999999740e-06, v29;
	v49 =	vperm.xlane v34, v1  }
0x187: {  	v36 =	vadd.f32 v36, v46;
	v50 =	vperm.xlane v32, v0;
	v51 =	vperm.xlane v30, v1  }
0x188: {  	v31 =	vadd.f32 v48, v31;
	v53 =	vperm.xlane v37, v1;
	v61 =	vshra.s32 v29, $0x1  }
0x189: {  	v29 =	vmul.f32 $5.000000000e-01, v29;
	v34 =	vadd.f32 v34, v49;
	v52 =	vperm.xlane v36, v1  }
0x18a: {  	v32 =	vadd.f32 v50, v32;
	v30 =	vadd.f32 v30, v51;
	v33 =	vsub.s32 $0x5F3759DF, v61  }
0x18b: {  	v54 =	vperm.xlane v31, v1;
	v37 =	vadd.f32 v53, v37;
	v63 =	vmul.f32 v33, v29  }
0x18c: {  	v35 =	vadd.f32 v36, v52;
	v55 =	vperm.xlane v32, v1;
	v56 =	vperm.xlane v34, v2  }
0x18d: {  	v57 =	vperm.xlane v30, v2;
	v31 =	vadd.f32 v54, v31;
	v59 =	vperm.xlane v37, v2  }
0x18e: {  	v40 =	vmul.f32 v33, v63;
	v58 =	vperm.xlane v35, v2;
	v32 =	vadd.f32 v55, v32  }
0x18f: {  	v34 =	vadd.f32 v34, v56;
	v30 =	vadd.f32 v30, v57;
	v60 =	vperm.xlane v31, v2  }
0x190: {  	v37 =	vadd.f32 v59, v37;
	v40 =	vsub.f32 $1.500000000e+00, v40;
	v61 =	vperm.xlane v32, v2  }
0x191: {  	v35 =	vadd.f32 v35, v58;
	v62 =	vperm.xlane v34, v3;
	v63 =	vperm.xlane v30, v3  }
0x192: {  	v31 =	vadd.f32 v60, v31;
	v44 =	vperm.xlane v37, v3;
	v33 =	vmul.f32 v33, v40  }
0x193: {  	v43 =	vperm.xlane v35, v3;
	v34 =	vadd.f32 v34, v62;
	v32 =	vadd.f32 v61, v32  }
0x194: {  	v30 =	vadd.f32 v30, v63;
	v45 =	vperm.xlane v31, v3;
	v37 =	vadd.f32 v44, v37  }
0x195: {  	v29 =	vmul.f32 v33, v29;
	v35 =	vadd.f32 v35, v43;
	v46 =	vperm.xlane v32, v3  }
0x196: {  	v34 =	vmul.f32 $1.562500000e-02, v34;
	v38 =	vmul.f32 $1.562500000e-02, v30;
	v31 =	vadd.f32 v45, v31  }
0x197: {  	v14 =	vsub.f32 v14, v25;
	v47 =	vmul.f32 $1.562500000e-02, v37;
	v30 =	vmul.f32 $1.562500000e-02, v35  }
0x198: {  	v48 =	vmul.f32 v34, v34;
	v32 =	vadd.f32 v46, v32;
	v31 =	vmul.f32 $1.562500000e-02, v31  }
0x199: {  	v15 =	vsub.f32 v15, v25;
	v49 =	vmul.f32 v38, v38;
	v29 =	vmul.f32 v29, v33  }
0x19a: {  	v35 =	vsub.f32 v47, v48;
	v32 =	vmul.f32 $1.562500000e-02, v32;
	v50 =	vmul.f32 v30, v30  }
0x19b: {  	v31 =	vsub.f32 v31, v49;
	v29 =	vsub.f32 $1.500000000e+00, v29  }
0x19c: {  	v35 =	vadd.f32 $9.999999740e-06, v35;
	v32 =	vsub.f32 v32, v50  }
0x19d: {  	v12 =	vsub.f32 v12, v25;
	v31 =	vadd.f32 $9.999999740e-06, v31;
	v29 =	vmul.f32 v29, v33  }
0x19e: {  	v51 =	vshra.s32 v35, $0x1;
	v35 =	vmul.f32 $5.000000000e-01, v35;
	v32 =	vadd.f32 $9.999999740e-06, v32  }
0x19f: {  	v52 =	vshra.s32 v31, $0x1;
	v31 =	vmul.f32 $5.000000000e-01, v31;
	v33 =	vsub.s32 $0x5F3759DF, v51  }
0x1a0: {  	v36 =	vsub.s32 $0x5F3759DF, v52;
	v53 =	vshra.s32 v32, $0x1;
	v32 =	vmul.f32 $5.000000000e-01, v32  }
0x1a1: {  	v54 =	vmul.f32 v33, v35;
	v56 =	vmul.f32 v36, v31;
	v37 =	vsub.s32 $0x5F3759DF, v53  }
0x1a2: {  	s29 =	sadd.s32 $0x0, s23;
	v41 =	vsub.f32 v28, v34;
	v21 =	vsub.f32 v21, v34;
	v57 =	vmul.f32 v37, v32  }
0x1a3: {  	s1 =	sadd.s32 $0x86, s29;
	s21 =	simm.s32 $0xA700;
	v46 =	vsub.f32 v23, v34;
	v39 =	vmul.f32 v33, v54;
	v58 =	vmul.f32 v36, v56  }
0x1a4: {  	p0 =	sgt.u32 s1, $0xC7;
	s10 =	sadd.s32 $0x200, s15;
	s13 =	simm.s32 $0xFFFF9B80;
	v59 =	vld [tilespmem:s21+$0x0];
	v34 =	vsub.f32 v22, v34;
	v55 =	vmul.f32 v29, v8;
	v28 =	vmul.f32 v37, v57  }
0x1a5: {  	s2 =	sadd.s32 s10, s22;
	s13 =	simm.s32 @!p0 $0xFFFFFF80;
	v62 =	vld [tilespmem:s21+$0x10];
	v60 =	vmul.f32 v29, v11;
	v39 =	vsub.f32 $1.500000000e+00, v39;
	v40 =	vsub.f32 $1.500000000e+00, v58  }
0x1a6: {  	s13 =	sadd.s32 s13, s2;
	v61 =	vmul.f32 v29, v10;
	v52 =	vld [tilespmem:s21+$0x30];
	v16 =	vmul.f32 v55, v16;
	v28 =	vsub.f32 $1.500000000e+00, v28  }
0x1a7: {  	v20 =	vsub.f32 v20, v38;
	v55 =	vld [tilespmem:s13+$0x16430];
	v33 =	vmul.f32 v33, v39;
	v23 =	vmul.f32 v36, v40  }
0x1a8: {  	s5 =	sadd.s32 $0x84, s29;
	v63 =	vld [tilespmem:s21+$0x20];
	v47 =	vsub.f32 v24, v38;
	v29 =	vmul.f32 v29, v9;
	v37 =	vmul.f32 v37, v28  }
0x1a9: {  	s19 =	simm.s32 $0xFFFF9A80;
	p0 =	sgt.u32 s5, $0xC7;
	v48 =	vsub.f32 v27, v38;
	v53 =	vld [tilespmem:s13+$0x16400];
	v22 =	vmul.f32 v33, v35;
	v24 =	vmul.f32 v23, v31  }
0x1aa: {  	s24 =	sadd.s32 $0x85, s29;
	s19 =	simm.s32 @!p0 $0xFFFFFE80;
	v49 =	vsub.f32 v26, v38;
	v27 =	vmul.f32 v60, v14;
	v31 =	vld [tilespmem:s13+$0x16410];
	v26 =	vmul.f32 v37, v32  }
0x1ab: {  	p0 =	sgt.u32 s24, $0xC7;
	s20 =	sadd.s32 s19, s2;
	s19 =	simm.s32 $0xFFFF9B00;
	v19 =	vsub.f32 v19, v30;
	v54 =	vld [tilespmem:s13+$0x16420];
	v22 =	vmul.f32 v22, v33;
	v24 =	vmul.f32 v24, v23  }
0x1ac: {  	s19 =	simm.s32 @!p0 $0xFFFFFF00;
	v28 =	vmul.f32 v29, v12;
	v29 =	vadd.f32 v55, v52;
	v25 =	vmul.f32 v26, v37  }
0x1ad: {  	s19 =	sadd.s32 s19, s2;
	v44 =	vld [tilespmem:s20+$0x16400];
	v22 =	vsub.f32 $1.500000000e+00, v22;
	v14 =	vsub.f32 $1.500000000e+00, v24;
	v26 =	vmul.f32 v61, v15  }
0x1ae: {  	v38 =	vld [tilespmem:s19+$0x16420];
	v24 =	vadd.f32 v53, v59;
	v61 =	vmul.f32 v29, v29;
	v12 =	vsub.f32 $1.500000000e+00, v25  }
0x1af: {  	v50 =	vld [tilespmem:s20+$0x16420];
	v15 =	vmul.f32 v22, v33;
	v14 =	vmul.f32 v14, v23;
	v22 =	vadd.f32 v31, v62  }
0x1b0: {  	s12 =	sadd.s32 $0x87, s29;
	v51 =	vld [tilespmem:s19+$0x16410];
	v23 =	vadd.f32 v54, v63;
	v58 =	vmul.f32 v24, v24;
	v25 =	vmul.f32 v12, v37  }
0x1b1: {  	p0 =	sgt.u32 s12, $0xC7;
	s12 =	sadd.s32 $0xFFFF9C00, s2;
	v36 =	vld [tilespmem:s19+$0x16400];
	v12 =	vmul.f32 v15, v11;
	v31 =	vmul.f32 v15, v10;
	v56 =	vadd.f32 v22, v24  }
0x1b2: {  	s2 =	smov.u32 @p0 s12;
	v35 =	vld [tilespmem:s20+$0x16430];
	v57 =	vadd.f32 v29, v23;
	v59 =	vmul.f32 v22, v22;
	v60 =	vmul.f32 v23, v23  }
0x1b3: {  	v18 =	vsub.f32 v18, v30;
	v55 =	vld [tilespmem:s2+$0x16400];
	v52 =	vmul.f32 v15, v9;
	v15 =	vmul.f32 v15, v8  }
0x1b4: {  	v53 =	vld [tilespmem:s19+$0x16430];
	v54 =	vmul.f32 v14, v11;
	v43 =	vmul.f32 v14, v10;
	v32 =	vadd.f32 v57, v56  }
0x1b5: {  	v33 =	vld [tilespmem:s20+$0x16410];
	v62 =	vadd.f32 v59, v58;
	v63 =	vadd.f32 v61, v60;
	v56 =	vmul.f32 v14, v9  }
0x1b6: {  	v17 =	vsub.f32 v17, v30;
	v14 =	vmul.f32 v14, v8;
	v59 =	vmul.f32 v25, v11;
	v61 =	vld [tilespmem:s21+$0xFFFFFF00]  }
0x1b7: {  	v60 =	vmul.f32 v25, v10;
	v37 =	vmul.f32 v12, v41;
	v39 =	vadd.f32 v63, v62;
	v62 =	vld [tilespmem:s21+$0xFFFFFF10]  }
0x1b8: {  	v27 =	vadd.f32 v27, v7;
	v45 =	vperm.xlane v32, v0;
	v14 =	vmul.f32 v14, v20;
	v20 =	vld [tilespmem:s21+$0xFFFFFFA0]  }
0x1b9: {  	v28 =	vadd.f32 v28, v6;
	v57 =	vld [tilespmem:s2+$0x16410];
	v40 =	vmul.f32 v52, v46;
	v42 =	vmul.f32 v15, v34  }
0x1ba: {  	v12 =	vadd.f32 v32, v45;
	v32 =	vperm.xlane v39, v0;
	v45 =	vmul.f32 v31, v21;
	v21 =	vld [tilespmem:s21+$0xFFFFFF20]  }
0x1bb: {  	v63 =	vld [tilespmem:s21+$0xFFFFFF30];
	v15 =	vmul.f32 v56, v49;
	v31 =	vsub.f32 v13, v30;
	v44 =	vadd.f32 v44, v61  }
0x1bc: {  	v56 =	vld [tilespmem:s21+$0xFFFFFF80];
	v52 =	vperm.xlane v12, v1;
	v32 =	vadd.f32 v32, v39;
	v45 =	vadd.f32 v45, v5  }
0x1bd: {  	v58 =	vld [tilespmem:s2+$0x16420];
	v41 =	vmul.f32 v54, v47;
	v39 =	vadd.f32 v33, v62;
	v38 =	vadd.f32 v38, v20  }
0x1be: {  	v46 =	vadd.f32 v12, v52;
	v13 =	vperm.xlane v32, v1;
	v12 =	vmul.f32 v59, v19;
	v19 =	vld [tilespmem:s21+$0xFFFFFF90]  }
0x1bf: {  	v43 =	vmul.f32 v43, v48;
	v30 =	vadd.f32 v50, v21;
	v50 =	vadd.f32 v39, v44;
	v21 =	vld [tilespmem:s21+$0x80]  }
0x1c0: {  	v61 =	vld [tilespmem:s21+$0xA0];
	v54 =	vmul.f32 v39, v39;
	v62 =	vperm.xlane v46, v2;
	v49 =	vadd.f32 v13, v32  }
0x1c1: {  	v13 =	vmul.f32 v60, v18;
	v18 =	vld [tilespmem:s21+$0xFFFFFFB0];
	v32 =	vadd.f32 v35, v63;
	v35 =	vadd.f32 v36, v56  }
0x1c2: {  	v60 =	vld [tilespmem:s21+$0x90];
	v33 =	vadd.f32 v46, v62;
	v63 =	vperm.xlane v49, v2;
	v46 =	vmul.f32 v44, v44  }
0x1c3: {  	v52 =	vadd.f32 v32, v30;
	v59 =	vmul.f32 v32, v32;
	v36 =	vadd.f32 v51, v19  }
0x1c4: {  	v51 =	vmul.f32 v30, v30;
	v49 =	vadd.f32 v63, v49;
	v20 =	vadd.f32 v55, v21  }
0x1c5: {  	v47 =	vld [tilespmem:s2+$0x16430];
	v62 =	vperm.xlane v33, v3;
	v21 =	vadd.f32 v58, v61;
	v50 =	vadd.f32 v52, v50  }
0x1c6: {  	v19 =	vld [tilespmem:s21+$0xB0];
	v58 =	vmul.f32 v38, v38;
	v46 =	vadd.f32 v54, v46;
	v34 =	vadd.f32 v53, v18  }
0x1c7: {  	v55 =	vadd.f32 v36, v35;
	v18 =	vadd.f32 v57, v60;
	v56 =	vmul.f32 v36, v36  }
0x1c8: {  	v51 =	vadd.f32 v59, v51;
	v33 =	vadd.f32 v33, v62;
	v63 =	vperm.xlane v49, v3  }
0x1c9: {  	v52 =	vmul.f32 v20, v20;
	v53 =	vadd.f32 v34, v38;
	v57 =	vadd.f32 v18, v20  }
0x1ca: {  	v54 =	vmul.f32 v18, v18;
	v46 =	vadd.f32 v51, v46;
	v33 =	vmul.f32 $1.562500000e-02, v33  }
0x1cb: {  	v60 =	vadd.f32 v63, v49;
	v49 =	vmul.f32 v35, v35;
	v19 =	vadd.f32 v47, v19  }
0x1cc: {  	v61 =	vmul.f32 v21, v21;
	v53 =	vadd.f32 v53, v55;
	v52 =	vadd.f32 v54, v52  }
0x1cd: {  	s20 =	simm.s32 $0x12500;
	v47 =	vmul.f32 $1.562500000e-02, v60;
	v48 =	vmul.f32 v33, v33;
	v49 =	vadd.f32 v56, v49  }
0x1ce: {  	[tilespmem:s20+$0xFFFFFF10] =	vst v45;
	v60 =	vmul.f32 v34, v34;
	v29 =	vsub.f32 v29, v33;
	v45 =	vsub.f32 v24, v33  }
0x1cf: {  	v62 =	vmul.f32 v19, v19;
	v23 =	vsub.f32 v23, v33;
	v47 =	vsub.f32 v47, v48  }
0x1d0: {  	v48 =	vadd.f32 v19, v21;
	v58 =	vadd.f32 v60, v58  }
0x1d1: {  	v55 =	vadd.f32 v62, v61;
	v61 =	vperm.xlane v50, v0;
	v47 =	vadd.f32 $9.999999740e-06, v47  }
0x1d2: {  	v62 =	vperm.xlane v53, v0;
	v48 =	vadd.f32 v48, v57;
	v49 =	vadd.f32 v58, v49  }
0x1d3: {  	v52 =	vadd.f32 v55, v52;
	v63 =	vshra.s32 v47, $0x1;
	v47 =	vmul.f32 $5.000000000e-01, v47  }
0x1d4: {  	v50 =	vadd.f32 v50, v61;
	v56 =	vsub.s32 $0x5F3759DF, v63;
	v63 =	vperm.xlane v48, v0  }
0x1d5: {  	v51 =	vadd.f32 v53, v62;
	v61 =	vperm.xlane v49, v0;
	v60 =	vmul.f32 v56, v47  }
0x1d6: {  	v55 =	vadd.f32 v16, v4;
	v48 =	vadd.f32 v48, v63;
	v63 =	vperm.xlane v52, v0  }
0x1d7: {  	v49 =	vadd.f32 v61, v49;
	v54 =	vmul.f32 v56, v60;
	v60 =	vperm.xlane v46, v0  }
0x1d8: {  	v62 =	vperm.xlane v50, v1;
	v61 =	vperm.xlane v48, v1;
	v52 =	vadd.f32 v63, v52  }
0x1d9: {  	v63 =	vperm.xlane v49, v1;
	v54 =	vsub.f32 $1.500000000e+00, v54;
	v46 =	vadd.f32 v60, v46  }
0x1da: {  	v50 =	vadd.f32 v50, v62;
	v60 =	vperm.xlane v51, v1;
	v57 =	vperm.xlane v52, v1  }
0x1db: {  	v53 =	vadd.f32 v37, v7;
	v54 =	vmul.f32 v56, v54;
	v62 =	vperm.xlane v46, v1  }
0x1dc: {  	v48 =	vadd.f32 v48, v61;
	v51 =	vadd.f32 v51, v60;
	v60 =	vperm.xlane v50, v2  }
0x1dd: {  	v49 =	vadd.f32 v63, v49;
	v47 =	vmul.f32 v54, v47;
	v46 =	vadd.f32 v62, v46  }
0x1de: {  	v61 =	vperm.xlane v51, v2;
	v62 =	vperm.xlane v48, v2;
	v50 =	vadd.f32 v50, v60  }
0x1df: {  	v52 =	vadd.f32 v57, v52;
	v60 =	vperm.xlane v49, v2;
	v47 =	vmul.f32 v47, v54  }
0x1e0: {  	v63 =	vperm.xlane v46, v2;
	v51 =	vadd.f32 v51, v61;
	v61 =	vperm.xlane v50, v3  }
0x1e1: {  	v48 =	vadd.f32 v48, v62;
	v62 =	vperm.xlane v52, v2;
	v49 =	vadd.f32 v60, v49  }
0x1e2: {  	v47 =	vsub.f32 $1.500000000e+00, v47;
	v46 =	vadd.f32 v63, v46;
	v63 =	vperm.xlane v51, v3  }
0x1e3: {  	v50 =	vadd.f32 v50, v61;
	v52 =	vadd.f32 v62, v52;
	v58 =	vperm.xlane v48, v3  }
0x1e4: {  	v60 =	vperm.xlane v49, v3;
	v16 =	vadd.f32 v51, v63;
	v59 =	vperm.xlane v46, v3  }
0x1e5: {  	v47 =	vmul.f32 v47, v54;
	v54 =	vadd.f32 v26, v5;
	v26 =	vadd.f32 v48, v58  }
0x1e6: {  	v61 =	vperm.xlane v52, v3;
	v50 =	vmul.f32 $1.562500000e-02, v50;
	v46 =	vadd.f32 v59, v46  }
0x1e7: {  	v48 =	vadd.f32 v60, v49;
	v57 =	vmul.f32 v47, v8;
	v56 =	vmul.f32 $1.562500000e-02, v16  }
0x1e8: {  	v49 =	vadd.f32 v43, v5;
	v63 =	vmul.f32 v50, v50;
	v16 =	vmul.f32 $1.562500000e-02, v46  }
0x1e9: {  	v62 =	vadd.f32 v61, v52;
	v52 =	vadd.f32 v40, v6;
	v37 =	vmul.f32 $1.562500000e-02, v26  }
0x1ea: {  	v26 =	vmul.f32 $1.562500000e-02, v48;
	v60 =	vsub.f32 v16, v63;
	v16 =	vmul.f32 v56, v56  }
0x1eb: {  	v61 =	vmul.f32 v25, v8;
	v48 =	vadd.f32 v41, v7;
	v29 =	vmul.f32 v57, v29  }
0x1ec: {  	v62 =	vmul.f32 $1.562500000e-02, v62;
	v63 =	vsub.f32 v26, v16;
	v26 =	vmul.f32 v37, v37  }
0x1ed: {  	v51 =	vmul.f32 v25, v9;
	v25 =	vsub.f32 v44, v50;
	v46 =	vadd.f32 v29, v4  }
0x1ee: {  	v16 =	vmul.f32 v61, v31;
	v29 =	vadd.f32 $9.999999740e-06, v60;
	v31 =	vsub.f32 v62, v26  }
0x1ef: {  	v17 =	vmul.f32 v51, v17;
	v57 =	vadd.f32 v42, v4;
	v51 =	vadd.f32 $9.999999740e-06, v63  }
0x1f0: {  	[tilespmem:s20+$0x30] =	vst v55;
	v55 =	vshra.s32 v29, $0x1;
	v41 =	vmul.f32 $5.000000000e-01, v29;
	v29 =	vadd.f32 $9.999999740e-06, v31  }
0x1f1: {  	[tilespmem:s20+$0x0] =	vst v27;
	v44 =	vsub.s32 $0x5F3759DF, v55;
	v27 =	vshra.s32 v51, $0x1;
	v43 =	vmul.f32 $5.000000000e-01, v51  }
0x1f2: {  	v51 =	vsub.s32 $0x5F3759DF, v27;
	v27 =	vshra.s32 v29, $0x1;
	v42 =	vmul.f32 $5.000000000e-01, v29  }
0x1f3: {  	[tilespmem:s20+$0x10] =	vst v54;
	v26 =	vsub.f32 v39, v50;
	v29 =	vmul.f32 v44, v41;
	v54 =	vsub.s32 $0x5F3759DF, v27  }
0x1f4: {  	[tilespmem:s20+$0x20] =	vst v28;
	v31 =	vsub.f32 v30, v50;
	v39 =	vmul.f32 v51, v43;
	v30 =	vmul.f32 v54, v42  }
0x1f5: {  	s25 =	smulhi.u32 $0x51EB851F, s16;
	[tilespmem:s20+$0xFFFFFF00] =	vst v53;
	v28 =	vsub.f32 v32, v50;
	v32 =	vsub.f32 v35, v56;
	v58 =	vmul.f32 v44, v29  }
0x1f6: {  	[tilespmem:s20+$0xFFFFFF90] =	vst v49;
	v27 =	vsub.f32 v38, v56;
	v59 =	vmul.f32 v51, v39;
	v60 =	vmul.f32 v54, v30  }
0x1f7: {  	s2 =	sshrl.u32 s25, $0x6;
	v40 =	vmul.f32 v47, v11;
	[tilespmem:s20+$0xFFFFFF20] =	vst v52;
	v29 =	vsub.f32 v36, v56;
	v61 =	vsub.f32 $1.500000000e+00, v58  }
0x1f8: {  	s26 =	smul.u32 $0xC8, s2;
	[tilespmem:s20+$0xFFFFFF80] =	vst v48;
	v38 =	vmul.f32 v47, v9;
	v62 =	vsub.f32 $1.500000000e+00, v59;
	v63 =	vsub.f32 $1.500000000e+00, v60  }
0x1f9: {  	s29 =	sadd.s32 s8, s3;
	s19 =	simm.s32 $0x12700;
	s25 =	simm.s32 $0x4;
	[tilespmem:s20+$0xFFFFFF30] =	vst v57;
	v39 =	vmul.f32 v47, v10;
	v30 =	vsub.f32 v34, v56;
	v35 =	vmul.f32 v44, v61  }
0x1fa: {  	s13 =	smul.u32 $0xFFFF9C00, s2;
	s2 =	sadd.s32 $0x80, s29;
	s12 =	ssub.s32 s6, s26;
	[tilespmem:s19+$0x30] =	vst v46;
	v34 =	vmul.f32 v51, v62;
	v44 =	vsub.f32 v22, v33;
	v22 =	vmul.f32 v54, v63  }
.LBB2_5:
0x1fb: {  	s29 =	sadd.s32 s25, s23;
	s21 =	sadd.s32 $0x200, s21  }
0x1fc: {  	v24 =	vmul.f32 v35, v41;
	v33 =	vmul.f32 v34, v43;
	v20 =	vsub.f32 v20, v37;
	s10 =	sadd.s32 $0x200, s10;
	s25 =	sadd.s32 $0x4, s25;
	s26 =	sadd.s32 $0x84, s29  }
0x1fd: {  	v18 =	vsub.f32 v18, v37;
	v21 =	vsub.f32 v21, v37;
	s1 =	sadd.s32 $0x85, s29;
	s24 =	sadd.s32 $0x86, s29;
	v36 =	vld [tilespmem:s21+$0x0];
	v41 =	vmul.f32 v22, v42;
	p0 =	sgt.u32 s26, $0xC7  }
0x1fe: {  	v19 =	vsub.f32 v19, v37;
	p2 =	sgt.u32 s24, $0xC7;
	v42 =	vld [tilespmem:s21+$0x10];
	v24 =	vmul.f32 v24, v35;
	v33 =	vmul.f32 v33, v34;
	p1 =	sgt.u32 s1, $0xC7;
	s1 =	simm.s32 $0xFFFF9B80  }
0x1ff: {  	v40 =	vmul.f32 v40, v45;
	v15 =	vadd.f32 v15, v6;
	s5 =	simm.s32 $0xFFFF9B00;
	s26 =	sadd.s32 s10, s22;
	s1 =	simm.s32 @!p2 $0xFFFFFF80;
	v37 =	vld [tilespmem:s21+$0x20];
	v41 =	vmul.f32 v41, v22  }
0x200: {  	v39 =	vmul.f32 v39, v44;
	s24 =	sadd.s32 $0x87, s29;
	s29 =	simm.s32 $0xFFFF9A80;
	s1 =	sadd.s32 s1, s26;
	v43 =	vld [tilespmem:s21+$0x30];
	v24 =	vsub.f32 $1.500000000e+00, v24;
	v33 =	vsub.f32 $1.500000000e+00, v33  }
0x201: {  	v14 =	vadd.f32 v14, v4;
	v23 =	vmul.f32 v38, v23;
	s29 =	simm.s32 @!p0 $0xFFFFFE80;
	s5 =	simm.s32 @!p1 $0xFFFFFF00;
	p0 =	slt.u32 s25, $0x7C;
	v44 =	vld [tilespmem:s1+$0x16400];
	v38 =	vsub.f32 $1.500000000e+00, v41;
	[tilespmem:s20+$0xFFFFFFA0] =	vst v15  }
0x202: {  	p1 =	sgt.u32 s24, $0xC7;
	s24 =	sadd.s32 $0xFFFF9C00, s26;
	s29 =	sadd.s32 s29, s26;
	v15 =	vld [tilespmem:s1+$0x16410];
	v24 =	vmul.f32 v24, v35;
	v33 =	vmul.f32 v33, v34;
	v34 =	vadd.f32 v40, v7  }
0x203: {  	v39 =	vadd.f32 v39, v5;
	v23 =	vadd.f32 v23, v6;
	s5 =	sadd.s32 s5, s26;
	s26 =	smov.u32 @p1 s24;
	v35 =	vld [tilespmem:s1+$0x16420];
	v38 =	vmul.f32 v38, v22;
	[tilespmem:s20+$0xFFFFFFB0] =	vst v14  }
0x204: {  	v12 =	vadd.f32 v12, v7;
	v14 =	vld [tilespmem:s1+$0x16430];
	v40 =	vmul.f32 v24, v11;
	v41 =	vmul.f32 v24, v10;
	[tilespmem:s19+$0x0] =	vst v34  }
0x205: {  	v13 =	vadd.f32 v13, v5;
	v45 =	vmul.f32 v24, v9;
	v46 =	vmul.f32 v24, v8;
	v34 =	vld [tilespmem:s29+$0x16400];
	[tilespmem:s19+$0x10] =	vst v39  }
0x206: {  	v17 =	vadd.f32 v17, v6;
	v47 =	vmul.f32 v33, v11;
	v48 =	vmul.f32 v33, v10;
	v39 =	vld [tilespmem:s29+$0x16410];
	[tilespmem:s19+$0x20] =	vst v23  }
0x207: {  	v50 =	vmul.f32 v33, v9;
	v51 =	vmul.f32 v33, v8;
	v49 =	vld [tilespmem:s29+$0x16420];
	[tilespmem:s20+$0x80] =	vst v12;
	v12 =	vadd.f32 v16, v4  }
0x208: {  	v23 =	vadd.f32 v44, v36;
	v22 =	vadd.f32 v15, v42;
	v16 =	vmul.f32 v38, v11;
	v52 =	vld [tilespmem:s29+$0x16430];
	[tilespmem:s20+$0x90] =	vst v13  }
0x209: {  	v24 =	vadd.f32 v35, v37;
	v13 =	vmul.f32 v38, v10;
	v36 =	vld [tilespmem:s5+$0x16400];
	v33 =	vadd.f32 v14, v43;
	[tilespmem:s20+$0xA0] =	vst v17  }
0x20a: {  	v37 =	vmul.f32 v38, v8;
	v14 =	vadd.f32 v22, v23;
	v17 =	vmul.f32 v38, v9;
	v35 =	vld [tilespmem:s5+$0x16410];
	[tilespmem:s20+$0xB0] =	vst v12;
	s20 =	smov.u32 s19  }
0x20b: {  	v15 =	vmul.f32 v23, v23;
	v42 =	vmul.f32 v22, v22;
	v38 =	vld [tilespmem:s5+$0x16420];
	v12 =	vadd.f32 v33, v24  }
0x20c: {  	v44 =	vmul.f32 v24, v24;
	v53 =	vmul.f32 v33, v33;
	v43 =	vld [tilespmem:s5+$0x16430]  }
0x20d: {  	v12 =	vadd.f32 v12, v14;
	v54 =	vld [tilespmem:s26+$0x16400];
	v14 =	vmul.f32 v40, v25;
	v25 =	vmul.f32 v41, v26  }
0x20e: {  	v31 =	vmul.f32 v45, v31;
	v15 =	vadd.f32 v42, v15;
	v26 =	vadd.f32 v53, v44;
	v40 =	vld [tilespmem:s26+$0x16410]  }
0x20f: {  	v28 =	vmul.f32 v46, v28;
	v32 =	vmul.f32 v47, v32;
	v41 =	vld [tilespmem:s26+$0x16420];
	v14 =	vadd.f32 v14, v7  }
0x210: {  	v29 =	vmul.f32 v48, v29;
	v26 =	vadd.f32 v26, v15;
	v42 =	vperm.xlane v12, v0;
	v44 =	vld [tilespmem:s26+$0x16430]  }
0x211: {  	v25 =	vadd.f32 v25, v5;
	v15 =	vmul.f32 v50, v27;
	v45 =	vld [tilespmem:s21+$0xFFFFFF00];
	[tilespmem:s19+$0xFFFFFF00] =	vst v14;
	v14 =	vmul.f32 v51, v30  }
0x212: {  	v30 =	vadd.f32 v12, v42;
	v42 =	vperm.xlane v26, v0;
	v12 =	vmul.f32 v16, v20;
	v27 =	vld [tilespmem:s21+$0xFFFFFF10]  }
0x213: {  	v13 =	vmul.f32 v13, v18;
	v17 =	vmul.f32 v17, v21;
	v20 =	vld [tilespmem:s21+$0xFFFFFF20];
	[tilespmem:s19+$0xFFFFFF10] =	vst v25;
	v25 =	vadd.f32 v31, v6  }
0x214: {  	v16 =	vmul.f32 v37, v19;
	v21 =	vperm.xlane v30, v1;
	v31 =	vadd.f32 v42, v26;
	v18 =	vld [tilespmem:s21+$0xFFFFFF30]  }
0x215: {  	v28 =	vadd.f32 v28, v4;
	v32 =	vadd.f32 v32, v7;
	v19 =	vld [tilespmem:s21+$0xFFFFFF80];
	[tilespmem:s19+$0xFFFFFF20] =	vst v25  }
0x216: {  	v21 =	vadd.f32 v30, v21;
	v30 =	vperm.xlane v31, v1;
	v25 =	vadd.f32 v34, v45;
	v34 =	vld [tilespmem:s21+$0xFFFFFF90]  }
0x217: {  	v29 =	vadd.f32 v29, v5;
	v26 =	vadd.f32 v39, v27;
	v37 =	vld [tilespmem:s21+$0xFFFFFFA0];
	[tilespmem:s19+$0xFFFFFF30] =	vst v28  }
0x218: {  	v39 =	vperm.xlane v21, v2;
	v31 =	vadd.f32 v30, v31;
	v27 =	vadd.f32 v49, v20;
	v20 =	vld [tilespmem:s21+$0xFFFFFFB0];
	[tilespmem:s19+$0xFFFFFF80] =	vst v32  }
0x219: {  	v42 =	vmul.f32 v25, v25;
	v28 =	vadd.f32 v52, v18;
	v32 =	vadd.f32 v26, v25;
	v18 =	vld [tilespmem:s21+$0x80];
	[tilespmem:s19+$0xFFFFFF90] =	vst v29  }
0x21a: {  	v29 =	vadd.f32 v36, v19;
	v19 =	vadd.f32 v21, v39;
	v21 =	vperm.xlane v31, v2;
	v36 =	vld [tilespmem:s21+$0x90]  }
0x21b: {  	v45 =	vmul.f32 v26, v26;
	v39 =	vadd.f32 v28, v27;
	v30 =	vadd.f32 v35, v34;
	v46 =	vld [tilespmem:s21+$0xA0]  }
0x21c: {  	v34 =	vadd.f32 v38, v37;
	v37 =	vperm.xlane v19, v3;
	v21 =	vadd.f32 v21, v31;
	v31 =	vld [tilespmem:s21+$0xB0]  }
0x21d: {  	v47 =	vmul.f32 v28, v28;
	v38 =	vmul.f32 v27, v27;
	v35 =	vadd.f32 v43, v20  }
0x21e: {  	v19 =	vadd.f32 v19, v37;
	v37 =	vperm.xlane v21, v3;
	v20 =	vadd.f32 v54, v18  }
0x21f: {  	v48 =	vmul.f32 v29, v29;
	v43 =	vadd.f32 v30, v29;
	v18 =	vadd.f32 v40, v36  }
0x220: {  	v36 =	vmul.f32 $1.562500000e-02, v19;
	v37 =	vadd.f32 v37, v21;
	v21 =	vadd.f32 v41, v46  }
0x221: {  	v40 =	vadd.f32 v35, v34;
	v41 =	vmul.f32 v30, v30;
	v19 =	vadd.f32 v44, v31  }
0x222: {  	v44 =	vadd.f32 v18, v20;
	v31 =	vmul.f32 $1.562500000e-02, v37;
	v37 =	vmul.f32 v36, v36  }
0x223: {  	v49 =	vmul.f32 v35, v35;
	v46 =	vmul.f32 v34, v34;
	v50 =	vadd.f32 v19, v21  }
0x224: {  	v51 =	vmul.f32 v18, v18;
	v31 =	vsub.f32 v31, v37;
	v37 =	vmul.f32 v20, v20  }
0x225: {  	v32 =	vadd.f32 v39, v32;
	v39 =	vmul.f32 v21, v21;
	v52 =	vmul.f32 v19, v19  }
0x226: {  	v42 =	vadd.f32 v45, v42;
	v31 =	vadd.f32 $9.999999740e-06, v31  }
0x227: {  	v38 =	vadd.f32 v47, v38;
	v45 =	vperm.xlane v32, v0;
	v40 =	vadd.f32 v40, v43  }
0x228: {  	v41 =	vadd.f32 v41, v48;
	v43 =	vshra.s32 v31, $0x1;
	v31 =	vmul.f32 $5.000000000e-01, v31  }
0x229: {  	v46 =	vadd.f32 v49, v46;
	v44 =	vadd.f32 v50, v44;
	v43 =	vsub.s32 $0x5F3759DF, v43  }
0x22a: {  	v39 =	vadd.f32 v52, v39;
	v37 =	vadd.f32 v51, v37;
	v47 =	vmul.f32 v43, v31  }
0x22b: {  	v38 =	vadd.f32 v38, v42;
	v42 =	vperm.xlane v40, v0;
	v41 =	vadd.f32 v46, v41  }
0x22c: {  	v37 =	vadd.f32 v39, v37;
	v39 =	vperm.xlane v44, v0;
	v46 =	vmul.f32 v43, v47  }
0x22d: {  	v32 =	vadd.f32 v32, v45;
	v45 =	vperm.xlane v38, v0;
	v40 =	vadd.f32 v40, v42  }
0x22e: {  	v42 =	vperm.xlane v41, v0;
	v39 =	vadd.f32 v44, v39;
	v46 =	vsub.f32 $1.500000000e+00, v46  }
0x22f: {  	v38 =	vadd.f32 v45, v38;
	v44 =	vperm.xlane v32, v1;
	v45 =	vperm.xlane v37, v0  }
0x230: {  	v41 =	vadd.f32 v42, v41;
	v47 =	vperm.xlane v40, v1;
	v42 =	vmul.f32 v43, v46  }
0x231: {  	v32 =	vadd.f32 v32, v44;
	v37 =	vadd.f32 v45, v37;
	v43 =	vperm.xlane v39, v1  }
0x232: {  	v44 =	vperm.xlane v38, v1;
	v40 =	vadd.f32 v40, v47;
	v31 =	vmul.f32 v42, v31  }
0x233: {  	v45 =	vperm.xlane v41, v1;
	v39 =	vadd.f32 v39, v43;
	v43 =	vperm.xlane v37, v1  }
0x234: {  	v38 =	vadd.f32 v44, v38;
	v46 =	vperm.xlane v32, v2;
	v31 =	vmul.f32 v31, v42  }
0x235: {  	v41 =	vadd.f32 v45, v41;
	v44 =	vperm.xlane v40, v2;
	v45 =	vperm.xlane v39, v2  }
0x236: {  	v47 =	vperm.xlane v38, v2;
	v37 =	vadd.f32 v43, v37;
	v31 =	vsub.f32 $1.500000000e+00, v31  }
0x237: {  	v32 =	vadd.f32 v32, v46;
	v40 =	vadd.f32 v40, v44;
	v43 =	vperm.xlane v41, v2  }
0x238: {  	v39 =	vadd.f32 v39, v45;
	v31 =	vmul.f32 v31, v42;
	v42 =	vperm.xlane v37, v2  }
0x239: {  	v38 =	vadd.f32 v47, v38;
	v44 =	vperm.xlane v32, v3;
	v45 =	vperm.xlane v40, v3  }
0x23a: {  	v33 =	vsub.f32 v33, v36;
	v41 =	vadd.f32 v43, v41;
	v43 =	vmul.f32 v31, v8  }
0x23b: {  	v32 =	vadd.f32 v32, v44;
	v44 =	vperm.xlane v39, v3;
	v42 =	vadd.f32 v42, v37  }
0x23c: {  	v40 =	vadd.f32 v40, v45;
	v37 =	vperm.xlane v38, v3;
	v33 =	vmul.f32 v43, v33  }
0x23d: {  	v39 =	vadd.f32 v39, v44;
	v43 =	vperm.xlane v41, v3;
	v44 =	vperm.xlane v42, v3  }
0x23e: {  	v32 =	vmul.f32 $1.562500000e-02, v32;
	v38 =	vadd.f32 v37, v38;
	v33 =	vadd.f32 v33, v4  }
0x23f: {  	s19 =	sadd.s32 $0x200, s19;
	v45 =	vmul.f32 $1.562500000e-02, v40;
	v37 =	vmul.f32 $1.562500000e-02, v39;
	v40 =	vadd.f32 v43, v41  }
0x240: {  	v39 =	vmul.f32 v32, v32;
	v38 =	vmul.f32 $1.562500000e-02, v38;
	[tilespmem:s19+$0x30] =	vst v33;
	v33 =	vadd.f32 v44, v42  }
0x241: {  	v25 =	vsub.f32 v25, v32;
	v41 =	vmul.f32 v45, v45;
	v40 =	vmul.f32 $1.562500000e-02, v40  }
0x242: {  	v38 =	vsub.f32 v38, v39;
	v42 =	vmul.f32 v37, v37;
	v33 =	vmul.f32 $1.562500000e-02, v33  }
0x243: {  	v39 =	vmul.f32 v31, v10;
	v41 =	vsub.f32 v40, v41;
	v40 =	vmul.f32 v31, v11  }
0x244: {  	v43 =	vadd.f32 $9.999999740e-06, v38;
	v38 =	vmul.f32 v31, v9;
	v31 =	vsub.f32 v33, v42  }
0x245: {  	v26 =	vsub.f32 v26, v32;
	v33 =	vadd.f32 $9.999999740e-06, v41  }
0x246: {  	v42 =	vshra.s32 v43, $0x1;
	v41 =	vmul.f32 $5.000000000e-01, v43;
	v31 =	vadd.f32 $9.999999740e-06, v31  }
0x247: {  	v44 =	vsub.s32 $0x5F3759DF, v42;
	v42 =	vshra.s32 v33, $0x1;
	v43 =	vmul.f32 $5.000000000e-01, v33  }
0x248: {  	v33 =	vsub.s32 $0x5F3759DF, v42;
	v46 =	vshra.s32 v31, $0x1;
	v42 =	vmul.f32 $5.000000000e-01, v31  }
0x249: {  	v47 =	vmul.f32 v44, v41;
	v48 =	vmul.f32 v33, v43;
	v46 =	vsub.s32 $0x5F3759DF, v46  }
0x24a: {  	v28 =	vsub.f32 v28, v32;
	v31 =	vsub.f32 v27, v32;
	v49 =	vmul.f32 v46, v42  }
0x24b: {  	v47 =	vmul.f32 v44, v47;
	v32 =	vsub.f32 v29, v45;
	v48 =	vmul.f32 v33, v48  }
.Ltmp1:
0x24c: {  	v29 =	vsub.f32 v30, v45;
	v27 =	vsub.f32 v34, v45;
	v34 =	vmul.f32 v46, v49;
	(pc) =	sbr.rel @p0 .LBB2_5-.Ltmp1, $4  }
0x24d: {  	v47 =	vsub.f32 $1.500000000e+00, v47;
	v48 =	vsub.f32 $1.500000000e+00, v48  }
0x24e: {  	v30 =	vsub.f32 v35, v45;
	v49 =	vsub.f32 $1.500000000e+00, v34  }
0x24f: {  	v45 =	vsub.f32 v23, v36;
	v35 =	vmul.f32 v44, v47;
	v34 =	vmul.f32 v33, v48  }
0x250: {  	v23 =	vsub.f32 v24, v36;
	v44 =	vsub.f32 v22, v36;
	v22 =	vmul.f32 v46, v49  }
0x251: {  	v24 =	vmul.f32 v35, v41  }
0x252: {  	v33 =	vmul.f32 v34, v43;
	v20 =	vsub.f32 v20, v37;
	v18 =	vsub.f32 v18, v37  }
0x253: {  	v21 =	vsub.f32 v21, v37;
	v19 =	vsub.f32 v19, v37;
	v24 =	vmul.f32 v24, v35  }
0x254: {  	v49 =	vmul.f32 v40, v45;
	v15 =	vadd.f32 v15, v6;
	v36 =	vmul.f32 v22, v42  }
0x255: {  	v14 =	vadd.f32 v14, v4;
	v33 =	vmul.f32 v33, v34;
	v24 =	vsub.f32 $1.500000000e+00, v24  }
0x256: {  	v12 =	vadd.f32 v12, v7;
	v23 =	vmul.f32 v38, v23;
	[tilespmem:s20+$0xFFFFFFA0] =	vst v15;
	v36 =	vmul.f32 v36, v22  }
0x257: {  	v15 =	vadd.f32 v49, v7;
	[tilespmem:s20+$0xFFFFFFB0] =	vst v14;
	v33 =	vsub.f32 $1.500000000e+00, v33;
	v24 =	vmul.f32 v24, v35  }
0x258: {  	v13 =	vadd.f32 v13, v5;
	v39 =	vmul.f32 v39, v44;
	[tilespmem:s20+$0x80] =	vst v12;
	v14 =	vsub.f32 $1.500000000e+00, v36  }
0x259: {  	v23 =	vadd.f32 v23, v6;
	[tilespmem:s19+$0x0] =	vst v15;
	v15 =	vmul.f32 v33, v34;
	v51 =	vmul.f32 v24, v11  }
0x25a: {  	v17 =	vadd.f32 v17, v6;
	[tilespmem:s20+$0x90] =	vst v13;
	v14 =	vmul.f32 v14, v22;
	v22 =	vmul.f32 v24, v10  }
0x25b: {  	v16 =	vadd.f32 v16, v4;
	[tilespmem:s19+$0x20] =	vst v23;
	v23 =	vmul.f32 v24, v9;
	v12 =	vmul.f32 v51, v25  }
0x25c: {  	[tilespmem:s20+$0xA0] =	vst v17;
	v50 =	vadd.f32 v39, v5;
	v24 =	vmul.f32 v24, v8;
	v13 =	vmul.f32 v22, v26  }
0x25d: {  	[tilespmem:s20+$0xB0] =	vst v16;
	v22 =	vmul.f32 v15, v11;
	v17 =	vmul.f32 v23, v31;
	v12 =	vadd.f32 v12, v7  }
0x25e: {  	[tilespmem:s19+$0x10] =	vst v50;
	v23 =	vmul.f32 v15, v10;
	v16 =	vmul.f32 v24, v28;
	v13 =	vadd.f32 v13, v5  }
0x25f: {  	v24 =	vmul.f32 v15, v9;
	v22 =	vmul.f32 v22, v32;
	[tilespmem:s19+$0xFFFFFF00] =	vst v12;
	v12 =	vadd.f32 v17, v6  }
0x260: {  	v15 =	vmul.f32 v15, v8;
	v17 =	vmul.f32 v23, v29;
	[tilespmem:s19+$0xFFFFFF10] =	vst v13;
	v13 =	vadd.f32 v16, v4  }
0x261: {  	v16 =	vmul.f32 v14, v11;
	v23 =	vmul.f32 v24, v27;
	[tilespmem:s19+$0xFFFFFF20] =	vst v12;
	v12 =	vadd.f32 v22, v7  }
0x262: {  	v15 =	vmul.f32 v15, v30;
	v22 =	vmul.f32 v14, v10;
	[tilespmem:s19+$0xFFFFFF30] =	vst v13;
	v13 =	vadd.f32 v17, v5  }
0x263: {  	v17 =	vmul.f32 v14, v9;
	v16 =	vmul.f32 v16, v20;
	[tilespmem:s19+$0xFFFFFF80] =	vst v12;
	v12 =	vadd.f32 v23, v6  }
0x264: {  	v14 =	vmul.f32 v14, v8;
	v18 =	vmul.f32 v22, v18;
	[tilespmem:s19+$0xFFFFFF90] =	vst v13;
	v13 =	vadd.f32 v15, v4  }
0x265: {  	v15 =	vmul.f32 v17, v21;
	[tilespmem:s19+$0xFFFFFFA0] =	vst v12;
	v12 =	vadd.f32 v16, v7  }
0x266: {  	v14 =	vmul.f32 v14, v19;
	[tilespmem:s19+$0xFFFFFFB0] =	vst v13;
	v13 =	vadd.f32 v18, v5  }
0x267: {  	v15 =	vadd.f32 v15, v6;
	[tilespmem:s19+$0x80] =	vst v12  }
0x268: {  	v12 =	vadd.f32 v14, v4;
	[tilespmem:s19+$0x90] =	vst v13  }
0x269: {  	s1 =	sshll.u32 s2, $0x4;
	[tilespmem:s19+$0xA0] =	vst v15  }
0x26a: {  	s24 =	simm.s32 $0x0;
	s1 =	sadd.s32 s9, s1;
	s20 =	simm.s32 $0x12400;
	[tilespmem:s19+$0xB0] =	vst v12  }
0x26b: {  	[hbm4b:s1+s24] =	stream.linear.scatter [tilespmem:s20], [sflag:$0x4], $0x4000, $0x38;
	[tilespmem:$0x1C900] =	vst v63  }
0x26c: {  	_ =	swait.ge [sflag:s0], $0x4000  }
0x26d: {  	s21 =	sand.u32 $0x3FFFFF00, s8;
	s25 =	simm.s32 $0x80;
	[sflag:s0] =	ssyncset.done $0x0  }
0x26e: {  	s22 =	simm.s32 $0xA400;
	s1 =	sadd.s32 $0x180, s21;
	[sflag:s0] =	ssyncadd.s32 $0xFFFFC000  }
0x26f: {  	[tilespmem:s22], [sflag:$0x2] =	stream.indirect.gather [hbm4b:s7+s25], $0x80, s1, s25, $0xb8;
	[tilespmem:$0x1C900] =	vst v63  }
0x270: {  	_ =	swait.ge [sflag:s28], $0x4000  }
0x271: {  	[sflag:s28] =	ssyncset.done $0x0  }
0x272: {  	s23 =	simm.s32 $0x6500;
	s26 =	sadd.s32 $0xFFFFFFFC, s12;
	[sflag:s28] =	ssyncadd.s32 $0xFFFFC000  }
0x273: {  	s5 =	sadd.s32 $0x106, s26;
	v12 =	vld [tilespmem:s23+$0x0]  }
0x274: {  	p0 =	sgt.u32 s5, $0xC7;
	s5 =	simm.s32 $0xFFFF9B80;
	v13 =	vld [tilespmem:s23+$0x10]  }
0x275: {  	s8 =	sadd.s32 s17, s13;
	s5 =	simm.s32 @!p0 $0xFFFFFF80;
	v16 =	vld [tilespmem:s23+$0x20]  }
0x276: {  	s5 =	sadd.s32 s5, s8;
	v17 =	vld [tilespmem:s23+$0x30]  }
0x277: {  	s10 =	sadd.s32 $0x104, s26;
	v14 =	vld [tilespmem:s5+$0x16400]  }
0x278: {  	p0 =	sgt.u32 s10, $0xC7;
	s10 =	simm.s32 $0xFFFF9A80;
	v15 =	vld [tilespmem:s5+$0x16410]  }
0x279: {  	s10 =	simm.s32 @!p0 $0xFFFFFE80;
	v18 =	vld [tilespmem:s5+$0x16420]  }
0x27a: {  	s29 =	sadd.s32 s10, s8;
	s19 =	sadd.s32 $0x105, s26;
	v19 =	vld [tilespmem:s5+$0x16430]  }
0x27b: {  	s10 =	simm.s32 $0xFFFF9B00;
	p0 =	sgt.u32 s19, $0xC7;
	v20 =	vld [tilespmem:s29+$0x16400]  }
0x27c: {  	s10 =	simm.s32 @!p0 $0xFFFFFF00;
	v21 =	vld [tilespmem:s29+$0x16410]  }
0x27d: {  	s10 =	sadd.s32 s10, s8;
	s1 =	sadd.s32 $0x107, s26;
	v22 =	vld [tilespmem:s29+$0x16420]  }
0x27e: {  	p0 =	sgt.u32 s1, $0xC7;
	s1 =	sadd.s32 $0xFFFF9C00, s8;
	v26 =	vld [tilespmem:s10+$0x16420];
	v14 =	vadd.f32 v14, v12;
	v15 =	vadd.f32 v15, v13  }
0x27f: {  	s8 =	smov.u32 @p0 s1;
	v29 =	vld [tilespmem:s10+$0x16430];
	v12 =	vadd.f32 v18, v16;
	v16 =	vadd.f32 v19, v17  }
0x280: {  	v30 =	vld [tilespmem:s8+$0x16400];
	v18 =	vadd.f32 v15, v14  }
0x281: {  	v31 =	vld [tilespmem:s8+$0x16420];
	v23 =	vadd.f32 v16, v12;
	v24 =	vmul.f32 v14, v14;
	v25 =	vmul.f32 v15, v15  }
0x282: {  	v52 =	vld [tilespmem:s23+$0xFFFFFF10];
	v27 =	vmul.f32 v12, v12;
	v28 =	vmul.f32 v16, v16  }
0x283: {  	v53 =	vld [tilespmem:s23+$0xFFFFFF20];
	v18 =	vadd.f32 v23, v18  }
0x284: {  	v54 =	vld [tilespmem:s23+$0xFFFFFF30];
	v23 =	vadd.f32 v25, v24;
	v24 =	vadd.f32 v28, v27  }
0x285: {  	v55 =	vld [tilespmem:s8+$0x16430]  }
0x286: {  	v57 =	vld [tilespmem:s23+$0xFFFFFFA0];
	v23 =	vadd.f32 v24, v23;
	v24 =	vperm.xlane v18, v0  }
0x287: {  	v58 =	vld [tilespmem:s23+$0xFFFFFFB0]  }
0x288: {  	v27 =	vld [tilespmem:s23+$0xFFFFFF00];
	v18 =	vadd.f32 v18, v24;
	v24 =	vperm.xlane v23, v0  }
0x289: {  	v60 =	vld [tilespmem:s23+$0xA0]  }
0x28a: {  	v13 =	vld [tilespmem:s29+$0x16430];
	v28 =	vperm.xlane v18, v1;
	v23 =	vadd.f32 v24, v23  }
0x28b: {  	v17 =	vld [tilespmem:s10+$0x16400]  }
0x28c: {  	v21 =	vadd.f32 v21, v52;
	v24 =	vld [tilespmem:s23+$0xFFFFFF80];
	v18 =	vadd.f32 v18, v28;
	v56 =	vperm.xlane v23, v1  }
0x28d: {  	v19 =	vld [tilespmem:s10+$0x16410];
	v26 =	vadd.f32 v26, v57;
	v28 =	vadd.f32 v20, v27  }
0x28e: {  	v20 =	vld [tilespmem:s23+$0xFFFFFF90];
	v27 =	vperm.xlane v18, v2;
	v36 =	vadd.f32 v56, v23;
	v23 =	vadd.f32 v22, v53  }
0x28f: {  	v62 =	vld [tilespmem:s23+$0xB0];
	v39 =	vmul.f32 v21, v21;
	v22 =	vadd.f32 v13, v54;
	v34 =	vadd.f32 v21, v28  }
0x290: {  	v13 =	vld [tilespmem:s23+$0x80];
	v37 =	vmul.f32 v28, v28;
	v18 =	vadd.f32 v18, v27;
	v27 =	vperm.xlane v36, v2  }
0x291: {  	v25 =	vld [tilespmem:s8+$0x16410];
	v24 =	vadd.f32 v17, v24;
	v59 =	vadd.f32 v22, v23;
	v63 =	vmul.f32 v23, v23  }
0x292: {  	v17 =	vld [tilespmem:s23+$0x90];
	v49 =	vmul.f32 v22, v22;
	v37 =	vadd.f32 v39, v37;
	v36 =	vadd.f32 v27, v36  }
0x293: {  	v54 =	vmul.f32 v26, v26;
	v27 =	vadd.f32 v19, v20;
	v20 =	vadd.f32 v29, v58  }
0x294: {  	v61 =	vperm.xlane v18, v3;
	v34 =	vadd.f32 v59, v34;
	v41 =	vadd.f32 v49, v63  }
0x295: {  	v50 =	vmul.f32 v24, v24;
	v19 =	vadd.f32 v30, v13;
	v13 =	vadd.f32 v55, v62  }
0x296: {  	v29 =	vadd.f32 v18, v61;
	v48 =	vperm.xlane v36, v3;
	v30 =	vadd.f32 v27, v24  }
0x297: {  	v18 =	vadd.f32 v25, v17;
	v17 =	vadd.f32 v31, v60;
	v52 =	vmul.f32 v27, v27  }
0x298: {  	v31 =	vadd.f32 v20, v26;
	v55 =	vmul.f32 v20, v20;
	v44 =	vperm.xlane v34, v0  }
0x299: {  	v37 =	vadd.f32 v41, v37;
	v57 =	vmul.f32 v19, v19;
	v60 =	vmul.f32 v13, v13  }
0x29a: {  	v25 =	vmul.f32 $1.562500000e-02, v29;
	v29 =	vadd.f32 v48, v36;
	v53 =	vadd.f32 v18, v19  }
0x29b: {  	v56 =	vadd.f32 v13, v17;
	v58 =	vmul.f32 v18, v18;
	v30 =	vadd.f32 v31, v30  }
0x29c: {  	v59 =	vmul.f32 v17, v17;
	v31 =	vadd.f32 v52, v50;
	v62 =	vadd.f32 v55, v54  }
0x29d: {  	v34 =	vadd.f32 v34, v44;
	v47 =	vperm.xlane v37, v0;
	v36 =	vadd.f32 v56, v53  }
0x29e: {  	v29 =	vmul.f32 $1.562500000e-02, v29;
	v32 =	vadd.f32 v58, v57;
	v38 =	vadd.f32 v60, v59  }
0x29f: {  	v51 =	vmul.f32 v25, v25;
	v31 =	vadd.f32 v62, v31;
	v37 =	vadd.f32 v47, v37  }
0x2a0: {  	v45 =	vperm.xlane v30, v0;
	v16 =	vsub.f32 v16, v25;
	v14 =	vsub.f32 v14, v25  }
0x2a1: {  	v49 =	vperm.xlane v34, v1;
	v15 =	vsub.f32 v15, v25;
	v12 =	vsub.f32 v12, v25  }
0x2a2: {  	v29 =	vsub.f32 v29, v51;
	v32 =	vadd.f32 v38, v32;
	v46 =	vperm.xlane v36, v0  }
0x2a3: {  	v30 =	vadd.f32 v30, v45;
	v48 =	vperm.xlane v31, v0;
	v34 =	vadd.f32 v34, v49  }
0x2a4: {  	v53 =	vperm.xlane v37, v1;
	v29 =	vadd.f32 $9.999999740e-06, v29;
	v36 =	vadd.f32 v36, v46  }
0x2a5: {  	v50 =	vperm.xlane v32, v0;
	v51 =	vperm.xlane v30, v1;
	v31 =	vadd.f32 v48, v31  }
0x2a6: {  	v56 =	vperm.xlane v34, v2;
	v37 =	vadd.f32 v53, v37;
	v61 =	vshra.s32 v29, $0x1  }
0x2a7: {  	v29 =	vmul.f32 $5.000000000e-01, v29;
	v52 =	vperm.xlane v36, v1;
	v32 =	vadd.f32 v50, v32  }
0x2a8: {  	v30 =	vadd.f32 v30, v51;
	v54 =	vperm.xlane v31, v1;
	v33 =	vsub.s32 $0x5F3759DF, v61  }
0x2a9: {  	v59 =	vperm.xlane v37, v2;
	v34 =	vadd.f32 v34, v56;
	v63 =	vmul.f32 v33, v29  }
0x2aa: {  	v35 =	vadd.f32 v36, v52;
	v55 =	vperm.xlane v32, v1;
	v57 =	vperm.xlane v30, v2  }
0x2ab: {  	v31 =	vadd.f32 v54, v31;
	v62 =	vperm.xlane v34, v3;
	v37 =	vadd.f32 v59, v37  }
0x2ac: {  	v40 =	vmul.f32 v33, v63;
	v58 =	vperm.xlane v35, v2;
	v32 =	vadd.f32 v55, v32  }
0x2ad: {  	v30 =	vadd.f32 v30, v57;
	v60 =	vperm.xlane v31, v2;
	v34 =	vadd.f32 v34, v62  }
0x2ae: {  	v44 =	vperm.xlane v37, v3;
	v40 =	vsub.f32 $1.500000000e+00, v40;
	v35 =	vadd.f32 v35, v58  }
0x2af: {  	v61 =	vperm.xlane v32, v2;
	v63 =	vperm.xlane v30, v3;
	v31 =	vadd.f32 v60, v31  }
0x2b0: {  	v34 =	vmul.f32 $1.562500000e-02, v34;
	v37 =	vadd.f32 v44, v37;
	v33 =	vmul.f32 v33, v40  }
0x2b1: {  	v43 =	vperm.xlane v35, v3;
	v32 =	vadd.f32 v61, v32;
	v45 =	vperm.xlane v31, v3  }
0x2b2: {  	v30 =	vadd.f32 v30, v63;
	v47 =	vmul.f32 $1.562500000e-02, v37;
	v48 =	vmul.f32 v34, v34  }
0x2b3: {  	v35 =	vadd.f32 v35, v43;
	v46 =	vperm.xlane v32, v3;
	v31 =	vadd.f32 v45, v31  }
0x2b4: {  	v41 =	vsub.f32 v28, v34;
	v29 =	vmul.f32 v33, v29;
	v38 =	vmul.f32 $1.562500000e-02, v30  }
0x2b5: {  	v30 =	vmul.f32 $1.562500000e-02, v35;
	v32 =	vadd.f32 v46, v32;
	v31 =	vmul.f32 $1.562500000e-02, v31  }
0x2b6: {  	v49 =	vmul.f32 v38, v38;
	v29 =	vmul.f32 v29, v33;
	v35 =	vsub.f32 v47, v48  }
0x2b7: {  	v21 =	vsub.f32 v21, v34;
	v32 =	vmul.f32 $1.562500000e-02, v32;
	v50 =	vmul.f32 v30, v30  }
0x2b8: {  	v31 =	vsub.f32 v31, v49;
	v35 =	vadd.f32 $9.999999740e-06, v35  }
0x2b9: {  	v29 =	vsub.f32 $1.500000000e+00, v29;
	v32 =	vsub.f32 v32, v50  }
0x2ba: {  	v31 =	vadd.f32 $9.999999740e-06, v31;
	v51 =	vshra.s32 v35, $0x1;
	v35 =	vmul.f32 $5.000000000e-01, v35  }
0x2bb: {  	v29 =	vmul.f32 v29, v33;
	v33 =	vsub.s32 $0x5F3759DF, v51;
	v32 =	vadd.f32 $9.999999740e-06, v32  }
0x2bc: {  	v52 =	vshra.s32 v31, $0x1;
	v31 =	vmul.f32 $5.000000000e-01, v31;
	v54 =	vmul.f32 v33, v35  }
0x2bd: {  	v36 =	vsub.s32 $0x5F3759DF, v52;
	v53 =	vshra.s32 v32, $0x1;
	v32 =	vmul.f32 $5.000000000e-01, v32  }
0x2be: {  	v56 =	vmul.f32 v36, v31;
	v39 =	vmul.f32 v33, v54;
	v37 =	vsub.s32 $0x5F3759DF, v53  }
0x2bf: {  	s20 =	sadd.s32 $0x0, s12;
	v46 =	vsub.f32 v23, v34;
	v34 =	vsub.f32 v22, v34;
	v57 =	vmul.f32 v37, v32  }
0x2c0: {  	s21 =	sadd.s32 $0x106, s20;
	s8 =	simm.s32 $0x6700;
	v47 =	vsub.f32 v24, v38;
	v58 =	vmul.f32 v36, v56;
	v39 =	vsub.f32 $1.500000000e+00, v39  }
0x2c1: {  	p0 =	sgt.u32 s21, $0xC7;
	s1 =	simm.s32 $0xFFFF9B80;
	s10 =	sadd.s32 $0x200, s17;
	v62 =	vld [tilespmem:s8+$0x10];
	v48 =	vsub.f32 v27, v38;
	v55 =	vmul.f32 v29, v8;
	v28 =	vmul.f32 v37, v57  }
0x2c2: {  	s1 =	simm.s32 @!p0 $0xFFFFFF80;
	s2 =	sadd.s32 s10, s13;
	v63 =	vld [tilespmem:s8+$0x20];
	v20 =	vsub.f32 v20, v38;
	v40 =	vsub.f32 $1.500000000e+00, v58;
	v33 =	vmul.f32 v33, v39  }
0x2c3: {  	s1 =	sadd.s32 s1, s2;
	v60 =	vmul.f32 v29, v11;
	v52 =	vld [tilespmem:s8+$0x30];
	v16 =	vmul.f32 v55, v16;
	v28 =	vsub.f32 $1.500000000e+00, v28  }
0x2c4: {  	s22 =	sadd.s32 $0x104, s20;
	v49 =	vsub.f32 v26, v38;
	v55 =	vld [tilespmem:s1+$0x16430];
	v23 =	vmul.f32 v36, v40;
	v22 =	vmul.f32 v33, v35  }
0x2c5: {  	p0 =	sgt.u32 s22, $0xC7;
	s5 =	simm.s32 $0xFFFF9A80;
	v19 =	vsub.f32 v19, v30;
	v61 =	vmul.f32 v29, v10;
	v54 =	vld [tilespmem:s1+$0x16420];
	v37 =	vmul.f32 v37, v28  }
0x2c6: {  	s26 =	sadd.s32 $0x105, s20;
	s5 =	simm.s32 @!p0 $0xFFFFFE80;
	v18 =	vsub.f32 v18, v30;
	v24 =	vmul.f32 v23, v31;
	v31 =	vld [tilespmem:s1+$0x16410];
	v22 =	vmul.f32 v22, v33  }
0x2c7: {  	p0 =	sgt.u32 s26, $0xC7;
	s23 =	sadd.s32 s5, s2;
	s5 =	simm.s32 $0xFFFF9B00;
	v59 =	vld [tilespmem:s8+$0x0];
	v17 =	vsub.f32 v17, v30;
	v29 =	vmul.f32 v29, v9;
	v26 =	vmul.f32 v37, v32  }
0x2c8: {  	s5 =	simm.s32 @!p0 $0xFFFFFF00;
	v27 =	vmul.f32 v60, v14;
	v53 =	vld [tilespmem:s1+$0x16400];
	v24 =	vmul.f32 v24, v23;
	v22 =	vsub.f32 $1.500000000e+00, v22  }
0x2c9: {  	s5 =	sadd.s32 s5, s2;
	v44 =	vld [tilespmem:s23+$0x16400];
	v28 =	vmul.f32 v29, v12;
	v29 =	vadd.f32 v55, v52;
	v25 =	vmul.f32 v26, v37  }
0x2ca: {  	v38 =	vld [tilespmem:s5+$0x16420];
	v14 =	vsub.f32 $1.500000000e+00, v24;
	v26 =	vmul.f32 v61, v15;
	v15 =	vmul.f32 v22, v33  }
0x2cb: {  	v50 =	vld [tilespmem:s23+$0x16420];
	v24 =	vadd.f32 v54, v63;
	v61 =	vmul.f32 v29, v29;
	v22 =	vadd.f32 v31, v62  }
0x2cc: {  	s29 =	sadd.s32 $0x107, s20;
	v51 =	vld [tilespmem:s5+$0x16410];
	v12 =	vsub.f32 $1.500000000e+00, v25;
	v14 =	vmul.f32 v14, v23;
	v31 =	vmul.f32 v15, v10  }
0x2cd: {  	p0 =	sgt.u32 s29, $0xC7;
	v35 =	vld [tilespmem:s23+$0x16430];
	s1 =	sadd.s32 $0xFFFF9C00, s2;
	v23 =	vadd.f32 v53, v59;
	v60 =	vmul.f32 v24, v24;
	v52 =	vmul.f32 v15, v9  }
0x2ce: {  	v36 =	vld [tilespmem:s5+$0x16400];
	s2 =	smov.u32 @p0 s1;
	v57 =	vadd.f32 v29, v24;
	v59 =	vmul.f32 v22, v22;
	v25 =	vmul.f32 v12, v37  }
0x2cf: {  	v55 =	vld [tilespmem:s2+$0x16400];
	v12 =	vmul.f32 v15, v11;
	v56 =	vadd.f32 v22, v23;
	v58 =	vmul.f32 v23, v23  }
0x2d0: {  	v33 =	vld [tilespmem:s23+$0x16410];
	v15 =	vmul.f32 v15, v8;
	v54 =	vmul.f32 v14, v11;
	v63 =	vadd.f32 v61, v60  }
0x2d1: {  	v53 =	vld [tilespmem:s5+$0x16430];
	v43 =	vmul.f32 v14, v10;
	v40 =	vmul.f32 v52, v46;
	v62 =	vadd.f32 v59, v58  }
0x2d2: {  	v61 =	vld [tilespmem:s8+$0xFFFFFF00];
	v32 =	vadd.f32 v57, v56;
	v56 =	vmul.f32 v14, v9;
	v14 =	vmul.f32 v14, v8  }
0x2d3: {  	v59 =	vmul.f32 v25, v11;
	v42 =	vmul.f32 v15, v34;
	v39 =	vadd.f32 v63, v62;
	v62 =	vld [tilespmem:s8+$0xFFFFFF10]  }
0x2d4: {  	v27 =	vadd.f32 v27, v7;
	v45 =	vperm.xlane v32, v0;
	v15 =	vmul.f32 v56, v49;
	v56 =	vld [tilespmem:s8+$0xFFFFFF80]  }
0x2d5: {  	v28 =	vadd.f32 v28, v6;
	v37 =	vmul.f32 v12, v41;
	v14 =	vmul.f32 v14, v20;
	v20 =	vld [tilespmem:s8+$0xFFFFFFA0]  }
0x2d6: {  	v12 =	vadd.f32 v32, v45;
	v32 =	vperm.xlane v39, v0;
	v45 =	vmul.f32 v31, v21;
	v21 =	vld [tilespmem:s8+$0xFFFFFF20]  }
0x2d7: {  	v57 =	vld [tilespmem:s2+$0x16410];
	v60 =	vmul.f32 v25, v10;
	v44 =	vadd.f32 v44, v61;
	v31 =	vsub.f32 v13, v30  }
0x2d8: {  	v63 =	vld [tilespmem:s8+$0xFFFFFF30];
	v52 =	vperm.xlane v12, v1;
	v32 =	vadd.f32 v32, v39;
	v45 =	vadd.f32 v45, v5  }
0x2d9: {  	v58 =	vld [tilespmem:s2+$0x16420];
	v41 =	vmul.f32 v54, v47;
	v39 =	vadd.f32 v33, v62;
	v34 =	vadd.f32 v36, v56  }
0x2da: {  	v46 =	vadd.f32 v12, v52;
	v13 =	vperm.xlane v32, v1;
	v12 =	vmul.f32 v59, v19;
	v19 =	vld [tilespmem:s8+$0xFFFFFF90]  }
0x2db: {  	v43 =	vmul.f32 v43, v48;
	v38 =	vadd.f32 v38, v20;
	v30 =	vadd.f32 v50, v21;
	v21 =	vld [tilespmem:s8+$0x80]  }
0x2dc: {  	v61 =	vld [tilespmem:s8+$0xA0];
	v50 =	vadd.f32 v39, v44;
	v62 =	vperm.xlane v46, v2;
	v49 =	vadd.f32 v13, v32  }
0x2dd: {  	v54 =	vmul.f32 v39, v39;
	v13 =	vmul.f32 v60, v18;
	v18 =	vld [tilespmem:s8+$0xFFFFFFB0];
	v32 =	vadd.f32 v35, v63  }
0x2de: {  	v60 =	vld [tilespmem:s8+$0x90];
	v33 =	vadd.f32 v46, v62;
	v63 =	vperm.xlane v49, v2;
	v46 =	vmul.f32 v44, v44  }
0x2df: {  	v52 =	vadd.f32 v32, v30;
	v59 =	vmul.f32 v32, v32;
	v36 =	vadd.f32 v51, v19  }
0x2e0: {  	v51 =	vmul.f32 v30, v30;
	v49 =	vadd.f32 v63, v49;
	v20 =	vadd.f32 v55, v21  }
0x2e1: {  	v47 =	vld [tilespmem:s2+$0x16430];
	v62 =	vperm.xlane v33, v3;
	v21 =	vadd.f32 v58, v61;
	v50 =	vadd.f32 v52, v50  }
0x2e2: {  	v19 =	vld [tilespmem:s8+$0xB0];
	v58 =	vmul.f32 v38, v38;
	v46 =	vadd.f32 v54, v46;
	v35 =	vadd.f32 v53, v18  }
0x2e3: {  	v55 =	vadd.f32 v36, v34;
	v18 =	vadd.f32 v57, v60;
	v56 =	vmul.f32 v36, v36  }
0x2e4: {  	v51 =	vadd.f32 v59, v51;
	v33 =	vadd.f32 v33, v62;
	v63 =	vperm.xlane v49, v3  }
0x2e5: {  	v52 =	vmul.f32 v20, v20;
	v53 =	vadd.f32 v35, v38;
	v57 =	vadd.f32 v18, v20  }
0x2e6: {  	v54 =	vmul.f32 v18, v18;
	v46 =	vadd.f32 v51, v46;
	v33 =	vmul.f32 $1.562500000e-02, v33  }
0x2e7: {  	v60 =	vadd.f32 v63, v49;
	v49 =	vmul.f32 v34, v34;
	v19 =	vadd.f32 v47, v19  }
0x2e8: {  	v61 =	vmul.f32 v21, v21;
	v53 =	vadd.f32 v53, v55;
	v52 =	vadd.f32 v54, v52  }
0x2e9: {  	s20 =	simm.s32 $0xE500;
	v47 =	vmul.f32 $1.562500000e-02, v60;
	v48 =	vmul.f32 v33, v33;
	v49 =	vadd.f32 v56, v49  }
0x2ea: {  	[tilespmem:s20+$0xFFFFFF10] =	vst v45;
	v60 =	vmul.f32 v35, v35;
	v29 =	vsub.f32 v29, v33;
	v45 =	vsub.f32 v23, v33  }
0x2eb: {  	v62 =	vmul.f32 v19, v19;
	v23 =	vsub.f32 v24, v33;
	v47 =	vsub.f32 v47, v48  }
0x2ec: {  	v48 =	vadd.f32 v19, v21;
	v58 =	vadd.f32 v60, v58  }
0x2ed: {  	v55 =	vadd.f32 v62, v61;
	v61 =	vperm.xlane v50, v0;
	v47 =	vadd.f32 $9.999999740e-06, v47  }
0x2ee: {  	v62 =	vperm.xlane v53, v0;
	v48 =	vadd.f32 v48, v57;
	v49 =	vadd.f32 v58, v49  }
0x2ef: {  	v52 =	vadd.f32 v55, v52;
	v63 =	vshra.s32 v47, $0x1;
	v47 =	vmul.f32 $5.000000000e-01, v47  }
0x2f0: {  	v50 =	vadd.f32 v50, v61;
	v56 =	vsub.s32 $0x5F3759DF, v63;
	v63 =	vperm.xlane v48, v0  }
0x2f1: {  	v51 =	vadd.f32 v53, v62;
	v61 =	vperm.xlane v49, v0;
	v60 =	vmul.f32 v56, v47  }
0x2f2: {  	v55 =	vadd.f32 v16, v4;
	v48 =	vadd.f32 v48, v63;
	v63 =	vperm.xlane v52, v0  }
0x2f3: {  	v49 =	vadd.f32 v61, v49;
	v54 =	vmul.f32 v56, v60;
	v60 =	vperm.xlane v46, v0  }
0x2f4: {  	v62 =	vperm.xlane v50, v1;
	v61 =	vperm.xlane v48, v1;
	v52 =	vadd.f32 v63, v52  }
0x2f5: {  	v63 =	vperm.xlane v49, v1;
	v54 =	vsub.f32 $1.500000000e+00, v54;
	v46 =	vadd.f32 v60, v46  }
0x2f6: {  	v50 =	vadd.f32 v50, v62;
	v60 =	vperm.xlane v51, v1;
	v57 =	vperm.xlane v52, v1  }
0x2f7: {  	v53 =	vadd.f32 v37, v7;
	v54 =	vmul.f32 v56, v54;
	v62 =	vperm.xlane v46, v1  }
0x2f8: {  	v48 =	vadd.f32 v48, v61;
	v51 =	vadd.f32 v51, v60;
	v60 =	vperm.xlane v50, v2  }
0x2f9: {  	v49 =	vadd.f32 v63, v49;
	v47 =	vmul.f32 v54, v47;
	v46 =	vadd.f32 v62, v46  }
0x2fa: {  	v61 =	vperm.xlane v51, v2;
	v62 =	vperm.xlane v48, v2;
	v50 =	vadd.f32 v50, v60  }
0x2fb: {  	v52 =	vadd.f32 v57, v52;
	v60 =	vperm.xlane v49, v2;
	v47 =	vmul.f32 v47, v54  }
0x2fc: {  	v63 =	vperm.xlane v46, v2;
	v51 =	vadd.f32 v51, v61;
	v61 =	vperm.xlane v50, v3  }
0x2fd: {  	v48 =	vadd.f32 v48, v62;
	v62 =	vperm.xlane v52, v2;
	v49 =	vadd.f32 v60, v49  }
0x2fe: {  	v47 =	vsub.f32 $1.500000000e+00, v47;
	v46 =	vadd.f32 v63, v46;
	v63 =	vperm.xlane v51, v3  }
0x2ff: {  	v50 =	vadd.f32 v50, v61;
	v52 =	vadd.f32 v62, v52;
	v58 =	vperm.xlane v48, v3  }
0x300: {  	v60 =	vperm.xlane v49, v3;
	v16 =	vadd.f32 v51, v63;
	v59 =	vperm.xlane v46, v3  }
0x301: {  	v47 =	vmul.f32 v47, v54;
	v54 =	vadd.f32 v26, v5;
	v26 =	vadd.f32 v48, v58  }
0x302: {  	v61 =	vperm.xlane v52, v3;
	v50 =	vmul.f32 $1.562500000e-02, v50;
	v46 =	vadd.f32 v59, v46  }
0x303: {  	v48 =	vadd.f32 v60, v49;
	v57 =	vmul.f32 v47, v8;
	v56 =	vmul.f32 $1.562500000e-02, v16  }
0x304: {  	v49 =	vadd.f32 v43, v5;
	v63 =	vmul.f32 v50, v50;
	v16 =	vmul.f32 $1.562500000e-02, v46  }
0x305: {  	v62 =	vadd.f32 v61, v52;
	v52 =	vadd.f32 v40, v6;
	v37 =	vmul.f32 $1.562500000e-02, v26  }
0x306: {  	v26 =	vmul.f32 $1.562500000e-02, v48;
	v60 =	vsub.f32 v16, v63;
	v16 =	vmul.f32 v56, v56  }
0x307: {  	v61 =	vmul.f32 v25, v8;
	v48 =	vadd.f32 v41, v7;
	v29 =	vmul.f32 v57, v29  }
0x308: {  	v62 =	vmul.f32 $1.562500000e-02, v62;
	v63 =	vsub.f32 v26, v16;
	v26 =	vmul.f32 v37, v37  }
0x309: {  	v51 =	vmul.f32 v25, v9;
	v25 =	vsub.f32 v44, v50;
	v46 =	vadd.f32 v29, v4  }
0x30a: {  	v16 =	vmul.f32 v61, v31;
	v29 =	vadd.f32 $9.999999740e-06, v60;
	v31 =	vsub.f32 v62, v26  }
0x30b: {  	v17 =	vmul.f32 v51, v17;
	v57 =	vadd.f32 v42, v4;
	v51 =	vadd.f32 $9.999999740e-06, v63  }
0x30c: {  	[tilespmem:s20+$0x30] =	vst v55;
	v55 =	vshra.s32 v29, $0x1;
	v41 =	vmul.f32 $5.000000000e-01, v29;
	v29 =	vadd.f32 $9.999999740e-06, v31  }
0x30d: {  	[tilespmem:s20+$0x0] =	vst v27;
	v44 =	vsub.s32 $0x5F3759DF, v55;
	v27 =	vshra.s32 v51, $0x1;
	v43 =	vmul.f32 $5.000000000e-01, v51  }
0x30e: {  	v51 =	vsub.s32 $0x5F3759DF, v27;
	v27 =	vshra.s32 v29, $0x1;
	v42 =	vmul.f32 $5.000000000e-01, v29  }
0x30f: {  	[tilespmem:s20+$0x10] =	vst v54;
	v26 =	vsub.f32 v39, v50;
	v29 =	vmul.f32 v44, v41;
	v54 =	vsub.s32 $0x5F3759DF, v27  }
0x310: {  	[tilespmem:s20+$0x20] =	vst v28;
	v31 =	vsub.f32 v30, v50;
	v39 =	vmul.f32 v51, v43;
	v30 =	vmul.f32 v54, v42  }
0x311: {  	[tilespmem:s20+$0xFFFFFF00] =	vst v53;
	v28 =	vsub.f32 v32, v50;
	v32 =	vsub.f32 v34, v56;
	v58 =	vmul.f32 v44, v29  }
0x312: {  	[tilespmem:s20+$0xFFFFFF90] =	vst v49;
	v27 =	vsub.f32 v38, v56;
	v59 =	vmul.f32 v51, v39;
	v60 =	vmul.f32 v54, v30  }
0x313: {  	v40 =	vmul.f32 v47, v11;
	[tilespmem:s20+$0xFFFFFF20] =	vst v52;
	v29 =	vsub.f32 v36, v56;
	v61 =	vsub.f32 $1.500000000e+00, v58  }
0x314: {  	[tilespmem:s20+$0xFFFFFF80] =	vst v48;
	v38 =	vmul.f32 v47, v9;
	v62 =	vsub.f32 $1.500000000e+00, v59;
	v63 =	vsub.f32 $1.500000000e+00, v60  }
0x315: {  	s19 =	simm.s32 $0xE700;
	[tilespmem:s20+$0xFFFFFF30] =	vst v57;
	v39 =	vmul.f32 v47, v10;
	v30 =	vsub.f32 v35, v56;
	v35 =	vmul.f32 v44, v61  }
0x316: {  	s2 =	sadd.s32 s3, s11;
	s11 =	simm.s32 $0x4;
	[tilespmem:s19+$0x30] =	vst v46;
	v34 =	vmul.f32 v51, v62;
	v44 =	vsub.f32 v22, v33;
	v22 =	vmul.f32 v54, v63  }
.LBB2_7:
0x317: {  	s1 =	sadd.s32 s11, s12;
	s8 =	sadd.s32 $0x200, s8  }
0x318: {  	v24 =	vmul.f32 v35, v41;
	v33 =	vmul.f32 v34, v43;
	v20 =	vsub.f32 v20, v37;
	s10 =	sadd.s32 $0x200, s10;
	s11 =	sadd.s32 $0x4, s11;
	s23 =	simm.s32 $0xFFFF9B00  }
0x319: {  	v18 =	vsub.f32 v18, v37;
	v21 =	vsub.f32 v21, v37;
	s5 =	sadd.s32 $0x104, s1;
	s22 =	sadd.s32 $0x105, s1;
	s21 =	sadd.s32 $0x106, s1;
	v36 =	vld [tilespmem:s8+$0x0];
	v41 =	vmul.f32 v22, v42  }
0x31a: {  	v19 =	vsub.f32 v19, v37;
	p0 =	sgt.u32 s5, $0xC7;
	p2 =	sgt.u32 s21, $0xC7;
	v42 =	vld [tilespmem:s8+$0x10];
	v24 =	vmul.f32 v24, v35;
	v33 =	vmul.f32 v33, v34;
	s5 =	simm.s32 $0xFFFF9B80  }
0x31b: {  	v40 =	vmul.f32 v40, v45;
	v15 =	vadd.f32 v15, v6;
	s21 =	sadd.s32 s10, s13;
	p1 =	sgt.u32 s22, $0xC7;
	s5 =	simm.s32 @!p2 $0xFFFFFF80;
	v37 =	vld [tilespmem:s8+$0x20];
	v41 =	vmul.f32 v41, v22  }
0x31c: {  	s1 =	sadd.s32 $0x107, s1;
	v39 =	vmul.f32 v39, v44;
	s22 =	simm.s32 $0xFFFF9A80;
	s5 =	sadd.s32 s5, s21;
	v43 =	vld [tilespmem:s8+$0x30];
	v24 =	vsub.f32 $1.500000000e+00, v24;
	v33 =	vsub.f32 $1.500000000e+00, v33  }
0x31d: {  	v14 =	vadd.f32 v14, v4;
	v23 =	vmul.f32 v38, v23;
	s22 =	simm.s32 @!p0 $0xFFFFFE80;
	s23 =	simm.s32 @!p1 $0xFFFFFF00;
	p0 =	slt.u32 s11, $0x7C;
	v44 =	vld [tilespmem:s5+$0x16400];
	v38 =	vsub.f32 $1.500000000e+00, v41;
	[tilespmem:s20+$0xFFFFFFA0] =	vst v15  }
0x31e: {  	p1 =	sgt.u32 s1, $0xC7;
	s1 =	sadd.s32 $0xFFFF9C00, s21;
	s22 =	sadd.s32 s22, s21;
	v15 =	vld [tilespmem:s5+$0x16410];
	v24 =	vmul.f32 v24, v35;
	v33 =	vmul.f32 v33, v34;
	v34 =	vadd.f32 v40, v7  }
0x31f: {  	v39 =	vadd.f32 v39, v5;
	v23 =	vadd.f32 v23, v6;
	s23 =	sadd.s32 s23, s21;
	s21 =	smov.u32 @p1 s1;
	v35 =	vld [tilespmem:s5+$0x16420];
	v38 =	vmul.f32 v38, v22;
	[tilespmem:s20+$0xFFFFFFB0] =	vst v14  }
0x320: {  	v12 =	vadd.f32 v12, v7;
	v14 =	vld [tilespmem:s5+$0x16430];
	v40 =	vmul.f32 v24, v11;
	v41 =	vmul.f32 v24, v10;
	[tilespmem:s19+$0x0] =	vst v34  }
0x321: {  	v13 =	vadd.f32 v13, v5;
	v45 =	vmul.f32 v24, v9;
	v46 =	vmul.f32 v24, v8;
	v34 =	vld [tilespmem:s22+$0x16400];
	[tilespmem:s19+$0x10] =	vst v39  }
0x322: {  	v17 =	vadd.f32 v17, v6;
	v47 =	vmul.f32 v33, v11;
	v48 =	vmul.f32 v33, v10;
	v39 =	vld [tilespmem:s22+$0x16410];
	[tilespmem:s19+$0x20] =	vst v23  }
0x323: {  	v50 =	vmul.f32 v33, v9;
	v51 =	vmul.f32 v33, v8;
	v49 =	vld [tilespmem:s22+$0x16420];
	[tilespmem:s20+$0x80] =	vst v12;
	v12 =	vadd.f32 v16, v4  }
0x324: {  	v23 =	vadd.f32 v44, v36;
	v22 =	vadd.f32 v15, v42;
	v16 =	vmul.f32 v38, v11;
	v52 =	vld [tilespmem:s22+$0x16430];
	[tilespmem:s20+$0x90] =	vst v13  }
0x325: {  	v24 =	vadd.f32 v35, v37;
	v13 =	vmul.f32 v38, v10;
	v36 =	vld [tilespmem:s23+$0x16400];
	v33 =	vadd.f32 v14, v43;
	[tilespmem:s20+$0xA0] =	vst v17  }
0x326: {  	v37 =	vmul.f32 v38, v8;
	v14 =	vadd.f32 v22, v23;
	v17 =	vmul.f32 v38, v9;
	v35 =	vld [tilespmem:s23+$0x16410];
	[tilespmem:s20+$0xB0] =	vst v12;
	s20 =	smov.u32 s19  }
0x327: {  	v15 =	vmul.f32 v23, v23;
	v42 =	vmul.f32 v22, v22;
	v38 =	vld [tilespmem:s23+$0x16420];
	v12 =	vadd.f32 v33, v24  }
0x328: {  	v44 =	vmul.f32 v24, v24;
	v53 =	vmul.f32 v33, v33;
	v43 =	vld [tilespmem:s23+$0x16430]  }
0x329: {  	v12 =	vadd.f32 v12, v14;
	v54 =	vld [tilespmem:s21+$0x16400];
	v14 =	vmul.f32 v40, v25;
	v25 =	vmul.f32 v41, v26  }
0x32a: {  	v31 =	vmul.f32 v45, v31;
	v15 =	vadd.f32 v42, v15;
	v26 =	vadd.f32 v53, v44;
	v40 =	vld [tilespmem:s21+$0x16410]  }
0x32b: {  	v28 =	vmul.f32 v46, v28;
	v32 =	vmul.f32 v47, v32;
	v41 =	vld [tilespmem:s21+$0x16420];
	v14 =	vadd.f32 v14, v7  }
0x32c: {  	v29 =	vmul.f32 v48, v29;
	v26 =	vadd.f32 v26, v15;
	v42 =	vperm.xlane v12, v0;
	v44 =	vld [tilespmem:s21+$0x16430]  }
0x32d: {  	v25 =	vadd.f32 v25, v5;
	v15 =	vmul.f32 v50, v27;
	v45 =	vld [tilespmem:s8+$0xFFFFFF00];
	[tilespmem:s19+$0xFFFFFF00] =	vst v14;
	v14 =	vmul.f32 v51, v30  }
0x32e: {  	v30 =	vadd.f32 v12, v42;
	v42 =	vperm.xlane v26, v0;
	v12 =	vmul.f32 v16, v20;
	v27 =	vld [tilespmem:s8+$0xFFFFFF10]  }
0x32f: {  	v13 =	vmul.f32 v13, v18;
	v17 =	vmul.f32 v17, v21;
	v20 =	vld [tilespmem:s8+$0xFFFFFF20];
	[tilespmem:s19+$0xFFFFFF10] =	vst v25;
	v25 =	vadd.f32 v31, v6  }
0x330: {  	v16 =	vmul.f32 v37, v19;
	v21 =	vperm.xlane v30, v1;
	v31 =	vadd.f32 v42, v26;
	v18 =	vld [tilespmem:s8+$0xFFFFFF30]  }
0x331: {  	v28 =	vadd.f32 v28, v4;
	v32 =	vadd.f32 v32, v7;
	v19 =	vld [tilespmem:s8+$0xFFFFFF80];
	[tilespmem:s19+$0xFFFFFF20] =	vst v25  }
0x332: {  	v21 =	vadd.f32 v30, v21;
	v30 =	vperm.xlane v31, v1;
	v25 =	vadd.f32 v34, v45;
	v34 =	vld [tilespmem:s8+$0xFFFFFF90]  }
0x333: {  	v29 =	vadd.f32 v29, v5;
	v26 =	vadd.f32 v39, v27;
	v37 =	vld [tilespmem:s8+$0xFFFFFFA0];
	[tilespmem:s19+$0xFFFFFF30] =	vst v28  }
0x334: {  	v39 =	vperm.xlane v21, v2;
	v31 =	vadd.f32 v30, v31;
	v27 =	vadd.f32 v49, v20;
	v20 =	vld [tilespmem:s8+$0xFFFFFFB0];
	[tilespmem:s19+$0xFFFFFF80] =	vst v32  }
0x335: {  	v42 =	vmul.f32 v25, v25;
	v28 =	vadd.f32 v52, v18;
	v32 =	vadd.f32 v26, v25;
	v18 =	vld [tilespmem:s8+$0x80];
	[tilespmem:s19+$0xFFFFFF90] =	vst v29  }
0x336: {  	v29 =	vadd.f32 v36, v19;
	v19 =	vadd.f32 v21, v39;
	v21 =	vperm.xlane v31, v2;
	v36 =	vld [tilespmem:s8+$0x90]  }
0x337: {  	v45 =	vmul.f32 v26, v26;
	v39 =	vadd.f32 v28, v27;
	v30 =	vadd.f32 v35, v34;
	v46 =	vld [tilespmem:s8+$0xA0]  }
0x338: {  	v34 =	vadd.f32 v38, v37;
	v37 =	vperm.xlane v19, v3;
	v21 =	vadd.f32 v21, v31;
	v31 =	vld [tilespmem:s8+$0xB0]  }
0x339: {  	v47 =	vmul.f32 v28, v28;
	v38 =	vmul.f32 v27, v27;
	v35 =	vadd.f32 v43, v20  }
0x33a: {  	v19 =	vadd.f32 v19, v37;
	v37 =	vperm.xlane v21, v3;
	v20 =	vadd.f32 v54, v18  }
0x33b: {  	v48 =	vmul.f32 v29, v29;
	v43 =	vadd.f32 v30, v29;
	v18 =	vadd.f32 v40, v36  }
0x33c: {  	v36 =	vmul.f32 $1.562500000e-02, v19;
	v37 =	vadd.f32 v37, v21;
	v21 =	vadd.f32 v41, v46  }
0x33d: {  	v40 =	vadd.f32 v35, v34;
	v41 =	vmul.f32 v30, v30;
	v19 =	vadd.f32 v44, v31  }
0x33e: {  	v44 =	vadd.f32 v18, v20;
	v31 =	vmul.f32 $1.562500000e-02, v37;
	v37 =	vmul.f32 v36, v36  }
0x33f: {  	v49 =	vmul.f32 v35, v35;
	v46 =	vmul.f32 v34, v34;
	v50 =	vadd.f32 v19, v21  }
0x340: {  	v51 =	vmul.f32 v18, v18;
	v31 =	vsub.f32 v31, v37;
	v37 =	vmul.f32 v20, v20  }
0x341: {  	v32 =	vadd.f32 v39, v32;
	v39 =	vmul.f32 v21, v21;
	v52 =	vmul.f32 v19, v19  }
0x342: {  	v42 =	vadd.f32 v45, v42;
	v31 =	vadd.f32 $9.999999740e-06, v31  }
0x343: {  	v38 =	vadd.f32 v47, v38;
	v45 =	vperm.xlane v32, v0;
	v40 =	vadd.f32 v40, v43  }
0x344: {  	v41 =	vadd.f32 v41, v48;
	v43 =	vshra.s32 v31, $0x1;
	v31 =	vmul.f32 $5.000000000e-01, v31  }
0x345: {  	v46 =	vadd.f32 v49, v46;
	v44 =	vadd.f32 v50, v44;
	v43 =	vsub.s32 $0x5F3759DF, v43  }
0x346: {  	v39 =	vadd.f32 v52, v39;
	v37 =	vadd.f32 v51, v37;
	v47 =	vmul.f32 v43, v31  }
0x347: {  	v38 =	vadd.f32 v38, v42;
	v42 =	vperm.xlane v40, v0;
	v41 =	vadd.f32 v46, v41  }
0x348: {  	v37 =	vadd.f32 v39, v37;
	v39 =	vperm.xlane v44, v0;
	v46 =	vmul.f32 v43, v47  }
0x349: {  	v32 =	vadd.f32 v32, v45;
	v45 =	vperm.xlane v38, v0;
	v40 =	vadd.f32 v40, v42  }
0x34a: {  	v42 =	vperm.xlane v41, v0;
	v39 =	vadd.f32 v44, v39;
	v46 =	vsub.f32 $1.500000000e+00, v46  }
0x34b: {  	v38 =	vadd.f32 v45, v38;
	v44 =	vperm.xlane v32, v1;
	v45 =	vperm.xlane v37, v0  }
0x34c: {  	v41 =	vadd.f32 v42, v41;
	v47 =	vperm.xlane v40, v1;
	v42 =	vmul.f32 v43, v46  }
0x34d: {  	v32 =	vadd.f32 v32, v44;
	v37 =	vadd.f32 v45, v37;
	v43 =	vperm.xlane v39, v1  }
0x34e: {  	v44 =	vperm.xlane v38, v1;
	v40 =	vadd.f32 v40, v47;
	v31 =	vmul.f32 v42, v31  }
0x34f: {  	v45 =	vperm.xlane v41, v1;
	v39 =	vadd.f32 v39, v43;
	v43 =	vperm.xlane v37, v1  }
0x350: {  	v38 =	vadd.f32 v44, v38;
	v46 =	vperm.xlane v32, v2;
	v31 =	vmul.f32 v31, v42  }
0x351: {  	v41 =	vadd.f32 v45, v41;
	v44 =	vperm.xlane v40, v2;
	v45 =	vperm.xlane v39, v2  }
0x352: {  	v47 =	vperm.xlane v38, v2;
	v37 =	vadd.f32 v43, v37;
	v31 =	vsub.f32 $1.500000000e+00, v31  }
0x353: {  	v32 =	vadd.f32 v32, v46;
	v40 =	vadd.f32 v40, v44;
	v43 =	vperm.xlane v41, v2  }
0x354: {  	v39 =	vadd.f32 v39, v45;
	v31 =	vmul.f32 v31, v42;
	v42 =	vperm.xlane v37, v2  }
0x355: {  	v38 =	vadd.f32 v47, v38;
	v44 =	vperm.xlane v32, v3;
	v45 =	vperm.xlane v40, v3  }
0x356: {  	v33 =	vsub.f32 v33, v36;
	v41 =	vadd.f32 v43, v41;
	v43 =	vmul.f32 v31, v8  }
0x357: {  	v32 =	vadd.f32 v32, v44;
	v44 =	vperm.xlane v39, v3;
	v42 =	vadd.f32 v42, v37  }
0x358: {  	v40 =	vadd.f32 v40, v45;
	v37 =	vperm.xlane v38, v3;
	v33 =	vmul.f32 v43, v33  }
0x359: {  	v39 =	vadd.f32 v39, v44;
	v43 =	vperm.xlane v41, v3;
	v44 =	vperm.xlane v42, v3  }
0x35a: {  	v32 =	vmul.f32 $1.562500000e-02, v32;
	v38 =	vadd.f32 v37, v38;
	v33 =	vadd.f32 v33, v4  }
0x35b: {  	s19 =	sadd.s32 $0x200, s19;
	v45 =	vmul.f32 $1.562500000e-02, v40;
	v37 =	vmul.f32 $1.562500000e-02, v39;
	v40 =	vadd.f32 v43, v41  }
0x35c: {  	v39 =	vmul.f32 v32, v32;
	v38 =	vmul.f32 $1.562500000e-02, v38;
	[tilespmem:s19+$0x30] =	vst v33;
	v33 =	vadd.f32 v44, v42  }
0x35d: {  	v25 =	vsub.f32 v25, v32;
	v41 =	vmul.f32 v45, v45;
	v40 =	vmul.f32 $1.562500000e-02, v40  }
0x35e: {  	v38 =	vsub.f32 v38, v39;
	v42 =	vmul.f32 v37, v37;
	v33 =	vmul.f32 $1.562500000e-02, v33  }
0x35f: {  	v39 =	vmul.f32 v31, v10;
	v41 =	vsub.f32 v40, v41;
	v40 =	vmul.f32 v31, v11  }
0x360: {  	v43 =	vadd.f32 $9.999999740e-06, v38;
	v38 =	vmul.f32 v31, v9;
	v31 =	vsub.f32 v33, v42  }
0x361: {  	v26 =	vsub.f32 v26, v32;
	v33 =	vadd.f32 $9.999999740e-06, v41  }
0x362: {  	v42 =	vshra.s32 v43, $0x1;
	v41 =	vmul.f32 $5.000000000e-01, v43;
	v31 =	vadd.f32 $9.999999740e-06, v31  }
0x363: {  	v44 =	vsub.s32 $0x5F3759DF, v42;
	v42 =	vshra.s32 v33, $0x1;
	v43 =	vmul.f32 $5.000000000e-01, v33  }
0x364: {  	v33 =	vsub.s32 $0x5F3759DF, v42;
	v46 =	vshra.s32 v31, $0x1;
	v42 =	vmul.f32 $5.000000000e-01, v31  }
0x365: {  	v47 =	vmul.f32 v44, v41;
	v48 =	vmul.f32 v33, v43;
	v46 =	vsub.s32 $0x5F3759DF, v46  }
0x366: {  	v28 =	vsub.f32 v28, v32;
	v31 =	vsub.f32 v27, v32;
	v49 =	vmul.f32 v46, v42  }
0x367: {  	v47 =	vmul.f32 v44, v47;
	v32 =	vsub.f32 v29, v45;
	v48 =	vmul.f32 v33, v48  }
.Ltmp2:
0x368: {  	v29 =	vsub.f32 v30, v45;
	v27 =	vsub.f32 v34, v45;
	v34 =	vmul.f32 v46, v49;
	(pc) =	sbr.rel @p0 .LBB2_7-.Ltmp2, $4  }
0x369: {  	v47 =	vsub.f32 $1.500000000e+00, v47;
	v48 =	vsub.f32 $1.500000000e+00, v48  }
0x36a: {  	v30 =	vsub.f32 v35, v45;
	v49 =	vsub.f32 $1.500000000e+00, v34  }
0x36b: {  	v45 =	vsub.f32 v23, v36;
	v35 =	vmul.f32 v44, v47;
	v34 =	vmul.f32 v33, v48  }
0x36c: {  	v23 =	vsub.f32 v24, v36;
	v44 =	vsub.f32 v22, v36;
	v22 =	vmul.f32 v46, v49  }
0x36d: {  	v24 =	vmul.f32 v35, v41;
	v20 =	vsub.f32 v20, v37  }
0x36e: {  	v33 =	vmul.f32 v34, v43;
	v18 =	vsub.f32 v18, v37;
	v21 =	vsub.f32 v21, v37  }
0x36f: {  	v19 =	vsub.f32 v19, v37;
	v61 =	vmul.f32 v40, v45;
	v24 =	vmul.f32 v24, v35  }
0x370: {  	v15 =	vadd.f32 v15, v6;
	v14 =	vadd.f32 v14, v4;
	v36 =	vmul.f32 v22, v42  }
0x371: {  	v12 =	vadd.f32 v12, v7;
	v33 =	vmul.f32 v33, v34;
	v24 =	vsub.f32 $1.500000000e+00, v24  }
0x372: {  	v13 =	vadd.f32 v13, v5;
	v17 =	vadd.f32 v17, v6;
	[tilespmem:s20+$0xFFFFFFA0] =	vst v15;
	v36 =	vmul.f32 v36, v22  }
0x373: {  	v39 =	vmul.f32 v39, v44;
	[tilespmem:s20+$0xFFFFFFB0] =	vst v14;
	v33 =	vsub.f32 $1.500000000e+00, v33;
	v24 =	vmul.f32 v24, v35  }
0x374: {  	v16 =	vadd.f32 v16, v4;
	v23 =	vmul.f32 v38, v23;
	[tilespmem:s20+$0x80] =	vst v12;
	v37 =	vsub.f32 $1.500000000e+00, v36  }
0x375: {  	[tilespmem:s20+$0x90] =	vst v13;
	v63 =	vadd.f32 v39, v5;
	v38 =	vmul.f32 v33, v34;
	v39 =	vmul.f32 v24, v11  }
0x376: {  	v62 =	vadd.f32 v61, v7;
	[tilespmem:s20+$0xA0] =	vst v17;
	v14 =	vmul.f32 v37, v22;
	v40 =	vmul.f32 v24, v10  }
0x377: {  	[tilespmem:s20+$0xB0] =	vst v16;
	v41 =	vmul.f32 v24, v9;
	v42 =	vmul.f32 v39, v25  }
0x378: {  	v23 =	vadd.f32 v23, v6;
	[tilespmem:s19+$0x0] =	vst v62;
	v24 =	vmul.f32 v24, v8;
	v43 =	vmul.f32 v40, v26  }
0x379: {  	[tilespmem:s19+$0x10] =	vst v63;
	v44 =	vmul.f32 v38, v11;
	v45 =	vmul.f32 v41, v31;
	v12 =	vadd.f32 v42, v7  }
0x37a: {  	[tilespmem:s19+$0x20] =	vst v23;
	v46 =	vmul.f32 v38, v10;
	v47 =	vmul.f32 v24, v28;
	v13 =	vadd.f32 v43, v5  }
0x37b: {  	v48 =	vmul.f32 v38, v9;
	v22 =	vmul.f32 v44, v32;
	v49 =	vadd.f32 v45, v6;
	[tilespmem:s19+$0xFFFFFF00] =	vst v12  }
0x37c: {  	v15 =	vmul.f32 v38, v8;
	v50 =	vmul.f32 v46, v29;
	v51 =	vadd.f32 v47, v4;
	[tilespmem:s19+$0xFFFFFF10] =	vst v13  }
0x37d: {  	v52 =	vmul.f32 v14, v11;
	v53 =	vmul.f32 v48, v27;
	v54 =	vadd.f32 v22, v7;
	[tilespmem:s19+$0xFFFFFF20] =	vst v49  }
0x37e: {  	v55 =	vmul.f32 v14, v10;
	v15 =	vmul.f32 v15, v30;
	v56 =	vadd.f32 v50, v5;
	[tilespmem:s19+$0xFFFFFF30] =	vst v51  }
0x37f: {  	v57 =	vmul.f32 v14, v9;
	v16 =	vmul.f32 v52, v20;
	v58 =	vadd.f32 v53, v6;
	[tilespmem:s19+$0xFFFFFF80] =	vst v54  }
0x380: {  	v14 =	vmul.f32 v14, v8;
	v18 =	vmul.f32 v55, v18;
	v59 =	vadd.f32 v15, v4;
	[tilespmem:s19+$0xFFFFFF90] =	vst v56  }
0x381: {  	s4 =	sadd.s32 $0x1, s4;
	v60 =	vmul.f32 v57, v21;
	v61 =	vadd.f32 v16, v7;
	[tilespmem:s19+$0xFFFFFFA0] =	vst v58  }
0x382: {  	p0 =	sne.s32 s4, $0x63;
	v14 =	vmul.f32 v14, v19;
	v62 =	vadd.f32 v18, v5;
	[tilespmem:s19+$0xFFFFFFB0] =	vst v59  }
.Ltmp3:
0x383: {  	v15 =	vadd.f32 v60, v6;
	[tilespmem:s19+$0x80] =	vst v61;
	(pc) =	sbr.rel @p0 .LBB2_4-.Ltmp3, $4  }
0x384: {  	s1 =	sshll.u32 s2, $0x4;
	s29 =	simm.s32 $0xE400;
	v63 =	vadd.f32 v14, v4;
	[tilespmem:s19+$0x90] =	vst v62  }
0x385: {  	s6 =	sadd.s32 $0x100, s6;
	s14 =	sadd.s32 $0x100, s14;
	s15 =	sadd.s32 $0x8000, s15;
	[tilespmem:s19+$0xA0] =	vst v15  }
0x386: {  	s16 =	sadd.s32 $0x100, s16;
	s17 =	sadd.s32 $0x8000, s17;
	s1 =	sadd.s32 s9, s1;
	[tilespmem:s19+$0xB0] =	vst v63  }
0x387: {  	[hbm4b:s1+s24] =	stream.linear.scatter [tilespmem:s29], [sflag:$0x3], $0x4000, $0x38;
	[tilespmem:$0x1C900] =	vst v63  }
0x388: {  	_ =	swait.ge [sflag:s31], $0x4000  }
0x389: {  	[sflag:s31] =	ssyncset.done $0x0  }
0x38a: {  	s2 =	simm.s32 $0xA500;
	s1 =	sadd.s32 $0xFFFFFFFC, s18;
	[sflag:s31] =	ssyncadd.s32 $0xFFFFC000  }
0x38b: {  	s4 =	sadd.s32 $0x6386, s1;
	v12 =	vld [tilespmem:s2+$0x0]  }
0x38c: {  	p0 =	sgt.u32 s4, $0xC7;
	s4 =	simm.s32 $0xFFFFFF80;
	v13 =	vld [tilespmem:s2+$0x10]  }
0x38d: {  	s6 =	rddreg [dreg:$0xf];
	s4 =	simm.s32 @!p0 $0x6380;
	v16 =	vld [tilespmem:s2+$0x20]  }
0x38e: {  	v17 =	vld [tilespmem:s2+$0x30];
	s4 =	sadd.s32 s4, s6  }
0x38f: {  	v14 =	vld [tilespmem:s4+$0x16400]  }
0x390: {  	v15 =	vld [tilespmem:s4+$0x16410]  }
0x391: {  	v18 =	vld [tilespmem:s4+$0x16420]  }
0x392: {  	v19 =	vld [tilespmem:s4+$0x16430]  }
0x393: {  	v32 =	vld [tilespmem:s2+$0xFFFFFF10]  }
0x394: {  	v33 =	vld [tilespmem:s2+$0xFFFFFF20]  }
0x395: {  	v34 =	vld [tilespmem:s2+$0xFFFFFF30]  }
0x396: {  	s5 =	sadd.s32 $0x6384, s1;
	v47 =	vld [tilespmem:s2+$0xFFFFFFA0];
	v14 =	vadd.f32 v14, v12;
	v15 =	vadd.f32 v15, v13  }
0x397: {  	p0 =	sgt.u32 s5, $0xC7;
	s5 =	simm.s32 $0xFFFFFE80;
	v48 =	vld [tilespmem:s2+$0xFFFFFFB0];
	v12 =	vadd.f32 v18, v16;
	v16 =	vadd.f32 v19, v17  }
0x398: {  	v40 =	vld [tilespmem:s2+$0xA0];
	s5 =	simm.s32 @!p0 $0x6280;
	v18 =	vadd.f32 v15, v14  }
0x399: {  	s19 =	sadd.s32 $0x6385, s1;
	v50 =	vld [tilespmem:s2+$0xB0];
	s17 =	sadd.s32 s5, s6;
	v23 =	vadd.f32 v16, v12;
	v24 =	vmul.f32 v14, v14;
	v25 =	vmul.f32 v15, v15  }
0x39a: {  	p0 =	sgt.u32 s19, $0xC7;
	s5 =	simm.s32 $0xFFFFFF00;
	v20 =	vld [tilespmem:s17+$0x16400];
	v27 =	vmul.f32 v12, v12;
	v28 =	vmul.f32 v16, v16  }
0x39b: {  	v21 =	vld [tilespmem:s17+$0x16410];
	s5 =	simm.s32 @!p0 $0x6300;
	v18 =	vadd.f32 v23, v18  }
0x39c: {  	s1 =	sadd.s32 $0x6387, s1;
	v22 =	vld [tilespmem:s17+$0x16420];
	s5 =	sadd.s32 s5, s6;
	v23 =	vadd.f32 v25, v24;
	v24 =	vadd.f32 v28, v27  }
0x39d: {  	p0 =	sgt.u32 s1, $0xC7;
	s1 =	sadd.s32 $0x6400, s6;
	v26 =	vld [tilespmem:s5+$0x16420]  }
0x39e: {  	s1 =	smov.u32 @p0 s6;
	v29 =	vld [tilespmem:s5+$0x16430];
	v23 =	vadd.f32 v24, v23;
	v24 =	vperm.xlane v18, v0  }
0x39f: {  	v30 =	vld [tilespmem:s1+$0x16400]  }
0x3a0: {  	v27 =	vld [tilespmem:s2+$0xFFFFFF00];
	v18 =	vadd.f32 v18, v24;
	v24 =	vperm.xlane v23, v0  }
0x3a1: {  	v35 =	vld [tilespmem:s1+$0x16430]  }
0x3a2: {  	v13 =	vld [tilespmem:s17+$0x16430];
	v28 =	vperm.xlane v18, v1;
	v23 =	vadd.f32 v24, v23  }
0x3a3: {  	v17 =	vld [tilespmem:s5+$0x16400]  }
0x3a4: {  	v21 =	vadd.f32 v21, v32;
	v24 =	vld [tilespmem:s2+$0xFFFFFF80];
	v18 =	vadd.f32 v18, v28;
	v36 =	vperm.xlane v23, v1  }
0x3a5: {  	v19 =	vld [tilespmem:s5+$0x16410];
	v26 =	vadd.f32 v26, v47;
	v28 =	vadd.f32 v20, v27  }
0x3a6: {  	v20 =	vld [tilespmem:s2+$0xFFFFFF90];
	v27 =	vperm.xlane v18, v2;
	v36 =	vadd.f32 v36, v23;
	v23 =	vadd.f32 v22, v33  }
0x3a7: {  	v39 =	vmul.f32 v21, v21;
	v22 =	vadd.f32 v13, v34;
	v49 =	vadd.f32 v21, v28;
	v13 =	vld [tilespmem:s2+$0x80]  }
0x3a8: {  	v25 =	vld [tilespmem:s1+$0x16410];
	v37 =	vmul.f32 v28, v28;
	v18 =	vadd.f32 v18, v27;
	v27 =	vperm.xlane v36, v2  }
0x3a9: {  	v57 =	vmul.f32 v26, v26;
	v24 =	vadd.f32 v17, v24;
	v17 =	vld [tilespmem:s2+$0x90];
	v38 =	vadd.f32 v22, v23  }
0x3aa: {  	v31 =	vld [tilespmem:s1+$0x16420];
	v42 =	vmul.f32 v23, v23;
	v37 =	vadd.f32 v39, v37;
	v36 =	vadd.f32 v27, v36  }
0x3ab: {  	v41 =	vperm.xlane v18, v3;
	v27 =	vadd.f32 v19, v20;
	v20 =	vadd.f32 v29, v48  }
0x3ac: {  	v52 =	vmul.f32 v22, v22;
	v34 =	vadd.f32 v38, v49;
	v19 =	vadd.f32 v30, v13  }
0x3ad: {  	v53 =	vmul.f32 v24, v24;
	v13 =	vadd.f32 v35, v50;
	v29 =	vadd.f32 v18, v41  }
0x3ae: {  	v51 =	vperm.xlane v36, v3;
	v30 =	vadd.f32 v27, v24;
	v18 =	vadd.f32 v25, v17  }
0x3af: {  	v17 =	vadd.f32 v31, v40;
	v31 =	vadd.f32 v20, v26;
	v55 =	vmul.f32 v27, v27  }
0x3b0: {  	v43 =	vmul.f32 v20, v20;
	v41 =	vadd.f32 v52, v42;
	v58 =	vmul.f32 v19, v19  }
0x3b1: {  	v60 =	vmul.f32 v13, v13;
	v25 =	vmul.f32 $1.562500000e-02, v29;
	v29 =	vadd.f32 v51, v36  }
0x3b2: {  	v56 =	vadd.f32 v18, v19;
	v44 =	vadd.f32 v13, v17;
	v45 =	vmul.f32 v18, v18  }
0x3b3: {  	v59 =	vmul.f32 v17, v17;
	v30 =	vadd.f32 v31, v30;
	v31 =	vadd.f32 v55, v53  }
0x3b4: {  	v62 =	vadd.f32 v43, v57;
	v37 =	vadd.f32 v41, v37;
	v29 =	vmul.f32 $1.562500000e-02, v29  }
0x3b5: {  	v54 =	vmul.f32 v25, v25;
	v36 =	vadd.f32 v44, v56;
	v32 =	vadd.f32 v45, v58  }
0x3b6: {  	v38 =	vadd.f32 v60, v59;
	v44 =	vperm.xlane v34, v0;
	v31 =	vadd.f32 v62, v31  }
0x3b7: {  	v45 =	vperm.xlane v30, v0;
	v16 =	vsub.f32 v16, v25;
	v29 =	vsub.f32 v29, v54  }
0x3b8: {  	v47 =	vperm.xlane v37, v0;
	v32 =	vadd.f32 v38, v32;
	v34 =	vadd.f32 v34, v44  }
0x3b9: {  	v46 =	vperm.xlane v36, v0;
	v30 =	vadd.f32 v30, v45;
	v48 =	vperm.xlane v31, v0  }
0x3ba: {  	v37 =	vadd.f32 v47, v37;
	v29 =	vadd.f32 $9.999999740e-06, v29;
	v49 =	vperm.xlane v34, v1  }
0x3bb: {  	v36 =	vadd.f32 v36, v46;
	v50 =	vperm.xlane v32, v0;
	v51 =	vperm.xlane v30, v1  }
0x3bc: {  	v31 =	vadd.f32 v48, v31;
	v53 =	vperm.xlane v37, v1;
	v61 =	vshra.s32 v29, $0x1  }
0x3bd: {  	v29 =	vmul.f32 $5.000000000e-01, v29;
	v34 =	vadd.f32 v34, v49;
	v52 =	vperm.xlane v36, v1  }
0x3be: {  	v32 =	vadd.f32 v50, v32;
	v30 =	vadd.f32 v30, v51;
	v33 =	vsub.s32 $0x5F3759DF, v61  }
0x3bf: {  	v54 =	vperm.xlane v31, v1;
	v37 =	vadd.f32 v53, v37;
	v63 =	vmul.f32 v33, v29  }
0x3c0: {  	v35 =	vadd.f32 v36, v52;
	v55 =	vperm.xlane v32, v1;
	v56 =	vperm.xlane v34, v2  }
0x3c1: {  	v57 =	vperm.xlane v30, v2;
	v31 =	vadd.f32 v54, v31;
	v59 =	vperm.xlane v37, v2  }
0x3c2: {  	v40 =	vmul.f32 v33, v63;
	v58 =	vperm.xlane v35, v2;
	v32 =	vadd.f32 v55, v32  }
0x3c3: {  	v34 =	vadd.f32 v34, v56;
	v30 =	vadd.f32 v30, v57;
	v60 =	vperm.xlane v31, v2  }
0x3c4: {  	v37 =	vadd.f32 v59, v37;
	v40 =	vsub.f32 $1.500000000e+00, v40;
	v61 =	vperm.xlane v32, v2  }
0x3c5: {  	v35 =	vadd.f32 v35, v58;
	v62 =	vperm.xlane v34, v3;
	v63 =	vperm.xlane v30, v3  }
0x3c6: {  	v31 =	vadd.f32 v60, v31;
	v44 =	vperm.xlane v37, v3;
	v33 =	vmul.f32 v33, v40  }
0x3c7: {  	v43 =	vperm.xlane v35, v3;
	v34 =	vadd.f32 v34, v62;
	v32 =	vadd.f32 v61, v32  }
0x3c8: {  	v30 =	vadd.f32 v30, v63;
	v45 =	vperm.xlane v31, v3;
	v37 =	vadd.f32 v44, v37  }
0x3c9: {  	v29 =	vmul.f32 v33, v29;
	v35 =	vadd.f32 v35, v43;
	v46 =	vperm.xlane v32, v3  }
0x3ca: {  	v34 =	vmul.f32 $1.562500000e-02, v34;
	v38 =	vmul.f32 $1.562500000e-02, v30;
	v31 =	vadd.f32 v45, v31  }
0x3cb: {  	v14 =	vsub.f32 v14, v25;
	v47 =	vmul.f32 $1.562500000e-02, v37;
	v30 =	vmul.f32 $1.562500000e-02, v35  }
0x3cc: {  	v48 =	vmul.f32 v34, v34;
	v32 =	vadd.f32 v46, v32;
	v31 =	vmul.f32 $1.562500000e-02, v31  }
0x3cd: {  	v15 =	vsub.f32 v15, v25;
	v49 =	vmul.f32 v38, v38;
	v29 =	vmul.f32 v29, v33  }
0x3ce: {  	v35 =	vsub.f32 v47, v48;
	v32 =	vmul.f32 $1.562500000e-02, v32;
	v50 =	vmul.f32 v30, v30  }
0x3cf: {  	v31 =	vsub.f32 v31, v49;
	v29 =	vsub.f32 $1.500000000e+00, v29  }
0x3d0: {  	v35 =	vadd.f32 $9.999999740e-06, v35;
	v32 =	vsub.f32 v32, v50  }
0x3d1: {  	v12 =	vsub.f32 v12, v25;
	v31 =	vadd.f32 $9.999999740e-06, v31;
	v29 =	vmul.f32 v29, v33  }
0x3d2: {  	v51 =	vshra.s32 v35, $0x1;
	v35 =	vmul.f32 $5.000000000e-01, v35;
	v32 =	vadd.f32 $9.999999740e-06, v32  }
0x3d3: {  	v52 =	vshra.s32 v31, $0x1;
	v31 =	vmul.f32 $5.000000000e-01, v31;
	v33 =	vsub.s32 $0x5F3759DF, v51  }
0x3d4: {  	v36 =	vsub.s32 $0x5F3759DF, v52;
	v53 =	vshra.s32 v32, $0x1;
	v32 =	vmul.f32 $5.000000000e-01, v32  }
0x3d5: {  	v54 =	vmul.f32 v33, v35;
	v56 =	vmul.f32 v36, v31;
	v37 =	vsub.s32 $0x5F3759DF, v53  }
0x3d6: {  	s20 =	sadd.s32 $0x0, s18;
	v41 =	vsub.f32 v28, v34;
	v21 =	vsub.f32 v21, v34;
	v57 =	vmul.f32 v37, v32  }
0x3d7: {  	s21 =	sadd.s32 $0x6386, s20;
	s4 =	simm.s32 $0xA700;
	v46 =	vsub.f32 v23, v34;
	v39 =	vmul.f32 v33, v54;
	v58 =	vmul.f32 v36, v56  }
0x3d8: {  	p0 =	sgt.u32 s21, $0xC7;
	s1 =	simm.s32 $0xFFFFFF80;
	v59 =	vld [tilespmem:s4+$0x0];
	v34 =	vsub.f32 v22, v34;
	v55 =	vmul.f32 v29, v8;
	v28 =	vmul.f32 v37, v57  }
0x3d9: {  	s6 =	sadd.s32 $0x200, s6;
	s1 =	simm.s32 @!p0 $0x6380;
	v62 =	vld [tilespmem:s4+$0x10];
	v60 =	vmul.f32 v29, v11;
	v39 =	vsub.f32 $1.500000000e+00, v39;
	v40 =	vsub.f32 $1.500000000e+00, v58  }
0x3da: {  	s1 =	sadd.s32 s1, s6;
	v61 =	vmul.f32 v29, v10;
	v52 =	vld [tilespmem:s4+$0x30];
	v16 =	vmul.f32 v55, v16;
	v28 =	vsub.f32 $1.500000000e+00, v28  }
0x3db: {  	v20 =	vsub.f32 v20, v38;
	v55 =	vld [tilespmem:s1+$0x16430];
	v33 =	vmul.f32 v33, v39;
	v23 =	vmul.f32 v36, v40  }
0x3dc: {  	s22 =	sadd.s32 $0x6384, s20;
	v63 =	vld [tilespmem:s4+$0x20];
	v47 =	vsub.f32 v24, v38;
	v29 =	vmul.f32 v29, v9;
	v37 =	vmul.f32 v37, v28  }
0x3dd: {  	s5 =	simm.s32 $0xFFFFFE80;
	p0 =	sgt.u32 s22, $0xC7;
	v48 =	vsub.f32 v27, v38;
	v54 =	vld [tilespmem:s1+$0x16420];
	v22 =	vmul.f32 v33, v35;
	v24 =	vmul.f32 v23, v31  }
0x3de: {  	s26 =	sadd.s32 $0x6385, s20;
	s5 =	simm.s32 @!p0 $0x6280;
	v49 =	vsub.f32 v26, v38;
	v27 =	vmul.f32 v60, v14;
	v53 =	vld [tilespmem:s1+$0x16400];
	v26 =	vmul.f32 v37, v32  }
0x3df: {  	p0 =	sgt.u32 s26, $0xC7;
	s23 =	sadd.s32 s5, s6;
	s5 =	simm.s32 $0xFFFFFF00;
	v19 =	vsub.f32 v19, v30;
	v31 =	vld [tilespmem:s1+$0x16410];
	v22 =	vmul.f32 v22, v33;
	v24 =	vmul.f32 v24, v23  }
0x3e0: {  	s5 =	simm.s32 @!p0 $0x6300;
	v28 =	vmul.f32 v29, v12;
	v29 =	vadd.f32 v55, v52;
	v25 =	vmul.f32 v26, v37  }
0x3e1: {  	s5 =	sadd.s32 s5, s6;
	v44 =	vld [tilespmem:s23+$0x16400];
	v22 =	vsub.f32 $1.500000000e+00, v22;
	v14 =	vsub.f32 $1.500000000e+00, v24;
	v26 =	vmul.f32 v61, v15  }
0x3e2: {  	v38 =	vld [tilespmem:s5+$0x16420];
	v24 =	vadd.f32 v54, v63;
	v61 =	vmul.f32 v29, v29;
	v12 =	vsub.f32 $1.500000000e+00, v25  }
0x3e3: {  	v50 =	vld [tilespmem:s23+$0x16420];
	v15 =	vmul.f32 v22, v33;
	v14 =	vmul.f32 v14, v23;
	v23 =	vadd.f32 v53, v59  }
0x3e4: {  	s29 =	sadd.s32 $0x6387, s20;
	v51 =	vld [tilespmem:s5+$0x16410];
	v22 =	vadd.f32 v31, v62;
	v60 =	vmul.f32 v24, v24;
	v25 =	vmul.f32 v12, v37  }
0x3e5: {  	p0 =	sgt.u32 s29, $0xC7;
	v18 =	vsub.f32 v18, v30;
	v36 =	vld [tilespmem:s5+$0x16400];
	s1 =	sadd.s32 $0x6400, s6;
	v12 =	vmul.f32 v15, v11;
	v31 =	vmul.f32 v15, v10  }
0x3e6: {  	v35 =	vld [tilespmem:s23+$0x16430];
	s1 =	smov.u32 @p0 s6;
	v57 =	vadd.f32 v29, v24;
	v58 =	vmul.f32 v23, v23;
	v59 =	vmul.f32 v22, v22  }
0x3e7: {  	v55 =	vld [tilespmem:s1+$0x16400];
	v56 =	vadd.f32 v22, v23;
	v52 =	vmul.f32 v15, v9;
	v15 =	vmul.f32 v15, v8  }
0x3e8: {  	v33 =	vld [tilespmem:s23+$0x16410];
	v54 =	vmul.f32 v14, v11;
	v63 =	vadd.f32 v61, v60;
	v43 =	vmul.f32 v14, v10  }
0x3e9: {  	v53 =	vld [tilespmem:s5+$0x16430];
	v32 =	vadd.f32 v57, v56;
	v62 =	vadd.f32 v59, v58;
	v56 =	vmul.f32 v14, v9  }
0x3ea: {  	v17 =	vsub.f32 v17, v30;
	v61 =	vld [tilespmem:s4+$0xFFFFFF00];
	v14 =	vmul.f32 v14, v8;
	v59 =	vmul.f32 v25, v11  }
0x3eb: {  	v60 =	vmul.f32 v25, v10;
	v42 =	vmul.f32 v15, v34;
	v39 =	vadd.f32 v63, v62;
	v62 =	vld [tilespmem:s4+$0xFFFFFF10]  }
0x3ec: {  	v27 =	vadd.f32 v27, v7;
	v45 =	vperm.xlane v32, v0;
	v15 =	vmul.f32 v56, v49;
	v56 =	vld [tilespmem:s4+$0xFFFFFF80]  }
0x3ed: {  	v28 =	vadd.f32 v28, v6;
	v37 =	vmul.f32 v12, v41;
	v14 =	vmul.f32 v14, v20;
	v20 =	vld [tilespmem:s4+$0xFFFFFFA0]  }
0x3ee: {  	v12 =	vadd.f32 v32, v45;
	v32 =	vperm.xlane v39, v0;
	v45 =	vmul.f32 v31, v21;
	v21 =	vld [tilespmem:s4+$0xFFFFFF20]  }
0x3ef: {  	v57 =	vld [tilespmem:s1+$0x16410];
	v40 =	vmul.f32 v52, v46;
	v44 =	vadd.f32 v44, v61;
	v31 =	vsub.f32 v13, v30  }
0x3f0: {  	v63 =	vld [tilespmem:s4+$0xFFFFFF30];
	v52 =	vperm.xlane v12, v1;
	v32 =	vadd.f32 v32, v39;
	v45 =	vadd.f32 v45, v5  }
0x3f1: {  	v58 =	vld [tilespmem:s1+$0x16420];
	v41 =	vmul.f32 v54, v47;
	v39 =	vadd.f32 v33, v62;
	v34 =	vadd.f32 v36, v56  }
0x3f2: {  	v46 =	vadd.f32 v12, v52;
	v13 =	vperm.xlane v32, v1;
	v12 =	vmul.f32 v59, v19;
	v19 =	vld [tilespmem:s4+$0xFFFFFF90]  }
0x3f3: {  	v43 =	vmul.f32 v43, v48;
	v38 =	vadd.f32 v38, v20;
	v30 =	vadd.f32 v50, v21;
	v21 =	vld [tilespmem:s4+$0x80]  }
0x3f4: {  	v61 =	vld [tilespmem:s4+$0xA0];
	v50 =	vadd.f32 v39, v44;
	v62 =	vperm.xlane v46, v2;
	v49 =	vadd.f32 v13, v32  }
0x3f5: {  	v54 =	vmul.f32 v39, v39;
	v13 =	vmul.f32 v60, v18;
	v18 =	vld [tilespmem:s4+$0xFFFFFFB0];
	v32 =	vadd.f32 v35, v63  }
0x3f6: {  	v60 =	vld [tilespmem:s4+$0x90];
	v33 =	vadd.f32 v46, v62;
	v63 =	vperm.xlane v49, v2;
	v46 =	vmul.f32 v44, v44  }
0x3f7: {  	v52 =	vadd.f32 v32, v30;
	v59 =	vmul.f32 v32, v32;
	v36 =	vadd.f32 v51, v19  }
0x3f8: {  	v51 =	vmul.f32 v30, v30;
	v49 =	vadd.f32 v63, v49;
	v20 =	vadd.f32 v55, v21  }
0x3f9: {  	v47 =	vld [tilespmem:s1+$0x16430];
	v62 =	vperm.xlane v33, v3;
	v21 =	vadd.f32 v58, v61;
	v50 =	vadd.f32 v52, v50  }
0x3fa: {  	v19 =	vld [tilespmem:s4+$0xB0];
	v58 =	vmul.f32 v38, v38;
	v46 =	vadd.f32 v54, v46;
	v35 =	vadd.f32 v53, v18  }
0x3fb: {  	v55 =	vadd.f32 v36, v34;
	v18 =	vadd.f32 v57, v60;
	v56 =	vmul.f32 v36, v36  }
0x3fc: {  	v51 =	vadd.f32 v59, v51;
	v33 =	vadd.f32 v33, v62;
	v63 =	vperm.xlane v49, v3  }
0x3fd: {  	v52 =	vmul.f32 v20, v20;
	v53 =	vadd.f32 v35, v38;
	v57 =	vadd.f32 v18, v20  }
0x3fe: {  	v54 =	vmul.f32 v18, v18;
	v46 =	vadd.f32 v51, v46;
	v33 =	vmul.f32 $1.562500000e-02, v33  }
0x3ff: {  	v60 =	vadd.f32 v63, v49;
	v49 =	vmul.f32 v34, v34;
	v19 =	vadd.f32 v47, v19  }
0x400: {  	v61 =	vmul.f32 v21, v21;
	v53 =	vadd.f32 v53, v55;
	v52 =	vadd.f32 v54, v52  }
0x401: {  	s8 =	simm.s32 $0x12500;
	v47 =	vmul.f32 $1.562500000e-02, v60;
	v48 =	vmul.f32 v33, v33;
	v49 =	vadd.f32 v56, v49  }
0x402: {  	[tilespmem:s8+$0xFFFFFF10] =	vst v45;
	v60 =	vmul.f32 v35, v35;
	v29 =	vsub.f32 v29, v33;
	v45 =	vsub.f32 v23, v33  }
0x403: {  	v62 =	vmul.f32 v19, v19;
	v23 =	vsub.f32 v24, v33;
	v47 =	vsub.f32 v47, v48  }
0x404: {  	v48 =	vadd.f32 v19, v21;
	v58 =	vadd.f32 v60, v58  }
0x405: {  	v55 =	vadd.f32 v62, v61;
	v61 =	vperm.xlane v50, v0;
	v47 =	vadd.f32 $9.999999740e-06, v47  }
0x406: {  	v62 =	vperm.xlane v53, v0;
	v48 =	vadd.f32 v48, v57;
	v49 =	vadd.f32 v58, v49  }
0x407: {  	v52 =	vadd.f32 v55, v52;
	v63 =	vshra.s32 v47, $0x1;
	v47 =	vmul.f32 $5.000000000e-01, v47  }
0x408: {  	v50 =	vadd.f32 v50, v61;
	v56 =	vsub.s32 $0x5F3759DF, v63;
	v63 =	vperm.xlane v48, v0  }
0x409: {  	v51 =	vadd.f32 v53, v62;
	v61 =	vperm.xlane v49, v0;
	v60 =	vmul.f32 v56, v47  }
0x40a: {  	v55 =	vadd.f32 v16, v4;
	v48 =	vadd.f32 v48, v63;
	v63 =	vperm.xlane v52, v0  }
0x40b: {  	v49 =	vadd.f32 v61, v49;
	v54 =	vmul.f32 v56, v60;
	v60 =	vperm.xlane v46, v0  }
0x40c: {  	v62 =	vperm.xlane v50, v1;
	v61 =	vperm.xlane v48, v1;
	v52 =	vadd.f32 v63, v52  }
0x40d: {  	v63 =	vperm.xlane v49, v1;
	v54 =	vsub.f32 $1.500000000e+00, v54;
	v46 =	vadd.f32 v60, v46  }
0x40e: {  	v50 =	vadd.f32 v50, v62;
	v60 =	vperm.xlane v51, v1;
	v57 =	vperm.xlane v52, v1  }
0x40f: {  	v53 =	vadd.f32 v37, v7;
	v54 =	vmul.f32 v56, v54;
	v62 =	vperm.xlane v46, v1  }
0x410: {  	v48 =	vadd.f32 v48, v61;
	v51 =	vadd.f32 v51, v60;
	v60 =	vperm.xlane v50, v2  }
0x411: {  	v49 =	vadd.f32 v63, v49;
	v47 =	vmul.f32 v54, v47;
	v46 =	vadd.f32 v62, v46  }
0x412: {  	v61 =	vperm.xlane v51, v2;
	v62 =	vperm.xlane v48, v2;
	v50 =	vadd.f32 v50, v60  }
0x413: {  	v52 =	vadd.f32 v57, v52;
	v60 =	vperm.xlane v49, v2;
	v47 =	vmul.f32 v47, v54  }
0x414: {  	v63 =	vperm.xlane v46, v2;
	v51 =	vadd.f32 v51, v61;
	v61 =	vperm.xlane v50, v3  }
0x415: {  	v48 =	vadd.f32 v48, v62;
	v62 =	vperm.xlane v52, v2;
	v49 =	vadd.f32 v60, v49  }
0x416: {  	v47 =	vsub.f32 $1.500000000e+00, v47;
	v46 =	vadd.f32 v63, v46;
	v63 =	vperm.xlane v51, v3  }
0x417: {  	v50 =	vadd.f32 v50, v61;
	v52 =	vadd.f32 v62, v52;
	v58 =	vperm.xlane v48, v3  }
0x418: {  	v60 =	vperm.xlane v49, v3;
	v16 =	vadd.f32 v51, v63;
	v59 =	vperm.xlane v46, v3  }
0x419: {  	v47 =	vmul.f32 v47, v54;
	v54 =	vadd.f32 v26, v5;
	v26 =	vadd.f32 v48, v58  }
0x41a: {  	v61 =	vperm.xlane v52, v3;
	v50 =	vmul.f32 $1.562500000e-02, v50;
	v46 =	vadd.f32 v59, v46  }
0x41b: {  	v48 =	vadd.f32 v60, v49;
	v57 =	vmul.f32 v47, v8;
	v56 =	vmul.f32 $1.562500000e-02, v16  }
0x41c: {  	v49 =	vadd.f32 v43, v5;
	v63 =	vmul.f32 v50, v50;
	v16 =	vmul.f32 $1.562500000e-02, v46  }
0x41d: {  	v62 =	vadd.f32 v61, v52;
	v52 =	vadd.f32 v40, v6;
	v37 =	vmul.f32 $1.562500000e-02, v26  }
0x41e: {  	v26 =	vmul.f32 $1.562500000e-02, v48;
	v60 =	vsub.f32 v16, v63;
	v16 =	vmul.f32 v56, v56  }
0x41f: {  	v61 =	vmul.f32 v25, v8;
	v48 =	vadd.f32 v41, v7;
	v29 =	vmul.f32 v57, v29  }
0x420: {  	v62 =	vmul.f32 $1.562500000e-02, v62;
	v63 =	vsub.f32 v26, v16;
	v26 =	vmul.f32 v37, v37  }
0x421: {  	v51 =	vmul.f32 v25, v9;
	v25 =	vsub.f32 v44, v50;
	v46 =	vadd.f32 v29, v4  }
0x422: {  	v16 =	vmul.f32 v61, v31;
	v29 =	vadd.f32 $9.999999740e-06, v60;
	v31 =	vsub.f32 v62, v26  }
0x423: {  	v17 =	vmul.f32 v51, v17;
	v57 =	vadd.f32 v42, v4;
	v51 =	vadd.f32 $9.999999740e-06, v63  }
0x424: {  	[tilespmem:s8+$0x30] =	vst v55;
	v55 =	vshra.s32 v29, $0x1;
	v41 =	vmul.f32 $5.000000000e-01, v29;
	v29 =	vadd.f32 $9.999999740e-06, v31  }
0x425: {  	[tilespmem:s8+$0x0] =	vst v27;
	v44 =	vsub.s32 $0x5F3759DF, v55;
	v27 =	vshra.s32 v51, $0x1;
	v43 =	vmul.f32 $5.000000000e-01, v51  }
0x426: {  	v51 =	vsub.s32 $0x5F3759DF, v27;
	v27 =	vshra.s32 v29, $0x1;
	v42 =	vmul.f32 $5.000000000e-01, v29  }
0x427: {  	[tilespmem:s8+$0x10] =	vst v54;
	v26 =	vsub.f32 v39, v50;
	v29 =	vmul.f32 v44, v41;
	v54 =	vsub.s32 $0x5F3759DF, v27  }
0x428: {  	[tilespmem:s8+$0x20] =	vst v28;
	v31 =	vsub.f32 v30, v50;
	v39 =	vmul.f32 v51, v43;
	v30 =	vmul.f32 v54, v42  }
0x429: {  	[tilespmem:s8+$0xFFFFFF00] =	vst v53;
	v28 =	vsub.f32 v32, v50;
	v32 =	vsub.f32 v34, v56;
	v58 =	vmul.f32 v44, v29  }
0x42a: {  	[tilespmem:s8+$0xFFFFFF90] =	vst v49;
	v27 =	vsub.f32 v38, v56;
	v59 =	vmul.f32 v51, v39;
	v60 =	vmul.f32 v54, v30  }
0x42b: {  	v40 =	vmul.f32 v47, v11;
	[tilespmem:s8+$0xFFFFFF20] =	vst v52;
	v29 =	vsub.f32 v36, v56;
	v61 =	vsub.f32 $1.500000000e+00, v58  }
0x42c: {  	[tilespmem:s8+$0xFFFFFF80] =	vst v48;
	v38 =	vmul.f32 v47, v9;
	v62 =	vsub.f32 $1.500000000e+00, v59;
	v63 =	vsub.f32 $1.500000000e+00, v60  }
0x42d: {  	s10 =	simm.s32 $0x12700;
	[tilespmem:s8+$0xFFFFFF30] =	vst v57;
	v39 =	vmul.f32 v47, v10;
	v30 =	vsub.f32 v35, v56;
	v35 =	vmul.f32 v44, v61  }
0x42e: {  	s2 =	simm.s32 $0x4;
	[tilespmem:s10+$0x30] =	vst v46;
	v34 =	vmul.f32 v51, v62;
	v44 =	vsub.f32 v22, v33;
	v22 =	vmul.f32 v54, v63  }
.LBB2_10:
0x42f: {  	s1 =	sadd.s32 s2, s18;
	s4 =	sadd.s32 $0x200, s4  }
0x430: {  	v24 =	vmul.f32 v35, v41;
	v33 =	vmul.f32 v34, v43;
	v20 =	vsub.f32 v20, v37;
	s6 =	sadd.s32 $0x200, s6;
	s2 =	sadd.s32 $0x4, s2;
	s5 =	sadd.s32 $0x6384, s1  }
0x431: {  	v18 =	vsub.f32 v18, v37;
	v21 =	vsub.f32 v21, v37;
	s11 =	sadd.s32 $0x6385, s1;
	s12 =	sadd.s32 $0x6386, s1;
	v36 =	vld [tilespmem:s4+$0x0];
	v41 =	vmul.f32 v22, v42;
	p1 =	sgt.u32 s5, $0xC7  }
0x432: {  	v19 =	vsub.f32 v19, v37;
	p0 =	sgt.u32 s11, $0xC7;
	p2 =	sgt.u32 s12, $0xC7;
	v42 =	vld [tilespmem:s4+$0x10];
	v24 =	vmul.f32 v24, v35;
	v33 =	vmul.f32 v33, v34;
	s5 =	simm.s32 $0xFFFFFF80  }
0x433: {  	v40 =	vmul.f32 v40, v45;
	v15 =	vadd.f32 v15, v6;
	s1 =	sadd.s32 $0x6387, s1;
	s11 =	simm.s32 $0xFFFFFE80;
	s5 =	simm.s32 @!p2 $0x6380;
	v37 =	vld [tilespmem:s4+$0x20];
	v41 =	vmul.f32 v41, v22  }
0x434: {  	v39 =	vmul.f32 v39, v44;
	s12 =	simm.s32 $0xFFFFFF00;
	s11 =	simm.s32 @!p1 $0x6280;
	s5 =	sadd.s32 s5, s6;
	v43 =	vld [tilespmem:s4+$0x30];
	v24 =	vsub.f32 $1.500000000e+00, v24;
	v33 =	vsub.f32 $1.500000000e+00, v33  }
0x435: {  	v14 =	vadd.f32 v14, v4;
	v23 =	vmul.f32 v38, v23;
	s12 =	simm.s32 @!p0 $0x6300;
	p1 =	sgt.u32 s1, $0xC7;
	p0 =	slt.u32 s2, $0x7C;
	v44 =	vld [tilespmem:s5+$0x16400];
	v38 =	vsub.f32 $1.500000000e+00, v41;
	[tilespmem:s8+$0xFFFFFFA0] =	vst v15  }
0x436: {  	s1 =	sadd.s32 s11, s6;
	s12 =	sadd.s32 s12, s6;
	s11 =	sadd.s32 $0x6400, s6;
	v15 =	vld [tilespmem:s5+$0x16410];
	v24 =	vmul.f32 v24, v35;
	v33 =	vmul.f32 v33, v34;
	v34 =	vadd.f32 v40, v7  }
0x437: {  	v39 =	vadd.f32 v39, v5;
	v23 =	vadd.f32 v23, v6;
	s11 =	smov.u32 @p1 s6;
	v35 =	vld [tilespmem:s5+$0x16420];
	v38 =	vmul.f32 v38, v22;
	[tilespmem:s8+$0xFFFFFFB0] =	vst v14  }
0x438: {  	v12 =	vadd.f32 v12, v7;
	v14 =	vld [tilespmem:s5+$0x16430];
	v40 =	vmul.f32 v24, v11;
	v41 =	vmul.f32 v24, v10;
	[tilespmem:s10+$0x0] =	vst v34  }
0x439: {  	v13 =	vadd.f32 v13, v5;
	v45 =	vmul.f32 v24, v9;
	v46 =	vmul.f32 v24, v8;
	v34 =	vld [tilespmem:s1+$0x16400];
	[tilespmem:s10+$0x10] =	vst v39  }
0x43a: {  	v17 =	vadd.f32 v17, v6;
	v47 =	vmul.f32 v33, v11;
	v48 =	vmul.f32 v33, v10;
	v39 =	vld [tilespmem:s1+$0x16410];
	[tilespmem:s10+$0x20] =	vst v23  }
0x43b: {  	v50 =	vmul.f32 v33, v9;
	v51 =	vmul.f32 v33, v8;
	v49 =	vld [tilespmem:s1+$0x16420];
	[tilespmem:s8+$0x80] =	vst v12;
	v12 =	vadd.f32 v16, v4  }
0x43c: {  	v23 =	vadd.f32 v44, v36;
	v22 =	vadd.f32 v15, v42;
	v16 =	vmul.f32 v38, v11;
	v52 =	vld [tilespmem:s1+$0x16430];
	[tilespmem:s8+$0x90] =	vst v13  }
0x43d: {  	v24 =	vadd.f32 v35, v37;
	v13 =	vmul.f32 v38, v10;
	v36 =	vld [tilespmem:s12+$0x16400];
	v33 =	vadd.f32 v14, v43;
	[tilespmem:s8+$0xA0] =	vst v17  }
0x43e: {  	v37 =	vmul.f32 v38, v8;
	v14 =	vadd.f32 v22, v23;
	v17 =	vmul.f32 v38, v9;
	v35 =	vld [tilespmem:s12+$0x16410];
	[tilespmem:s8+$0xB0] =	vst v12;
	s8 =	smov.u32 s10  }
0x43f: {  	v15 =	vmul.f32 v23, v23;
	v42 =	vmul.f32 v22, v22;
	v38 =	vld [tilespmem:s12+$0x16420];
	v12 =	vadd.f32 v33, v24  }
0x440: {  	v44 =	vmul.f32 v24, v24;
	v53 =	vmul.f32 v33, v33;
	v43 =	vld [tilespmem:s12+$0x16430]  }
0x441: {  	v12 =	vadd.f32 v12, v14;
	v54 =	vld [tilespmem:s11+$0x16400];
	v14 =	vmul.f32 v40, v25;
	v25 =	vmul.f32 v41, v26  }
0x442: {  	v31 =	vmul.f32 v45, v31;
	v15 =	vadd.f32 v42, v15;
	v26 =	vadd.f32 v53, v44;
	v40 =	vld [tilespmem:s11+$0x16410]  }
0x443: {  	v28 =	vmul.f32 v46, v28;
	v32 =	vmul.f32 v47, v32;
	v41 =	vld [tilespmem:s11+$0x16420];
	v14 =	vadd.f32 v14, v7  }
0x444: {  	v29 =	vmul.f32 v48, v29;
	v26 =	vadd.f32 v26, v15;
	v42 =	vperm.xlane v12, v0;
	v44 =	vld [tilespmem:s11+$0x16430]  }
0x445: {  	v25 =	vadd.f32 v25, v5;
	v15 =	vmul.f32 v50, v27;
	v45 =	vld [tilespmem:s4+$0xFFFFFF00];
	[tilespmem:s10+$0xFFFFFF00] =	vst v14;
	v14 =	vmul.f32 v51, v30  }
0x446: {  	v30 =	vadd.f32 v12, v42;
	v42 =	vperm.xlane v26, v0;
	v12 =	vmul.f32 v16, v20;
	v27 =	vld [tilespmem:s4+$0xFFFFFF10]  }
0x447: {  	v13 =	vmul.f32 v13, v18;
	v17 =	vmul.f32 v17, v21;
	v20 =	vld [tilespmem:s4+$0xFFFFFF20];
	[tilespmem:s10+$0xFFFFFF10] =	vst v25;
	v25 =	vadd.f32 v31, v6  }
0x448: {  	v16 =	vmul.f32 v37, v19;
	v21 =	vperm.xlane v30, v1;
	v31 =	vadd.f32 v42, v26;
	v18 =	vld [tilespmem:s4+$0xFFFFFF30]  }
0x449: {  	v28 =	vadd.f32 v28, v4;
	v32 =	vadd.f32 v32, v7;
	v19 =	vld [tilespmem:s4+$0xFFFFFF80];
	[tilespmem:s10+$0xFFFFFF20] =	vst v25  }
0x44a: {  	v21 =	vadd.f32 v30, v21;
	v30 =	vperm.xlane v31, v1;
	v25 =	vadd.f32 v34, v45;
	v34 =	vld [tilespmem:s4+$0xFFFFFF90]  }
0x44b: {  	v29 =	vadd.f32 v29, v5;
	v26 =	vadd.f32 v39, v27;
	v37 =	vld [tilespmem:s4+$0xFFFFFFA0];
	[tilespmem:s10+$0xFFFFFF30] =	vst v28  }
0x44c: {  	v39 =	vperm.xlane v21, v2;
	v31 =	vadd.f32 v30, v31;
	v27 =	vadd.f32 v49, v20;
	v20 =	vld [tilespmem:s4+$0xFFFFFFB0];
	[tilespmem:s10+$0xFFFFFF80] =	vst v32  }
0x44d: {  	v42 =	vmul.f32 v25, v25;
	v28 =	vadd.f32 v52, v18;
	v32 =	vadd.f32 v26, v25;
	v18 =	vld [tilespmem:s4+$0x80];
	[tilespmem:s10+$0xFFFFFF90] =	vst v29  }
0x44e: {  	v29 =	vadd.f32 v36, v19;
	v19 =	vadd.f32 v21, v39;
	v21 =	vperm.xlane v31, v2;
	v36 =	vld [tilespmem:s4+$0x90]  }
0x44f: {  	v45 =	vmul.f32 v26, v26;
	v39 =	vadd.f32 v28, v27;
	v30 =	vadd.f32 v35, v34;
	v46 =	vld [tilespmem:s4+$0xA0]  }
0x450: {  	v34 =	vadd.f32 v38, v37;
	v37 =	vperm.xlane v19, v3;
	v21 =	vadd.f32 v21, v31;
	v31 =	vld [tilespmem:s4+$0xB0]  }
0x451: {  	v47 =	vmul.f32 v28, v28;
	v38 =	vmul.f32 v27, v27;
	v35 =	vadd.f32 v43, v20  }
0x452: {  	v19 =	vadd.f32 v19, v37;
	v37 =	vperm.xlane v21, v3;
	v20 =	vadd.f32 v54, v18  }
0x453: {  	v48 =	vmul.f32 v29, v29;
	v43 =	vadd.f32 v30, v29;
	v18 =	vadd.f32 v40, v36  }
0x454: {  	v36 =	vmul.f32 $1.562500000e-02, v19;
	v37 =	vadd.f32 v37, v21;
	v21 =	vadd.f32 v41, v46  }
0x455: {  	v40 =	vadd.f32 v35, v34;
	v41 =	vmul.f32 v30, v30;
	v19 =	vadd.f32 v44, v31  }
0x456: {  	v44 =	vadd.f32 v18, v20;
	v31 =	vmul.f32 $1.562500000e-02, v37;
	v37 =	vmul.f32 v36, v36  }
0x457: {  	v49 =	vmul.f32 v35, v35;
	v46 =	vmul.f32 v34, v34;
	v50 =	vadd.f32 v19, v21  }
0x458: {  	v51 =	vmul.f32 v18, v18;
	v31 =	vsub.f32 v31, v37;
	v37 =	vmul.f32 v20, v20  }
0x459: {  	v32 =	vadd.f32 v39, v32;
	v39 =	vmul.f32 v21, v21;
	v52 =	vmul.f32 v19, v19  }
0x45a: {  	v42 =	vadd.f32 v45, v42;
	v31 =	vadd.f32 $9.999999740e-06, v31  }
0x45b: {  	v38 =	vadd.f32 v47, v38;
	v45 =	vperm.xlane v32, v0;
	v40 =	vadd.f32 v40, v43  }
0x45c: {  	v41 =	vadd.f32 v41, v48;
	v43 =	vshra.s32 v31, $0x1;
	v31 =	vmul.f32 $5.000000000e-01, v31  }
0x45d: {  	v46 =	vadd.f32 v49, v46;
	v44 =	vadd.f32 v50, v44;
	v43 =	vsub.s32 $0x5F3759DF, v43  }
0x45e: {  	v39 =	vadd.f32 v52, v39;
	v37 =	vadd.f32 v51, v37;
	v47 =	vmul.f32 v43, v31  }
0x45f: {  	v38 =	vadd.f32 v38, v42;
	v42 =	vperm.xlane v40, v0;
	v41 =	vadd.f32 v46, v41  }
0x460: {  	v37 =	vadd.f32 v39, v37;
	v39 =	vperm.xlane v44, v0;
	v46 =	vmul.f32 v43, v47  }
0x461: {  	v32 =	vadd.f32 v32, v45;
	v45 =	vperm.xlane v38, v0;
	v40 =	vadd.f32 v40, v42  }
0x462: {  	v42 =	vperm.xlane v41, v0;
	v39 =	vadd.f32 v44, v39;
	v46 =	vsub.f32 $1.500000000e+00, v46  }
0x463: {  	v38 =	vadd.f32 v45, v38;
	v44 =	vperm.xlane v32, v1;
	v45 =	vperm.xlane v37, v0  }
0x464: {  	v41 =	vadd.f32 v42, v41;
	v47 =	vperm.xlane v40, v1;
	v42 =	vmul.f32 v43, v46  }
0x465: {  	v32 =	vadd.f32 v32, v44;
	v37 =	vadd.f32 v45, v37;
	v43 =	vperm.xlane v39, v1  }
0x466: {  	v44 =	vperm.xlane v38, v1;
	v40 =	vadd.f32 v40, v47;
	v31 =	vmul.f32 v42, v31  }
0x467: {  	v45 =	vperm.xlane v41, v1;
	v39 =	vadd.f32 v39, v43;
	v43 =	vperm.xlane v37, v1  }
0x468: {  	v38 =	vadd.f32 v44, v38;
	v46 =	vperm.xlane v32, v2;
	v31 =	vmul.f32 v31, v42  }
0x469: {  	v41 =	vadd.f32 v45, v41;
	v44 =	vperm.xlane v40, v2;
	v45 =	vperm.xlane v39, v2  }
0x46a: {  	v47 =	vperm.xlane v38, v2;
	v37 =	vadd.f32 v43, v37;
	v31 =	vsub.f32 $1.500000000e+00, v31  }
0x46b: {  	v32 =	vadd.f32 v32, v46;
	v40 =	vadd.f32 v40, v44;
	v43 =	vperm.xlane v41, v2  }
0x46c: {  	v39 =	vadd.f32 v39, v45;
	v31 =	vmul.f32 v31, v42;
	v42 =	vperm.xlane v37, v2  }
0x46d: {  	v38 =	vadd.f32 v47, v38;
	v44 =	vperm.xlane v32, v3;
	v45 =	vperm.xlane v40, v3  }
0x46e: {  	v33 =	vsub.f32 v33, v36;
	v41 =	vadd.f32 v43, v41;
	v43 =	vmul.f32 v31, v8  }
0x46f: {  	v32 =	vadd.f32 v32, v44;
	v44 =	vperm.xlane v39, v3;
	v42 =	vadd.f32 v42, v37  }
0x470: {  	v40 =	vadd.f32 v40, v45;
	v37 =	vperm.xlane v38, v3;
	v33 =	vmul.f32 v43, v33  }
0x471: {  	v39 =	vadd.f32 v39, v44;
	v43 =	vperm.xlane v41, v3;
	v44 =	vperm.xlane v42, v3  }
0x472: {  	v32 =	vmul.f32 $1.562500000e-02, v32;
	v38 =	vadd.f32 v37, v38;
	v33 =	vadd.f32 v33, v4  }
0x473: {  	s10 =	sadd.s32 $0x200, s10;
	v45 =	vmul.f32 $1.562500000e-02, v40;
	v37 =	vmul.f32 $1.562500000e-02, v39;
	v40 =	vadd.f32 v43, v41  }
0x474: {  	v39 =	vmul.f32 v32, v32;
	v38 =	vmul.f32 $1.562500000e-02, v38;
	[tilespmem:s10+$0x30] =	vst v33;
	v33 =	vadd.f32 v44, v42  }
0x475: {  	v25 =	vsub.f32 v25, v32;
	v41 =	vmul.f32 v45, v45;
	v40 =	vmul.f32 $1.562500000e-02, v40  }
0x476: {  	v38 =	vsub.f32 v38, v39;
	v42 =	vmul.f32 v37, v37;
	v33 =	vmul.f32 $1.562500000e-02, v33  }
0x477: {  	v39 =	vmul.f32 v31, v10;
	v41 =	vsub.f32 v40, v41;
	v40 =	vmul.f32 v31, v11  }
0x478: {  	v43 =	vadd.f32 $9.999999740e-06, v38;
	v38 =	vmul.f32 v31, v9;
	v31 =	vsub.f32 v33, v42  }
0x479: {  	v26 =	vsub.f32 v26, v32;
	v33 =	vadd.f32 $9.999999740e-06, v41  }
0x47a: {  	v42 =	vshra.s32 v43, $0x1;
	v41 =	vmul.f32 $5.000000000e-01, v43;
	v31 =	vadd.f32 $9.999999740e-06, v31  }
0x47b: {  	v44 =	vsub.s32 $0x5F3759DF, v42;
	v42 =	vshra.s32 v33, $0x1;
	v43 =	vmul.f32 $5.000000000e-01, v33  }
0x47c: {  	v33 =	vsub.s32 $0x5F3759DF, v42;
	v46 =	vshra.s32 v31, $0x1;
	v42 =	vmul.f32 $5.000000000e-01, v31  }
0x47d: {  	v47 =	vmul.f32 v44, v41;
	v48 =	vmul.f32 v33, v43;
	v46 =	vsub.s32 $0x5F3759DF, v46  }
0x47e: {  	v28 =	vsub.f32 v28, v32;
	v31 =	vsub.f32 v27, v32;
	v49 =	vmul.f32 v46, v42  }
0x47f: {  	v47 =	vmul.f32 v44, v47;
	v32 =	vsub.f32 v29, v45;
	v48 =	vmul.f32 v33, v48  }
.Ltmp4:
0x480: {  	v29 =	vsub.f32 v30, v45;
	v27 =	vsub.f32 v34, v45;
	v34 =	vmul.f32 v46, v49;
	(pc) =	sbr.rel @p0 .LBB2_10-.Ltmp4, $4  }
0x481: {  	v47 =	vsub.f32 $1.500000000e+00, v47;
	v48 =	vsub.f32 $1.500000000e+00, v48  }
0x482: {  	v30 =	vsub.f32 v35, v45;
	v49 =	vsub.f32 $1.500000000e+00, v34  }
0x483: {  	v45 =	vsub.f32 v23, v36;
	v35 =	vmul.f32 v44, v47;
	v34 =	vmul.f32 v33, v48  }
0x484: {  	v23 =	vsub.f32 v24, v36;
	v44 =	vsub.f32 v22, v36;
	v22 =	vmul.f32 v46, v49  }
0x485: {  	v24 =	vmul.f32 v35, v41;
	v20 =	vsub.f32 v20, v37  }
0x486: {  	v33 =	vmul.f32 v34, v43;
	v18 =	vsub.f32 v18, v37;
	v21 =	vsub.f32 v21, v37  }
0x487: {  	v19 =	vsub.f32 v19, v37;
	v62 =	vmul.f32 v40, v45;
	v24 =	vmul.f32 v24, v35  }
0x488: {  	v15 =	vadd.f32 v15, v6;
	v14 =	vadd.f32 v14, v4;
	v36 =	vmul.f32 v22, v42  }
0x489: {  	v12 =	vadd.f32 v12, v7;
	v33 =	vmul.f32 v33, v34;
	v24 =	vsub.f32 $1.500000000e+00, v24  }
0x48a: {  	v13 =	vadd.f32 v13, v5;
	v17 =	vadd.f32 v17, v6;
	[tilespmem:s8+$0xFFFFFFA0] =	vst v15;
	v36 =	vmul.f32 v36, v22  }
0x48b: {  	v39 =	vmul.f32 v39, v44;
	[tilespmem:s8+$0xFFFFFFB0] =	vst v14;
	v33 =	vsub.f32 $1.500000000e+00, v33;
	v24 =	vmul.f32 v24, v35  }
0x48c: {  	v16 =	vadd.f32 v16, v4;
	v23 =	vmul.f32 v38, v23;
	[tilespmem:s8+$0x80] =	vst v12;
	v38 =	vsub.f32 $1.500000000e+00, v36  }
0x48d: {  	[tilespmem:s8+$0x90] =	vst v13;
	v37 =	vadd.f32 v39, v5;
	v39 =	vmul.f32 v33, v34;
	v40 =	vmul.f32 v24, v11  }
0x48e: {  	v63 =	vadd.f32 v62, v7;
	[tilespmem:s8+$0xA0] =	vst v17;
	v14 =	vmul.f32 v38, v22;
	v41 =	vmul.f32 v24, v10  }
0x48f: {  	[tilespmem:s8+$0xB0] =	vst v16;
	v42 =	vmul.f32 v24, v9;
	v43 =	vmul.f32 v40, v25  }
0x490: {  	v23 =	vadd.f32 v23, v6;
	[tilespmem:s10+$0x0] =	vst v63;
	v24 =	vmul.f32 v24, v8;
	v44 =	vmul.f32 v41, v26  }
0x491: {  	[tilespmem:s10+$0x10] =	vst v37;
	v45 =	vmul.f32 v39, v11;
	v46 =	vmul.f32 v42, v31;
	v12 =	vadd.f32 v43, v7  }
0x492: {  	[tilespmem:s10+$0x20] =	vst v23;
	v47 =	vmul.f32 v39, v10;
	v48 =	vmul.f32 v24, v28;
	v13 =	vadd.f32 v44, v5  }
0x493: {  	v49 =	vmul.f32 v39, v9;
	v22 =	vmul.f32 v45, v32;
	v50 =	vadd.f32 v46, v6;
	[tilespmem:s10+$0xFFFFFF00] =	vst v12  }
0x494: {  	v15 =	vmul.f32 v39, v8;
	v51 =	vmul.f32 v47, v29;
	v52 =	vadd.f32 v48, v4;
	[tilespmem:s10+$0xFFFFFF10] =	vst v13  }
0x495: {  	v53 =	vmul.f32 v14, v11;
	v54 =	vmul.f32 v49, v27;
	v55 =	vadd.f32 v22, v7;
	[tilespmem:s10+$0xFFFFFF20] =	vst v50  }
0x496: {  	v56 =	vmul.f32 v14, v10;
	v15 =	vmul.f32 v15, v30;
	v57 =	vadd.f32 v51, v5;
	[tilespmem:s10+$0xFFFFFF30] =	vst v52  }
0x497: {  	v58 =	vmul.f32 v14, v9;
	v11 =	vmul.f32 v53, v20;
	v59 =	vadd.f32 v54, v6;
	[tilespmem:s10+$0xFFFFFF80] =	vst v55  }
0x498: {  	v60 =	vmul.f32 v14, v8;
	v10 =	vmul.f32 v56, v18;
	v61 =	vadd.f32 v15, v4;
	[tilespmem:s10+$0xFFFFFF90] =	vst v57  }
0x499: {  	v9 =	vmul.f32 v58, v21;
	v62 =	vadd.f32 v11, v7;
	[tilespmem:s10+$0xFFFFFFA0] =	vst v59  }
0x49a: {  	v8 =	vmul.f32 v60, v19;
	v5 =	vadd.f32 v10, v5;
	[tilespmem:s10+$0xFFFFFFB0] =	vst v61  }
0x49b: {  	v63 =	vadd.f32 v9, v6;
	[tilespmem:s10+$0x80] =	vst v62  }
0x49c: {  	v4 =	vadd.f32 v8, v4;
	[tilespmem:s10+$0x90] =	vst v5  }
0x49d: {  	[tilespmem:s10+$0xA0] =	vst v63  }
0x49e: {  	[tilespmem:s10+$0xB0] =	vst v4  }
0x49f: {  	s2 =	simm.s32 $0x12400;
	s1 =	rddreg [dreg:$0x8]  }
0x4a0: {  	[hbm4b:s1+s24] =	stream.linear.scatter [tilespmem:s2], [sflag:$0x4], $0x4000, $0x38;
	[tilespmem:$0x1C900] =	vst v63  }
0x4a1: {  	_ =	swait.ge [sflag:s30], $0x4000  }
0x4a2: {  	[sflag:s30] =	ssyncset.done $0x0  }
0x4a3: {  	[sflag:s30] =	ssyncadd.s32 $0xFFFFC000  }
0x4a4: {  	_ =	swait.ge [sflag:s0], $0x4000  }
0x4a5: {  	s26 =	rddreg [dreg:$0x10]  }
0x4a6: {  	s29 =	rddreg [dreg:$0xa];
	s2 =	sadd.s32 $0x1, s26  }
0x4a7: {  	p0 =	sne.s32 s2, s29  }
.Ltmp5:
0x4a8: {  	_ = 	snop;
	(pc) =	sbr.rel @p0 .LBB2_1-.Ltmp5, $3  }
0x4a9: {  	_ =	sdelay $0x1  }
0x4aa: {  	[sflag:s0] =	ssyncset.done $0x0  }
0x4ab: {  	[sflag:s0] =	ssyncadd.s32 $0xFFFFC000  }
0x4ac: {  	_ =	sfence.sel $0x180000  }
0x4ad: {  	[bflag:$0x0] =	sbarrier.arrive $0xFFFF  }
0x4ae: {  	_ =	strace $0x90000047  }
0x4af: {  	s0 =	stileid.u32;
	[bflag:$0x2] =	sbarrier.arrive $0xFFFF  }
0x4b0: {  	p0 =	sne.s32 s0, $0x0;
	s0 =	rddreg [dreg:$0x4]  }
0x4b1: {  	s0 =	sadd.s32 @!p0 $0x100000, s0  }
0x4b2: {  	[sflag:s0] =	ssyncadd.tile.s32 @!p0 $0x1;
	_ =	shalt  }
.Lfunc_end2:
_tile_overlayer_lowered:
.L_overlay_start_2:
0x4b3: {  	(tag) =	ssettag $0x2  }
0x4b4: {  	s0 =	rddreg [dreg:$0x0];
	s2 =	stileid.u32  }
0x4b5: {  	s1 =	rddreg [dreg:$0x1];
	p0 =	sne.s32 s2, $0x0  }
0x4b6: {  	s3 =	rddreg [dreg:$0x2];
	[bflag:$0x3] =	sbarrier.arrive $0xFFFF;
	s2 =	simm.s32 @!p0 $0x1C05  }
0x4b7: {  	[timem:s3], [sflag:s2] =	dma.local @!p0 [hbm:s0], s1  }
0x4b8: {  	s0 =	simm.s32 @!p0 $0x5  }
0x4b9: {  	_ =	swait.ge @!p0 [sflag:s0], s1  }
0x4ba: {  	s1 =	ssub.s32 @!p0 $0x0, s1;
	[sflag:s0] =	ssyncset.done @!p0 $0x0  }
0x4bb: {  	[sflag:s0] =	ssyncadd.s32 @!p0 s1  }
0x4bc: {  	[bflag:$0x3] =	sbarrier.arrive $0xFFFF  }
0x4bd: {  	_ =	shalt  }

// kernel: sparse-core-data-format-call.cloned.1.call-start
scs
called_computation_lowered:
.L_overlay_start_0:
0x0: {  	s2 =	sld [smem:$0x3FD9]  }
0x1: {  	s3 =	sld [smem:$0x3FFE];
	_ =	sdelay $0x1  }
0x2: {  	s1 =	srdreg.scid  }
0x3: {  	s0 =	sand.u32 $0x1, s1  }
0x4: {  	s18 =	sshll.u32 s0, $0xA;
	s2 =	sadd.s32 s3, s2  }
0x5: {  	s2 =	sadd.s32 s2, s18  }
0x6: {  	[smem:$0x3FC3] =	sst s2  }
0x7: {  	_ = 	snop  }
0x8: {  	s2 =	sld [smem:$0x3FD0];
	(tm) =	ssettm $0x1  }
0x9: {  	s19 =	sld [smem:$0x3FFB];
	_ =	sdelay $0x3  }
0xa: {  	_ =	strace s19  }
0xb: {  	s3 =	sld [smem:$0x3FFC];
	_ =	sdelay $0x3  }
0xc: {  	_ =	strace s3  }
0xd: {  	s3 =	sld [smem:$0x3FFD];
	_ =	sdelay $0x3  }
0xe: {  	_ =	strace s3  }
0xf: {  	_ =	strace $0x8FFFFFFF  }
0x10: {  	s20 =	sld [smem:$0x3FDB];
	_ =	sdelay $0x1  }
0x11: {  	s4 =	simm.s32 $_scs_section_size  }
0x12: {  	s5 =	simm.s32 $_size__tile_overlayer_lowered;
	s6 =	simm.s32 $_tile_overlayer_lowered  }
0x13: {  	s23 =	simm.s32 $0x1BFF;
	s22 =	sshll.u32 s6, $0x1;
	s3 =	sadd.s32 s4, s20  }
0x14: {  	s7 =	simm.s32 $0x0;
	s21 =	sshll.u32 s5, $0x1;
	s5 =	sadd.s32 s22, s3  }
0x15: {  	[timem:s7], [sflag:s23] =	dma.local [hbm:s5], s21  }
0x16: {  	_ =	swait.ge [sflag:s23], s21  }
0x17: {  	s4 =	ssub.s32 $0x0, s21;
	[sflag:s23] =	ssyncset.done $0x0  }
0x18: {  	[sflag:s23] =	ssyncadd.s32 s4;
	_ =	sdelay $0x1  }
0x19: {  	s24 =	simm.s32 $0x1B8B  }
0x1a: {  	_ =	swait.ge [sflag:s24], $0x1  }
0x1b: {  	[sflag:s24] =	ssyncset.done $0x0  }
0x1c: {  	s26 =	simm.s32 $0x1B8E;
	s25 =	sld [smem:$0x3FFE];
	[sflag:s24] =	ssyncadd.s32 $0xFFFFFFFF  }
0x1d: {  	s27 =	simm.s32 $execute0_lowered;
	[smem:$0x3FD2] =	sst s26  }
0x1e: {  	s5 =	sshll.u32 s27, $0x1;
	_ =	strace $0x80000049;
	[dreg:$0x1] =	wrdreg $0xFFFFFFFF  }
0x1f: {  	s28 =	simm.s32 $_size_execute0_lowered;
	s3 =	sadd.s32 s3, s5;
	[dreg:$0x0] =	wrdreg $0x0  }
0x20: {  	s5 =	sshll.u32 s28, $0x1;
	[dreg:$0x2] =	wrdreg s3  }
0x21: {  	[dreg:$0x3] =	wrdreg s5  }
0x22: {  	[dreg:$0x4] =	wrdreg $0xC0  }
0x23: {  	_ =	task [dreg:s7], $0x5FFFF  }
0x24: {  	[dreg:$0x1] =	wrdreg $0xFFFFFFFF  }
0x25: {  	[dreg:$0x0] =	wrdreg $0x60  }
0x26: {  	[dreg:$0x2] =	wrdreg s25  }
0x27: {  	[dreg:$0x3] =	wrdreg s2  }
0x28: {  	[dreg:$0x4] =	wrdreg $0x9  }
0x29: {  	_ =	task.clear_ibuf [dreg:s7], $0x5FFFF;
	_ =	strace $0x90000049  }
0x2a: {  	s29 =	simm.s32 $0x9;
	_ =	strace $0x8000004B  }
0x2b: {  	_ =	swait.ge [sflag:s29], $0x1  }
0x2c: {  	[sflag:s29] =	ssyncadd.s32 $0xFFFFFFFF  }
0x2d: {  	_ =	strace $0x9000004B  }
0x2e: {  	_ =	sfence  }
0x2f: {  	s30 =	sld [smem:$0x0];
	_ =	sdelay $0x2  }
0x30: {  	s31 =	sshll.u32 s1, $0xD;
	s1 =	sshrl.u32 s1, $0x2  }
0x31: {  	s3 =	sand.u32 $0x4000, s31;
	s1 =	sadd.s32 s1, s30  }
0x32: {  	s0 =	sor.u32 s3, s0;
	s1 =	sshll.u32 s1, $0x11  }
0x33: {  	s0 =	sor.u32 s1, s0  }
0x34: {  	s0 =	sadd.s32 $0x8F2B, s0  }
0x35: {  	[sflag:s0] =	ssyncadd.remote.s32 $0x1  }
0x36: {  	_ =	sfence.sel $0xFFFF  }
0x37: {  	[dreg:$0x0] =	wrdreg $0xFFFFFFFF;
	(pc) =	sbr.abs _section_cstart, $3  }
0x38: {  	[dreg:$0x1] =	wrdreg $0xFFFFFFFF  }
0x39: {  	_ =	task.clear_ibuf [dreg:s7], $0x2FFFF;
	_ =	strace $0x9FFFFFFF  }
0x3a: {  	(tm) =	ssettm $0x7FFFFFFF  }
0x3b: {  	_ =	shalt  }
tec
execute0_lowered:
.L_overlay_start_1:
0x0: {  	(tag) =	ssettag $0x1  }
0x1: {  	s0 =	srdreg.scid  }
0x2: {  	s1 =	sshll.u32 s0, $0x4  }
0x3: {  	s0 =	stileid.u32;
	s1 =	sand.u32 $0x10, s1  }
0x4: {  	s1 =	sor.u32 s0, s1  }
0x5: {  	s6 =	rddreg [dreg:$0x0];
	s4 =	simm.s32 $0x1;
	s2 =	sshll.u32 s1, $0x7  }
0x6: {  	s7 =	simm.s32 $0x2;
	s12 =	simm.s32 $0x0;
	s1 =	ssub.s32 $0x1000, s2  }
0x7: {  	s8 =	simm.s32 $0x8000;
	s13 =	simm.s32 $0x0;
	s3 =	sand.u32 $0xF80, s1  }
0x8: {  	s9 =	simm.s32 $0x0;
	s5 =	sshrl.u32 s1, $0xC;
	p0 =	sne.s32 s3, $0x0  }
.Ltmp0:
0x9: {  	s1 =	rddreg [dreg:$0x2];
	s4 =	simm.s32 @!p0 $0x0;
	(pc) =	sbr.rel .LBB1_1-.Ltmp0, $4  }
0xa: {  	s11 =	simm.s32 $0x0;
	s3 =	rddreg [dreg:$0x1];
	s5 =	sadd.s32 s4, s5  }
0xb: {  	_ =	strace $0x8000004A;
	s4 =	simm.s32 $0x1;
	s5 =	smul.u32 $0xC8, s5  }
0xc: {  	s6 =	sadd.s32 $0xC00, s6;
	s10 =	smov.u32 s2;
	[sflag:s4] =	ssyncpa.u1 $0x0  }
0xd: {  	p0 =	por $0x0, $0x0;
	[sflag:s7] =	ssyncpa.u1 $0x0;
	s7 =	sor.u32 $0x1, s5  }
.LBB1_4:
0xe: {  	s16 =	sshll.u32 s13, $0x3;
	s17 =	sand.u32 $0x78, s13  }
0xf: {  	s30 =	sand.u32 $0x7E00, s13;
	s12 =	sshll.u32 s12, $0xF;
	s16 =	sand.u32 $0xC00, s16  }
0x10: {  	[tilespmem:s15+$0x810 ss:$0x81] =	vst.msk $0xffff, v2;
	s31 =	sand.u32 $0x7, s13;
	s16 =	sor.u32 s17, s16;
	s17 =	sadd.s32 s3, s30  }
0x11: {  	[tilespmem:s15+$0x1020 ss:$0x81] =	vst.msk $0xffff, v0;
	s13 =	sshll.u32 s31, $0x12;
	s12 =	sadd.s32 s12, s17;
	s16 =	sshrl.u32 s16, $0x3  }
0x12: {  	[tilespmem:s15+$0x0 ss:$0x81] =	vst.msk $0xffff, v1;
	s13 =	sor.u32 $0x400, s13;
	s12 =	sadd.s32 s16, s12  }
0x13: {  	[hbm4b:s12+s13] =	stream.strided.scatter [tilespmem:s14], [sflag:$0x2], $0x2000, s8, s13, $0x20;
	[tilespmem:$0x8080] =	vst v63  }
.LBB1_5:
0x14: {  	s14 =	sadd.s32 $0x1, s9  }
0x15: {  	s12 =	sadd.s32 $0x1000, s10;
	s16 =	smov.u32 s10;
	p2 =	sgt.s32 s14, $0xC7  }
0x16: {  	s16 =	smov.u32 @p2 s12  }
0x17: {  	s14 =	simm.s32 @p2 $0x0;
	p2 =	sgt.s32 s16, $0xFFF  }
0x18: {  	s16 =	smov.u32 @p2 s2;
	p2 =	sne.s32 s11, s7  }
.Ltmp1:
0x19: {  	p1 =	slt.u32 s11, $0x2;
	(pc) =	sbr.rel @!p2 .LBB1_6-.Ltmp1, $4  }
0x1a: {  	s15 =	simm.s32 @!p1 $0x2  }
0x1b: {  	s13 =	smov.u32 s10;
	p0 =	por !p0, !p0;
	_ =	swait.ge @!p1 [sflag:s15], $0x2000  }
0x1c: {  	s12 =	smov.u32 s9;
	[sflag:s15] =	ssyncset.done @!p1 $0x0;
	s9 =	smov.u32 s14  }
0x1d: {  	s11 =	sadd.s32 $0x1, s11;
	[sflag:s15] =	ssyncadd.s32 @!p1 $0xFFFFE000;
	s10 =	smov.u32 s16  }
.LBB1_1:
0x1e: {  	p1 =	sge.u32 s11, s5  }
0x1f: {  	s14 =	sand.u32 @!p1 $0x1FFFFFF, s9  }
0x20: {  	s15 =	smulhi.u32 @!p1 $0x147AE15, s14;
	_ =	sdelay $0x1  }
0x21: {  	s15 =	smul.u32 @!p1 $0xC8, s15  }
0x22: {  	s16 =	sxor.u32 @!p1 $0xFFFFFFFF, s11;
	s17 =	smul.u32 @!p1 $0xC80, s10  }
0x23: {  	s31 =	sadd.s32 $0xFFFFFFFF, s11;
	s16 =	sshll.u32 @!p1 s16, $0xD;
	s14 =	ssub.s32 @!p1 s14, s15  }
0x24: {  	s15 =	sand.u32 @!p1 $0x2000, s16;
	s16 =	sadd.s32 @!p1 s6, s17;
	s14 =	sshll.u32 @!p1 s14, $0x4  }
0x25: {  	s17 =	simm.s32 @!p1 $0x6400;
	s14 =	sadd.s32 @!p1 s14, s16;
	s16 =	simm.s32 @!p1 $0x40  }
0x26: {  	[tilespmem:s15], [sflag:$0x1] =	stream.strided.gather @!p1 [hbm4b:s14+s16], $0x2000, s17, s16, $0x38;
	[tilespmem:$0x8080] =	vst v63  }
0x27: {  	p1 =	sge.u32 s31, s5  }
.Ltmp2:
0x28: {  	_ = 	snop;
	(pc) =	sbr.rel @p1 .LBB1_5-.Ltmp2, $1  }
0x29: {  	_ =	sdelay $0x3  }
0x2a: {  	s14 =	simm.s32 $0x1  }
0x2b: {  	_ =	swait.ge [sflag:s4], $0x2000;
	s14 =	simm.s32 @!p0 $0x0  }
0x2c: {  	[sflag:s4] =	ssyncset.done $0x0;
	s15 =	sshll.u32 s14, $0xD  }
0x2d: {  	[sflag:s4] =	ssyncadd.s32 $0xFFFFE000;
	s18 =	sor.u32 $0x20, s15  }
0x2e: {  	s14 =	smul.u32 $0x8100, s14;
	v3 =	vld [tilespmem:s18+$0x10]  }
0x2f: {  	s30 =	sand.u32 $0x1, s11;
	v2 =	vld [tilespmem:s18+$0xFFFFFFF0]  }
0x30: {  	s15 =	smul.u32 $0x8100, s30;
	s14 =	sshrl.u32 s14, $0x2;
	v0 =	vld [tilespmem:s18+$0x0]  }
0x31: {  	v1 =	vld [tilespmem:s18+$0xFFFFFFE0];
	s16 =	sor.u32 $0x4000, s14  }
0x32: {  	s31 =	sshrl.u32 s15, $0x2;
	s15 =	sadd.s32 $0x0, s16  }
0x33: {  	s17 =	simm.s32 $0x4;
	s18 =	sadd.s32 $0x40, s18;
	s14 =	sor.u32 $0x4000, s31;
	[tilespmem:s15+$0x1830 ss:$0x81] =	vst.msk $0xffff, v3  }
.LBB1_3:
0x34: {  	v3 =	vld [tilespmem:s18+$0x10];
	p1 =	sne.s32 s17, $0x1FC;
	[tilespmem:s15+$0x810 ss:$0x81] =	vst.msk $0xffff, v2;
	s19 =	smov.u32 s17;
	s17 =	sadd.s32 $0x4, s17  }
.Ltmp3:
0x35: {  	v2 =	vld [tilespmem:s18+$0xFFFFFFF0];
	[tilespmem:s15+$0x1020 ss:$0x81] =	vst.msk $0xffff, v0;
	(pc) =	sbr.rel @p1 .LBB1_3-.Ltmp3, $4  }
0x36: {  	v0 =	vld [tilespmem:s18+$0x0];
	[tilespmem:s15+$0x0 ss:$0x81] =	vst.msk $0xffff, v1  }
0x37: {  	s15 =	sshra.s32 s19, $0x2;
	v1 =	vld [tilespmem:s18+$0xFFFFFFE0]  }
0x38: {  	s15 =	sadd.s32 s15, s16  }
0x39: {  	s18 =	sadd.s32 $0x40, s18;
	[tilespmem:s15+$0x1830 ss:$0x81] =	vst.msk $0xffff, v3  }
.Ltmp4:
0x3a: {  	_ = 	snop;
	(pc) =	sbr.rel .LBB1_4-.Ltmp4, $1  }
0x3b: {  	_ =	sdelay $0x3  }
.LBB1_6:
0x3c: {  	_ =	sfence.sel $0x180000  }
0x3d: {  	s2 =	simm.s32 $0x1;
	[bflag:$0x0] =	sbarrier.arrive $0xFFFF  }
0x3e: {  	s31 =	simm.s32 $0x2;
	[sflag:s2] =	ssyncpa.u1 $0x1  }
0x3f: {  	[sflag:s31] =	ssyncpa.u1 $0x1  }
0x40: {  	p0 =	sne.s32 s0, $0x0;
	_ =	strace $0x9000004A  }
0x41: {  	s0 =	sadd.s32 @!p0 $0x100000, s1;
	[bflag:$0x2] =	sbarrier.arrive $0xFFFF  }
0x42: {  	[sflag:s0] =	ssyncadd.tile.s32 @!p0 $0x1;
	_ =	shalt  }
.Lfunc_end1:
_tile_overlayer_lowered:
.L_overlay_start_2:
0x43: {  	(tag) =	ssettag $0x2  }
0x44: {  	s0 =	rddreg [dreg:$0x0];
	s2 =	stileid.u32  }
0x45: {  	s1 =	rddreg [dreg:$0x1];
	p0 =	sne.s32 s2, $0x0  }
0x46: {  	s3 =	rddreg [dreg:$0x2];
	[bflag:$0x3] =	sbarrier.arrive $0xFFFF;
	s2 =	simm.s32 @!p0 $0x1C01  }
0x47: {  	[timem:s3], [sflag:s2] =	dma.local @!p0 [hbm:s0], s1  }
0x48: {  	s0 =	simm.s32 @!p0 $0x1  }
0x49: {  	_ =	swait.ge @!p0 [sflag:s0], s1  }
0x4a: {  	s1 =	ssub.s32 @!p0 $0x0, s1;
	[sflag:s0] =	ssyncset.done @!p0 $0x0  }
0x4b: {  	[sflag:s0] =	ssyncadd.s32 @!p0 s1  }
0x4c: {  	[bflag:$0x3] =	sbarrier.arrive $0xFFFF  }
0x4d: {  	_ =	shalt  }

</sc_bundles>
